<compile_context>
chip_gen: v7x
topology: tpu7x:2x2x1
jax: 0.10.2.dev20260603
libtpu: 0.0.44.dev20260713+nightly
codegen_flags: <defaults>
</compile_context>

<pallas_src>
import functools

import jax
import jax.numpy as jnp
from jax import lax
from jax.experimental import pallas as pl
from jax.experimental.pallas import tpu as pltpu
from jax.experimental.pallas import tpu_sc as plsc

H = 2048
W = 2048
T = 640
LPC = 2 * T
GROUPS_A = T // 16
VECS_B = LPC // 16
JROWS = T // 128
NW = 32
L = 16
ROWW = 16
VROWS = H * W * 2 // ROWW
SLAB = 2 * W
HPW = H // NW


def _lanes():
  return lax.iota(jnp.int32, L)


def _splat(x):
  return jnp.broadcast_to(jnp.asarray(x, jnp.int32), (L,))


def _relayout_body(x_hbm, o_hbm, in0, in1, t00, t01,
                   sin0, sin1, sou0, sou1):
  wid = lax.axis_index("s") * 2 + lax.axis_index("c")
  lanes = _lanes()
  lh = (lanes >> 1) + (lanes & 1) * 128
  ins = (in0, in1)
  t0s = (t00, t01)
  sins = (sin0, sin1)
  sous = (sou0, sou1)
  half = H * SLAB

  def off(s):
    return (wid * HPW + s) * SLAB

  def s_in(s, b):
    o = off(s)
    pltpu.async_copy(x_hbm.at[pl.ds(o, SLAB)], ins[b].at[pl.ds(0, SLAB)],
                     sins[b])
    ho = lax.rem(o + SLAB, H * SLAB)
    pltpu.async_copy(x_hbm.at[pl.ds(ho, 256)],
                     ins[b].at[pl.ds(SLAB, 256)], sins[b])

  def s_in_wait(s, b):
    o = off(s)
    pltpu.make_async_copy(x_hbm.at[pl.ds(o, SLAB)],
                          ins[b].at[pl.ds(0, SLAB)], sins[b]).wait()
    ho = lax.rem(o + SLAB, H * SLAB)
    pltpu.make_async_copy(x_hbm.at[pl.ds(ho, 256)],
                          ins[b].at[pl.ds(SLAB, 256)], sins[b]).wait()

  def do(s, b):
    s_in_wait(s, b)

    @pl.when(s >= 2)
    def _():
      pltpu.make_async_copy(t0s[b].at[pl.ds(0, SLAB)],
                            o_hbm.at[pl.ds(off(s - 2), SLAB)],
                            sous[b]).wait()
      pltpu.make_async_copy(t0s[b].at[pl.ds(8, SLAB)],
                            o_hbm.at[pl.ds(half + off(s - 2), SLAB)],
                            sous[b]).wait()

    def shuf(q, _):
      idx = _splat((q >> 4) * 256 + (q & 15) * 8) + lh
      t0s[b][pl.ds(q * 16, 16)] = plsc.load_gather(ins[b], [idx])
      return _

    lax.fori_loop(0, SLAB // 16, shuf, None)
    t0s[b][pl.ds(SLAB, 16)] = plsc.load_gather(ins[b], [_splat(SLAB) + lh])
    pltpu.async_copy(t0s[b].at[pl.ds(0, SLAB)],
                     o_hbm.at[pl.ds(off(s), SLAB)], sous[b])
    pltpu.async_copy(t0s[b].at[pl.ds(8, SLAB)],
                     o_hbm.at[pl.ds(half + off(s), SLAB)], sous[b])

  s_in(0, 0)
  s_in(1, 1)

  def step(kk, _):
    for b in (0, 1):
      s = 2 * kk + b
      do(s, b)

      @pl.when(s + 2 < HPW)
      def _():
        s_in(s + 2, b)
    return _

  lax.fori_loop(0, HPW // 2, step, None)
  for b in (0, 1):
    s = HPW - 2 + b
    pltpu.make_async_copy(t0s[b].at[pl.ds(0, SLAB)],
                          o_hbm.at[pl.ds(off(s), SLAB)], sous[b]).wait()
    pltpu.make_async_copy(t0s[b].at[pl.ds(8, SLAB)],
                          o_hbm.at[pl.ds(half + off(s), SLAB)],
                          sous[b]).wait()


def _sc_body(idx_hbm, ch1_hbm, ch2_hbm, table_hbm, out_hbm,
             idxraw0, idxraw1, c1b0, c1b1, c2b0, c2b1,
             ib0, ib1, gb0, gb1, accv,
             sin0, sin1, sg0, sg1, nchunks):
  wid = lax.axis_index("s") * 2 + lax.axis_index("c")
  nt = (nchunks - wid + NW - 1) // NW
  lanes = _lanes()
  idxraws = (idxraw0, idxraw1)
  c1bs = (c1b0, c1b1)
  c2bs = (c2b0, c2b1)
  ibs = (ib0, ib1)
  gbs = (gb0, gb1)
  sins = (sin0, sin1)
  sgs = (sg0, sg1)

  def chunk_off(t):
    return (wid + NW * t) * LPC

  def s_in(t, b):
    off = chunk_off(t)
    pltpu.async_copy(idx_hbm.at[pl.ds(off, LPC)], idxraws[b], sins[b])
    pltpu.async_copy(ch1_hbm.at[pl.ds(off, LPC)], c1bs[b], sins[b])
    pltpu.async_copy(ch2_hbm.at[pl.ds(off, LPC)], c2bs[b], sins[b])

  def s_idx(t, b):
    off = chunk_off(t)
    pltpu.make_async_copy(idx_hbm.at[pl.ds(off, LPC)], idxraws[b],
                          sins[b]).wait()
    pltpu.make_async_copy(ch1_hbm.at[pl.ds(off, LPC)], c1bs[b],
                          sins[b]).wait()
    pltpu.make_async_copy(ch2_hbm.at[pl.ds(off, LPC)], c2bs[b],
                          sins[b]).wait()

    def build(u, _):
      offr = (u >> 3) * 256 + (u & 7) * 16
      r = idxraws[b][pl.ds(offr, 16)]
      c = idxraws[b][pl.ds(offr + 128, 16)]
      base = r * W + c
      a8 = base & 7
      stra = (a8 == 7).astype(jnp.int32)
      toff = stra * VROWS
      eb = jnp.where(a8 == 7, 6, a8 * 2)
      qt = lax.shift_right_logical(base - W, 3) + toff
      qb = lax.shift_right_logical(base, 3) + toff
      q = _splat(u >> 3)
      o = _splat((u & 7) << 4) + lanes
      plsc.store_scatter(ibs[b], [_splat(0), q, o], qt)
      plsc.store_scatter(ibs[b], [_splat(1), q, o], qb)
      plsc.store_scatter(ibs[b], [_splat(2), q, o], eb)
      return _

    lax.fori_loop(0, GROUPS_A, build, None)
    for k in range(2):
      for j in range(JROWS):
        pltpu.async_copy(table_hbm.at[ibs[b].at[k, j]], gbs[b].at[k, j],
                         sgs[b])

  def s_cmp(t, b):
    for k in range(2):
      for j in range(JROWS):
        pltpu.make_async_copy(table_hbm.at[ibs[b].at[k, j]],
                              gbs[b].at[k, j], sgs[b]).wait()

    def compute(v, acc):
      jv = _splat(v >> 4)
      rowp = _splat((v & 7) << 4) + lanes
      comp = _splat((v >> 3) & 1)
      eb = plsc.load_gather(ibs[b], [_splat(2), jv, rowp])
      e01 = eb + comp
      e23 = e01 + 2
      p0 = plsc.load_gather(gbs[b], [_splat(0), jv, rowp, e01])
      p3 = plsc.load_gather(gbs[b], [_splat(0), jv, rowp, e23])
      p1 = plsc.load_gather(gbs[b], [_splat(1), jv, rowp, e01])
      p2 = plsc.load_gather(gbs[b], [_splat(1), jv, rowp, e23])
      c1v = c1bs[b][pl.ds(v * 16, 16)]
      c2v = c2bs[b][pl.ds(v * 16, 16)]
      tt = c2v - p1
      ca = 1.5 * (p1 - p2) + 0.5 * (p3 - p0)
      cb = p0 - 2.5 * p1 + 2.0 * p2 - 0.5 * p3
      cc = 0.5 * (p2 - p0)
      mapped = ((ca * tt + cb) * tt + cc) * tt + p1
      d = c1v - mapped
      return acc + d * d

    local = lax.fori_loop(0, VECS_B, compute,
                          jnp.zeros((L,), jnp.float32))
    accv[...] = accv[...] + local

  accv[...] = jnp.zeros((L,), jnp.float32)

  s_in(0, 0)

  @pl.when(nt > 1)
  def _():
    s_in(1, 1)

  s_idx(0, 0)

  def step(kk, _):
    for b in (0, 1):
      t = 2 * kk + b

      @pl.when(t + 1 < nt)
      def _():
        s_idx(t + 1, 1 - b)

      @pl.when(t < nt)
      def _():
        s_cmp(t, b)

      @pl.when(t + 2 < nt)
      def _():
        s_in(t + 2, b)
    return _

  kmax = (nchunks // NW + 2) // 2 + 1
  lax.fori_loop(0, kmax, step, None)

  pltpu.sync_copy(accv, out_hbm.at[wid])


_SC_PARAMS = pltpu.CompilerParams(
    use_tc_tiling_on_sc=False,
    needs_layout_passes=False,
)


def _make_relayout_call():
  mesh = plsc.VectorSubcoreMesh(core_axis_name="c", subcore_axis_name="s")
  return pl.kernel(
      _relayout_body,
      out_type=jax.ShapeDtypeStruct((2 * H * W * 2,), jnp.float32),
      mesh=mesh,
      scratch_types=[
          pltpu.VMEM((SLAB + 256,), jnp.float32),
          pltpu.VMEM((SLAB + 256,), jnp.float32),
          pltpu.VMEM((SLAB + 16,), jnp.float32),
          pltpu.VMEM((SLAB + 16,), jnp.float32),
          pltpu.SemaphoreType.DMA,
          pltpu.SemaphoreType.DMA,
          pltpu.SemaphoreType.DMA,
          pltpu.SemaphoreType.DMA,
      ],
      compiler_params=_SC_PARAMS,
  )


def _make_sc_call(n_points):
  nchunks = n_points // T
  mesh = plsc.VectorSubcoreMesh(core_axis_name="c", subcore_axis_name="s")
  body = functools.partial(_sc_body, nchunks=nchunks)
  return pl.kernel(
      body,
      out_type=jax.ShapeDtypeStruct((NW, L), jnp.float32),
      mesh=mesh,
      scratch_types=[
          pltpu.VMEM((LPC,), jnp.int32),
          pltpu.VMEM((LPC,), jnp.int32),
          pltpu.VMEM((LPC,), jnp.float32),
          pltpu.VMEM((LPC,), jnp.float32),
          pltpu.VMEM((LPC,), jnp.float32),
          pltpu.VMEM((LPC,), jnp.float32),
          pltpu.VMEM((3, JROWS, 128), jnp.int32),
          pltpu.VMEM((3, JROWS, 128), jnp.int32),
          pltpu.VMEM((2, JROWS, 128, ROWW), jnp.float32),
          pltpu.VMEM((2, JROWS, 128, ROWW), jnp.float32),
          pltpu.VMEM((L,), jnp.float32),
          pltpu.SemaphoreType.DMA,
          pltpu.SemaphoreType.DMA,
          pltpu.SemaphoreType.DMA,
          pltpu.SemaphoreType.DMA,
      ],
      compiler_params=_SC_PARAMS,
  )


@jax.jit
def kernel(ch1, ch2, CP_locs, CP_idx):
  n = ch1.shape[0]
  nb = n // 128
  ch1f = ch1.reshape(nb, 128, 2).transpose(0, 2, 1).reshape(-1)
  ch2f = ch2.reshape(nb, 128, 2).transpose(0, 2, 1).reshape(-1)
  idxf = CP_idx.reshape(nb, 128, 2).transpose(0, 2, 1).reshape(-1)
  xf = CP_locs.reshape(H, W // 128, 128, 2).transpose(0, 1, 3, 2)
  xf = xf.reshape(-1)
  table = _make_relayout_call()(xf).reshape(2 * VROWS, ROWW)
  partials = _make_sc_call(n)(idxf, ch1f, ch2f, table)
  return 0.5 * jnp.sum(partials) / n

# --- scband reference (transcript-rebuilt; emitter-appended) ---
"""Pipeline reference for scband-catmull-rom-splines-85993835201257 (READ-ONLY COPY).

The authoritative reference and input builder live on the scoring server;
editing this copy changes nothing except your own understanding.
"""

import jax, jax.numpy as jnp
import numpy as np

N = 2_000_000
H = 2048
W = 2048


def setup_inputs(seed: int = 0) -> dict:
    key = jax.random.key(seed)
    k1, k2, k3, k4 = jax.random.split(key, 4)
    # Control-point grid (trainable parameter of the module)
    CP_locs = jax.random.normal(k1, (H, W, 2), dtype=jnp.float32)
    # Grid-cell index per localization. Row index must be >= 1 (offset [-1, 0] used),
    # col index must be <= W-2 (offset [0, +1] used).
    raw = jax.random.randint(k2, (N, 2), 0, 2046, dtype=jnp.int32)
    CP_idx = jnp.stack([raw[:, 0] + 1, raw[:, 1]], axis=1)  # row in [1, 2046], col in [0, 2045]
    ch2 = jax.random.uniform(k3, (N, 2), dtype=jnp.float32)
    ch1 = jax.random.normal(k4, (N, 2), dtype=jnp.float32)
    return {"ch1": ch1, "ch2": ch2, "CP_locs": CP_locs, "CP_idx": CP_idx}


def _gather_nd(CP_locs, CP_idx, offset):
    idx = CP_idx + jnp.asarray(offset, dtype=CP_idx.dtype)
    return CP_locs[idx[:, 0], idx[:, 1]]  # [N, 2]


def reference(ch1, ch2, CP_locs, CP_idx):
    # Catmull-Rom basis matrix (non-trainable constant)
    A = jnp.array([[-0.5, 1.5, -1.5, 0.5],
                   [1.0, -2.5, 2.0, -0.5],
                   [-0.5, 0.0, 0.5, 0.0],
                   [0.0, 1.0, 0.0, 0.0]], dtype=jnp.float32)
    # Four gathered control points per localization (as in __init__: self.CP_ch2)
    CP_ch2 = jnp.stack([
        _gather_nd(CP_locs, CP_idx, [-1, 0]),
        _gather_nd(CP_locs, CP_idx, [0, 0]),
        _gather_nd(CP_locs, CP_idx, [0, 1]),
        _gather_nd(CP_locs, CP_idx, [-1, 1]),
    ], axis=0)  # [4, N, 2]
    # transform_vec
    CP_corners = _gather_nd(CP_locs, CP_idx, [0, 0])  # [N, 2]
    r = ch2 - CP_corners  # [N, 2]
    r_mat = jnp.stack([r ** 3, r ** 2, r, jnp.ones_like(r)], axis=0)  # [4, N, 2]
    # x1 = A @ CP_ch2 applied per point/axis (original tf.matmul shapes are inconsistent;
    # this is the mathematically intended spline evaluation)
    x1 = jnp.einsum('kj,jnd->knd', A, CP_ch2)  # [4, N, 2]
    ch2_mapped = jnp.einsum('knd,knd->nd', r_mat, x1)  # [N, 2]
    # Rel_entropy is external/undefined in the snippet; faithful stand-in:
    # Gaussian log-likelihood of matched localization pairs.
    rel_ent = 0.5 * jnp.mean(jnp.sum((ch1 - ch2_mapped) ** 2, axis=-1))
    return rel_ent

if __name__ == "__main__":
    import jax
    _d = setup_inputs()
    print(jax.jit(kernel)(*tuple(_d.values())))

</pallas_src>

<mosaic_0001>
#map = affine_map<(d0, d1) -> (0)>
module attributes {stable_mosaic.version = 14 : i64} {
  func.func @_relayout_body(%arg0: i32, %arg1: i32, %arg2: memref<8388608xf32, #tpu.memory_space<hbm>>, %arg3: memref<16777216xf32, #tpu.memory_space<hbm>>, %arg4: memref<4352xf32, #tpu.memory_space<vmem>>, %arg5: memref<4352xf32, #tpu.memory_space<vmem>>, %arg6: memref<4112xf32, #tpu.memory_space<vmem>>, %arg7: memref<4112xf32, #tpu.memory_space<vmem>>, %arg8: memref<!tpu.dma_semaphore, #tpu.memory_space<semaphore_mem>>, %arg9: memref<!tpu.dma_semaphore, #tpu.memory_space<semaphore_mem>>, %arg10: memref<!tpu.dma_semaphore, #tpu.memory_space<semaphore_mem>>, %arg11: memref<!tpu.dma_semaphore, #tpu.memory_space<semaphore_mem>>) attributes {dimension_semantics = [#tpu.dimension_semantics<core_parallel>, #tpu.dimension_semantics<subcore_parallel>], iteration_bounds = array<i64: 2, 16>, scalar_prefetch = 0 : i64, scratch_operands = 8 : i64, tpu.core_type = #tpu.core_type<sc_vector_subcore>, window_params = [{transform_indices = #map}, {transform_indices = #map}]} {
    %mul3A = arith.constant 2 : i32
    %mul3A_0 = arith.muli %arg1, %mul3A : i32
    %add3A = arith.addi %mul3A_0, %arg0 : i32
    %iota3A = tpu.iota {dimensions = array<i32: 0>} : vector<16xi32>
    %shift_right_arithmetic3A = arith.constant 1 : i32
    %shift_right_arithmetic3A_1 = vector.broadcast %shift_right_arithmetic3A : i32 to vector<16xi32>
    %shift_right_arithmetic3A_2 = arith.shrsi %iota3A, %shift_right_arithmetic3A_1 : vector<16xi32>
    %and3A = arith.constant 1 : i32
    %and3A_3 = vector.broadcast %and3A : i32 to vector<16xi32>
    %and3A_4 = arith.andi %iota3A, %and3A_3 : vector<16xi32>
    %mul3A_5 = arith.constant 128 : i32
    %mul3A_6 = vector.broadcast %mul3A_5 : i32 to vector<16xi32>
    %mul3A_7 = arith.muli %and3A_4, %mul3A_6 : vector<16xi32>
    %add3A_8 = arith.addi %shift_right_arithmetic3A_2, %mul3A_7 : vector<16xi32>
    %mul3A_9 = arith.constant 64 : i32
    %mul3A_10 = arith.muli %add3A, %mul3A_9 : i32
    %add3A_11 = arith.constant 0 : i32
    %add3A_12 = arith.addi %mul3A_10, %add3A_11 : i32
    %mul3A_13 = arith.constant 4096 : i32
    %mul3A_14 = arith.muli %add3A_12, %mul3A_13 : i32
    %dma_start3A = arith.constant 0 : i32
    %dma_start3A_15 = tpu.memref_slice %arg4[%dma_start3A] : memref<4352xf32, #tpu.memory_space<vmem>> -> memref<4096xf32, #tpu.memory_space<vmem>>
    %dma_start3A_16 = tpu.memref_slice %arg2[%mul3A_14] : memref<8388608xf32, #tpu.memory_space<hbm>> -> memref<4096xf32, #tpu.memory_space<hbm>>
    %dma_start3A_17 = arith.constant 0 : i32
    %dma_start3A_18 = tpu.memref_slice %arg4[%dma_start3A_17] : memref<4352xf32, #tpu.memory_space<vmem>> -> memref<4096xf32, #tpu.memory_space<vmem>>
    %dma_start3A_19 = tpu.memref_slice %arg2[%mul3A_14] : memref<8388608xf32, #tpu.memory_space<hbm>> -> memref<4096xf32, #tpu.memory_space<hbm>>
    tpu.enqueue_dma source(%dma_start3A_19 : memref<4096xf32, #tpu.memory_space<hbm>>) target(%dma_start3A_18 : memref<4096xf32, #tpu.memory_space<vmem>>) target_semaphore(%arg8 : memref<!tpu.dma_semaphore, #tpu.memory_space<semaphore_mem>>)
    %add3A_20 = arith.constant 4096 : i32
    %add3A_21 = arith.addi %mul3A_14, %add3A_20 : i32
    %rem3A = arith.constant 8388608 : i32
    %rem3A_22 = arith.remsi %add3A_21, %rem3A : i32
    %dma_start3A_23 = arith.constant 4096 : i32
    %dma_start3A_24 = tpu.memref_slice %arg4[%dma_start3A_23] : memref<4352xf32, #tpu.memory_space<vmem>> -> memref<256xf32, #tpu.memory_space<vmem>>
    %dma_start3A_25 = tpu.memref_slice %arg2[%rem3A_22] : memref<8388608xf32, #tpu.memory_space<hbm>> -> memref<256xf32, #tpu.memory_space<hbm>>
    %dma_start3A_26 = arith.constant 4096 : i32
    %dma_start3A_27 = tpu.memref_slice %arg4[%dma_start3A_26] : memref<4352xf32, #tpu.memory_space<vmem>> -> memref<256xf32, #tpu.memory_space<vmem>>
    %dma_start3A_28 = tpu.memref_slice %arg2[%rem3A_22] : memref<8388608xf32, #tpu.memory_space<hbm>> -> memref<256xf32, #tpu.memory_space<hbm>>
    tpu.enqueue_dma source(%dma_start3A_28 : memref<256xf32, #tpu.memory_space<hbm>>) target(%dma_start3A_27 : memref<256xf32, #tpu.memory_space<vmem>>) target_semaphore(%arg8 : memref<!tpu.dma_semaphore, #tpu.memory_space<semaphore_mem>>)
    %mul3A_29 = arith.constant 64 : i32
    %mul3A_30 = arith.muli %add3A, %mul3A_29 : i32
    %add3A_31 = arith.constant 1 : i32
    %add3A_32 = arith.addi %mul3A_30, %add3A_31 : i32
    %mul3A_33 = arith.constant 4096 : i32
    %mul3A_34 = arith.muli %add3A_32, %mul3A_33 : i32
    %dma_start3A_35 = arith.constant 0 : i32
    %dma_start3A_36 = tpu.memref_slice %arg5[%dma_start3A_35] : memref<4352xf32, #tpu.memory_space<vmem>> -> memref<4096xf32, #tpu.memory_space<vmem>>
    %dma_start3A_37 = tpu.memref_slice %arg2[%mul3A_34] : memref<8388608xf32, #tpu.memory_space<hbm>> -> memref<4096xf32, #tpu.memory_space<hbm>>
    %dma_start3A_38 = arith.constant 0 : i32
    %dma_start3A_39 = tpu.memref_slice %arg5[%dma_start3A_38] : memref<4352xf32, #tpu.memory_space<vmem>> -> memref<4096xf32, #tpu.memory_space<vmem>>
    %dma_start3A_40 = tpu.memref_slice %arg2[%mul3A_34] : memref<8388608xf32, #tpu.memory_space<hbm>> -> memref<4096xf32, #tpu.memory_space<hbm>>
    tpu.enqueue_dma source(%dma_start3A_40 : memref<4096xf32, #tpu.memory_space<hbm>>) target(%dma_start3A_39 : memref<4096xf32, #tpu.memory_space<vmem>>) target_semaphore(%arg9 : memref<!tpu.dma_semaphore, #tpu.memory_space<semaphore_mem>>)
    %add3A_41 = arith.constant 4096 : i32
    %add3A_42 = arith.addi %mul3A_34, %add3A_41 : i32
    %rem3A_43 = arith.constant 8388608 : i32
    %rem3A_44 = arith.remsi %add3A_42, %rem3A_43 : i32
    %dma_start3A_45 = arith.constant 4096 : i32
    %dma_start3A_46 = tpu.memref_slice %arg5[%dma_start3A_45] : memref<4352xf32, #tpu.memory_space<vmem>> -> memref<256xf32, #tpu.memory_space<vmem>>
    %dma_start3A_47 = tpu.memref_slice %arg2[%rem3A_44] : memref<8388608xf32, #tpu.memory_space<hbm>> -> memref<256xf32, #tpu.memory_space<hbm>>
    %dma_start3A_48 = arith.constant 4096 : i32
    %dma_start3A_49 = tpu.memref_slice %arg5[%dma_start3A_48] : memref<4352xf32, #tpu.memory_space<vmem>> -> memref<256xf32, #tpu.memory_space<vmem>>
    %dma_start3A_50 = tpu.memref_slice %arg2[%rem3A_44] : memref<8388608xf32, #tpu.memory_space<hbm>> -> memref<256xf32, #tpu.memory_space<hbm>>
    tpu.enqueue_dma source(%dma_start3A_50 : memref<256xf32, #tpu.memory_space<hbm>>) target(%dma_start3A_49 : memref<256xf32, #tpu.memory_space<vmem>>) target_semaphore(%arg9 : memref<!tpu.dma_semaphore, #tpu.memory_space<semaphore_mem>>)
    %scan3A = arith.constant 0 : i32
    %scan3A_51 = arith.constant 32 : i32
    %scan3A_52 = arith.addi %scan3A, %scan3A_51 : i32
    %scan3A_53 = arith.constant 1 : i32
    scf.for %scan3A_106 = %scan3A to %scan3A_52 step %scan3A_53  : i32 {
      %mul3A_107 = arith.constant 2 : i32
      %mul3A_108 = arith.muli %mul3A_107, %scan3A_106 : i32
      %add3A_109 = arith.constant 0 : i32
      %add3A_110 = arith.addi %mul3A_108, %add3A_109 : i32
      %mul3A_111 = arith.constant 64 : i32
      %mul3A_112 = arith.muli %add3A, %mul3A_111 : i32
      %add3A_113 = arith.addi %mul3A_112, %add3A_110 : i32
      %mul3A_114 = arith.constant 4096 : i32
      %mul3A_115 = arith.muli %add3A_113, %mul3A_114 : i32
      %dma_wait3A_116 = arith.constant 0 : i32
      %dma_wait3A_117 = tpu.memref_slice %arg4[%dma_wait3A_116] : memref<4352xf32, #tpu.memory_space<vmem>> -> memref<4096xf32, #tpu.memory_space<vmem>>
      %dma_wait3A_118 = tpu.memref_slice %arg2[%mul3A_115] : memref<8388608xf32, #tpu.memory_space<hbm>> -> memref<4096xf32, #tpu.memory_space<hbm>>
      %dma_wait3A_119 = arith.constant 0 : i32
      %dma_wait3A_120 = tpu.memref_slice %arg4[%dma_wait3A_119] : memref<4352xf32, #tpu.memory_space<vmem>> -> memref<4096xf32, #tpu.memory_space<vmem>>
      %dma_wait3A_121 = tpu.memref_slice %arg2[%mul3A_115] : memref<8388608xf32, #tpu.memory_space<hbm>> -> memref<4096xf32, #tpu.memory_space<hbm>>
      tpu.wait_dma2 semaphore(%arg8 : memref<!tpu.dma_semaphore, #tpu.memory_space<semaphore_mem>>) src(%dma_wait3A_121 : memref<4096xf32, #tpu.memory_space<hbm>>) dst(%dma_wait3A_120 : memref<4096xf32, #tpu.memory_space<vmem>>)
      %add3A_122 = arith.constant 4096 : i32
      %add3A_123 = arith.addi %mul3A_115, %add3A_122 : i32
      %rem3A_124 = arith.constant 8388608 : i32
      %rem3A_125 = arith.remsi %add3A_123, %rem3A_124 : i32
      %dma_wait3A_126 = arith.constant 4096 : i32
      %dma_wait3A_127 = tpu.memref_slice %arg4[%dma_wait3A_126] : memref<4352xf32, #tpu.memory_space<vmem>> -> memref<256xf32, #tpu.memory_space<vmem>>
      %dma_wait3A_128 = tpu.memref_slice %arg2[%rem3A_125] : memref<8388608xf32, #tpu.memory_space<hbm>> -> memref<256xf32, #tpu.memory_space<hbm>>
      %dma_wait3A_129 = arith.constant 4096 : i32
      %dma_wait3A_130 = tpu.memref_slice %arg4[%dma_wait3A_129] : memref<4352xf32, #tpu.memory_space<vmem>> -> memref<256xf32, #tpu.memory_space<vmem>>
      %dma_wait3A_131 = tpu.memref_slice %arg2[%rem3A_125] : memref<8388608xf32, #tpu.memory_space<hbm>> -> memref<256xf32, #tpu.memory_space<hbm>>
      tpu.wait_dma2 semaphore(%arg8 : memref<!tpu.dma_semaphore, #tpu.memory_space<semaphore_mem>>) src(%dma_wait3A_131 : memref<256xf32, #tpu.memory_space<hbm>>) dst(%dma_wait3A_130 : memref<256xf32, #tpu.memory_space<vmem>>)
      %ge3A = arith.constant 2 : i32
      %ge3A_132 = arith.cmpi sge, %add3A_110, %ge3A : i32
      %convert_element_type3A = arith.extui %ge3A_132 : i1 to i32
      %cond3A = arith.constant 0 : i32
      %cond3A_133 = arith.cmpi ne, %convert_element_type3A, %cond3A : i32
      scf.if %cond3A_133 {
        %sub3A = arith.constant 2 : i32
        %sub3A_244 = arith.subi %add3A_110, %sub3A : i32
        %mul3A_245 = arith.constant 64 : i32
        %mul3A_246 = arith.muli %add3A, %mul3A_245 : i32
        %add3A_247 = arith.addi %mul3A_246, %sub3A_244 : i32
        %mul3A_248 = arith.constant 4096 : i32
        %mul3A_249 = arith.muli %add3A_247, %mul3A_248 : i32
        %dma_wait3A_250 = arith.constant 0 : i32
        %dma_wait3A_251 = tpu.memref_slice %arg6[%dma_wait3A_250] : memref<4112xf32, #tpu.memory_space<vmem>> -> memref<4096xf32, #tpu.memory_space<vmem>>
        %dma_wait3A_252 = tpu.memref_slice %arg3[%mul3A_249] : memref<16777216xf32, #tpu.memory_space<hbm>> -> memref<4096xf32, #tpu.memory_space<hbm>>
        %dma_wait3A_253 = tpu.memref_slice %arg3[%mul3A_249] : memref<16777216xf32, #tpu.memory_space<hbm>> -> memref<4096xf32, #tpu.memory_space<hbm>>
        %dma_wait3A_254 = arith.constant 0 : i32
        %dma_wait3A_255 = tpu.memref_slice %arg6[%dma_wait3A_254] : memref<4112xf32, #tpu.memory_space<vmem>> -> memref<4096xf32, #tpu.memory_space<vmem>>
        tpu.wait_dma2 semaphore(%arg10 : memref<!tpu.dma_semaphore, #tpu.memory_space<semaphore_mem>>) src(%dma_wait3A_255 : memref<4096xf32, #tpu.memory_space<vmem>>) dst(%dma_wait3A_253 : memref<4096xf32, #tpu.memory_space<hbm>>)
        %sub3A_256 = arith.constant 2 : i32
        %sub3A_257 = arith.subi %add3A_110, %sub3A_256 : i32
        %mul3A_258 = arith.constant 64 : i32
        %mul3A_259 = arith.muli %add3A, %mul3A_258 : i32
        %add3A_260 = arith.addi %mul3A_259, %sub3A_257 : i32
        %mul3A_261 = arith.constant 4096 : i32
        %mul3A_262 = arith.muli %add3A_260, %mul3A_261 : i32
        %add3A_263 = arith.constant 8388608 : i32
        %add3A_264 = arith.addi %add3A_263, %mul3A_262 : i32
        %dma_wait3A_265 = arith.constant 8 : i32
        %dma_wait3A_266 = tpu.memref_slice %arg6[%dma_wait3A_265] : memref<4112xf32, #tpu.memory_space<vmem>> -> memref<4096xf32, #tpu.memory_space<vmem>>
        %dma_wait3A_267 = tpu.memref_slice %arg3[%add3A_264] : memref<16777216xf32, #tpu.memory_space<hbm>> -> memref<4096xf32, #tpu.memory_space<hbm>>
        %dma_wait3A_268 = tpu.memref_slice %arg3[%add3A_264] : memref<16777216xf32, #tpu.memory_space<hbm>> -> memref<4096xf32, #tpu.memory_space<hbm>>
        %dma_wait3A_269 = arith.constant 8 : i32
        %dma_wait3A_270 = tpu.memref_slice %arg6[%dma_wait3A_269] : memref<4112xf32, #tpu.memory_space<vmem>> -> memref<4096xf32, #tpu.memory_space<vmem>>
        tpu.wait_dma2 semaphore(%arg10 : memref<!tpu.dma_semaphore, #tpu.memory_space<semaphore_mem>>) src(%dma_wait3A_270 : memref<4096xf32, #tpu.memory_space<vmem>>) dst(%dma_wait3A_268 : memref<4096xf32, #tpu.memory_space<hbm>>)
      } else {
      }
      %scan3A_134 = arith.constant 0 : i32
      %scan3A_135 = arith.constant 256 : i32
      %scan3A_136 = arith.addi %scan3A_134, %scan3A_135 : i32
      %scan3A_137 = arith.constant 1 : i32
      scf.for %scan3A_244 = %scan3A_134 to %scan3A_136 step %scan3A_137  : i32 {
        %shift_right_arithmetic3A_245 = arith.constant 4 : i32
        %shift_right_arithmetic3A_246 = arith.shrsi %scan3A_244, %shift_right_arithmetic3A_245 : i32
        %mul3A_247 = arith.constant 256 : i32
        %mul3A_248 = arith.muli %shift_right_arithmetic3A_246, %mul3A_247 : i32
        %and3A_249 = arith.constant 15 : i32
        %and3A_250 = arith.andi %scan3A_244, %and3A_249 : i32
        %mul3A_251 = arith.constant 8 : i32
        %mul3A_252 = arith.muli %and3A_250, %mul3A_251 : i32
        %add3A_253 = arith.addi %mul3A_248, %mul3A_252 : i32
        %broadcast_in_dim3A_254 = vector.broadcast %add3A_253 : i32 to vector<16xi32>
        %add3A_255 = arith.addi %broadcast_in_dim3A_254, %add3A_8 : vector<16xi32>
        %gather3A_256 = tpu.vector_load_idx %arg4[%add3A_255] : memref<4352xf32, #tpu.memory_space<vmem>>[vector<16xi32>], vector<16xf32>,
        %mul3A_257 = arith.constant 16 : i32
        %mul3A_258 = arith.muli %scan3A_244, %mul3A_257 : i32
        %swap3A_259 = arith.index_cast %mul3A_258 : i32 to index
        %swap3A_260 = tpu.vector_load %arg6[%swap3A_259] {strides = array<i32>} : memref<4112xf32, #tpu.memory_space<vmem>>, vector<16xf32>,
        tpu.vector_store %arg6[%swap3A_259], %gather3A_256 {strides = array<i32>} : memref<4112xf32, #tpu.memory_space<vmem>>, vector<16xf32>,
      }
      %scan3A_138 = arith.constant 256 : i32
      %broadcast_in_dim3A = arith.constant 4096 : i32
      %broadcast_in_dim3A_139 = vector.broadcast %broadcast_in_dim3A : i32 to vector<16xi32>
      %add3A_140 = arith.addi %broadcast_in_dim3A_139, %add3A_8 : vector<16xi32>
      %gather3A = tpu.vector_load_idx %arg4[%add3A_140] : memref<4352xf32, #tpu.memory_space<vmem>>[vector<16xi32>], vector<16xf32>,
      %swap3A = arith.constant 4096 : index
      %swap3A_141 = tpu.vector_load %arg6[%swap3A] {strides = array<i32>} : memref<4112xf32, #tpu.memory_space<vmem>>, vector<16xf32>,
      tpu.vector_store %arg6[%swap3A], %gather3A {strides = array<i32>} : memref<4112xf32, #tpu.memory_space<vmem>>, vector<16xf32>,
      %mul3A_142 = arith.constant 64 : i32
      %mul3A_143 = arith.muli %add3A, %mul3A_142 : i32
      %add3A_144 = arith.addi %mul3A_143, %add3A_110 : i32
      %mul3A_145 = arith.constant 4096 : i32
      %mul3A_146 = arith.muli %add3A_144, %mul3A_145 : i32
      %dma_start3A_147 = arith.constant 0 : i32
      %dma_start3A_148 = tpu.memref_slice %arg6[%dma_start3A_147] : memref<4112xf32, #tpu.memory_space<vmem>> -> memref<4096xf32, #tpu.memory_space<vmem>>
      %dma_start3A_149 = tpu.memref_slice %arg3[%mul3A_146] : memref<16777216xf32, #tpu.memory_space<hbm>> -> memref<4096xf32, #tpu.memory_space<hbm>>
      %dma_start3A_150 = tpu.memref_slice %arg3[%mul3A_146] : memref<16777216xf32, #tpu.memory_space<hbm>> -> memref<4096xf32, #tpu.memory_space<hbm>>
      %dma_start3A_151 = arith.constant 0 : i32
      %dma_start3A_152 = tpu.memref_slice %arg6[%dma_start3A_151] : memref<4112xf32, #tpu.memory_space<vmem>> -> memref<4096xf32, #tpu.memory_space<vmem>>
      tpu.enqueue_dma source(%dma_start3A_152 : memref<4096xf32, #tpu.memory_space<vmem>>) target(%dma_start3A_150 : memref<4096xf32, #tpu.memory_space<hbm>>) target_semaphore(%arg10 : memref<!tpu.dma_semaphore, #tpu.memory_space<semaphore_mem>>)
      %mul3A_153 = arith.constant 64 : i32
      %mul3A_154 = arith.muli %add3A, %mul3A_153 : i32
      %add3A_155 = arith.addi %mul3A_154, %add3A_110 : i32
      %mul3A_156 = arith.constant 4096 : i32
      %mul3A_157 = arith.muli %add3A_155, %mul3A_156 : i32
      %add3A_158 = arith.constant 8388608 : i32
      %add3A_159 = arith.addi %add3A_158, %mul3A_157 : i32
      %dma_start3A_160 = arith.constant 8 : i32
      %dma_start3A_161 = tpu.memref_slice %arg6[%dma_start3A_160] : memref<4112xf32, #tpu.memory_space<vmem>> -> memref<4096xf32, #tpu.memory_space<vmem>>
      %dma_start3A_162 = tpu.memref_slice %arg3[%add3A_159] : memref<16777216xf32, #tpu.memory_space<hbm>> -> memref<4096xf32, #tpu.memory_space<hbm>>
      %dma_start3A_163 = tpu.memref_slice %arg3[%add3A_159] : memref<16777216xf32, #tpu.memory_space<hbm>> -> memref<4096xf32, #tpu.memory_space<hbm>>
      %dma_start3A_164 = arith.constant 8 : i32
      %dma_start3A_165 = tpu.memref_slice %arg6[%dma_start3A_164] : memref<4112xf32, #tpu.memory_space<vmem>> -> memref<4096xf32, #tpu.memory_space<vmem>>
      tpu.enqueue_dma source(%dma_start3A_165 : memref<4096xf32, #tpu.memory_space<vmem>>) target(%dma_start3A_163 : memref<4096xf32, #tpu.memory_space<hbm>>) target_semaphore(%arg10 : memref<!tpu.dma_semaphore, #tpu.memory_space<semaphore_mem>>)
      %add3A_166 = arith.constant 2 : i32
      %add3A_167 = arith.addi %add3A_110, %add3A_166 : i32
      %lt3A = arith.constant 64 : i32
      %lt3A_168 = arith.cmpi slt, %add3A_167, %lt3A : i32
      %convert_element_type3A_169 = arith.extui %lt3A_168 : i1 to i32
      %cond3A_170 = arith.constant 0 : i32
      %cond3A_171 = arith.cmpi ne, %convert_element_type3A_169, %cond3A_170 : i32
      scf.if %cond3A_171 {
        %add3A_244 = arith.constant 2 : i32
        %add3A_245 = arith.addi %add3A_110, %add3A_244 : i32
        %mul3A_246 = arith.constant 64 : i32
        %mul3A_247 = arith.muli %add3A, %mul3A_246 : i32
        %add3A_248 = arith.addi %mul3A_247, %add3A_245 : i32
        %mul3A_249 = arith.constant 4096 : i32
        %mul3A_250 = arith.muli %add3A_248, %mul3A_249 : i32
        %dma_start3A_251 = arith.constant 0 : i32
        %dma_start3A_252 = tpu.memref_slice %arg4[%dma_start3A_251] : memref<4352xf32, #tpu.memory_space<vmem>> -> memref<4096xf32, #tpu.memory_space<vmem>>
        %dma_start3A_253 = tpu.memref_slice %arg2[%mul3A_250] : memref<8388608xf32, #tpu.memory_space<hbm>> -> memref<4096xf32, #tpu.memory_space<hbm>>
        %dma_start3A_254 = arith.constant 0 : i32
        %dma_start3A_255 = tpu.memref_slice %arg4[%dma_start3A_254] : memref<4352xf32, #tpu.memory_space<vmem>> -> memref<4096xf32, #tpu.memory_space<vmem>>
        %dma_start3A_256 = tpu.memref_slice %arg2[%mul3A_250] : memref<8388608xf32, #tpu.memory_space<hbm>> -> memref<4096xf32, #tpu.memory_space<hbm>>
        tpu.enqueue_dma source(%dma_start3A_256 : memref<4096xf32, #tpu.memory_space<hbm>>) target(%dma_start3A_255 : memref<4096xf32, #tpu.memory_space<vmem>>) target_semaphore(%arg8 : memref<!tpu.dma_semaphore, #tpu.memory_space<semaphore_mem>>)
        %add3A_257 = arith.constant 4096 : i32
        %add3A_258 = arith.addi %mul3A_250, %add3A_257 : i32
        %rem3A_259 = arith.constant 8388608 : i32
        %rem3A_260 = arith.remsi %add3A_258, %rem3A_259 : i32
        %dma_start3A_261 = arith.constant 4096 : i32
        %dma_start3A_262 = tpu.memref_slice %arg4[%dma_start3A_261] : memref<4352xf32, #tpu.memory_space<vmem>> -> memref<256xf32, #tpu.memory_space<vmem>>
        %dma_start3A_263 = tpu.memref_slice %arg2[%rem3A_260] : memref<8388608xf32, #tpu.memory_space<hbm>> -> memref<256xf32, #tpu.memory_space<hbm>>
        %dma_start3A_264 = arith.constant 4096 : i32
        %dma_start3A_265 = tpu.memref_slice %arg4[%dma_start3A_264] : memref<4352xf32, #tpu.memory_space<vmem>> -> memref<256xf32, #tpu.memory_space<vmem>>
        %dma_start3A_266 = tpu.memref_slice %arg2[%rem3A_260] : memref<8388608xf32, #tpu.memory_space<hbm>> -> memref<256xf32, #tpu.memory_space<hbm>>
        tpu.enqueue_dma source(%dma_start3A_266 : memref<256xf32, #tpu.memory_space<hbm>>) target(%dma_start3A_265 : memref<256xf32, #tpu.memory_space<vmem>>) target_semaphore(%arg8 : memref<!tpu.dma_semaphore, #tpu.memory_space<semaphore_mem>>)
      } else {
      }
      %mul3A_172 = arith.constant 2 : i32
      %mul3A_173 = arith.muli %mul3A_172, %scan3A_106 : i32
      %add3A_174 = arith.constant 1 : i32
      %add3A_175 = arith.addi %mul3A_173, %add3A_174 : i32
      %mul3A_176 = arith.constant 64 : i32
      %mul3A_177 = arith.muli %add3A, %mul3A_176 : i32
      %add3A_178 = arith.addi %mul3A_177, %add3A_175 : i32
      %mul3A_179 = arith.constant 4096 : i32
      %mul3A_180 = arith.muli %add3A_178, %mul3A_179 : i32
      %dma_wait3A_181 = arith.constant 0 : i32
      %dma_wait3A_182 = tpu.memref_slice %arg5[%dma_wait3A_181] : memref<4352xf32, #tpu.memory_space<vmem>> -> memref<4096xf32, #tpu.memory_space<vmem>>
      %dma_wait3A_183 = tpu.memref_slice %arg2[%mul3A_180] : memref<8388608xf32, #tpu.memory_space<hbm>> -> memref<4096xf32, #tpu.memory_space<hbm>>
      %dma_wait3A_184 = arith.constant 0 : i32
      %dma_wait3A_185 = tpu.memref_slice %arg5[%dma_wait3A_184] : memref<4352xf32, #tpu.memory_space<vmem>> -> memref<4096xf32, #tpu.memory_space<vmem>>
      %dma_wait3A_186 = tpu.memref_slice %arg2[%mul3A_180] : memref<8388608xf32, #tpu.memory_space<hbm>> -> memref<4096xf32, #tpu.memory_space<hbm>>
      tpu.wait_dma2 semaphore(%arg9 : memref<!tpu.dma_semaphore, #tpu.memory_space<semaphore_mem>>) src(%dma_wait3A_186 : memref<4096xf32, #tpu.memory_space<hbm>>) dst(%dma_wait3A_185 : memref<4096xf32, #tpu.memory_space<vmem>>)
      %add3A_187 = arith.constant 4096 : i32
      %add3A_188 = arith.addi %mul3A_180, %add3A_187 : i32
      %rem3A_189 = arith.constant 8388608 : i32
      %rem3A_190 = arith.remsi %add3A_188, %rem3A_189 : i32
      %dma_wait3A_191 = arith.constant 4096 : i32
      %dma_wait3A_192 = tpu.memref_slice %arg5[%dma_wait3A_191] : memref<4352xf32, #tpu.memory_space<vmem>> -> memref<256xf32, #tpu.memory_space<vmem>>
      %dma_wait3A_193 = tpu.memref_slice %arg2[%rem3A_190] : memref<8388608xf32, #tpu.memory_space<hbm>> -> memref<256xf32, #tpu.memory_space<hbm>>
      %dma_wait3A_194 = arith.constant 4096 : i32
      %dma_wait3A_195 = tpu.memref_slice %arg5[%dma_wait3A_194] : memref<4352xf32, #tpu.memory_space<vmem>> -> memref<256xf32, #tpu.memory_space<vmem>>
      %dma_wait3A_196 = tpu.memref_slice %arg2[%rem3A_190] : memref<8388608xf32, #tpu.memory_space<hbm>> -> memref<256xf32, #tpu.memory_space<hbm>>
      tpu.wait_dma2 semaphore(%arg9 : memref<!tpu.dma_semaphore, #tpu.memory_space<semaphore_mem>>) src(%dma_wait3A_196 : memref<256xf32, #tpu.memory_space<hbm>>) dst(%dma_wait3A_195 : memref<256xf32, #tpu.memory_space<vmem>>)
      %ge3A_197 = arith.constant 2 : i32
      %ge3A_198 = arith.cmpi sge, %add3A_175, %ge3A_197 : i32
      %convert_element_type3A_199 = arith.extui %ge3A_198 : i1 to i32
      %cond3A_200 = arith.constant 0 : i32
      %cond3A_201 = arith.cmpi ne, %convert_element_type3A_199, %cond3A_200 : i32
      scf.if %cond3A_201 {
        %sub3A = arith.constant 2 : i32
        %sub3A_244 = arith.subi %add3A_175, %sub3A : i32
        %mul3A_245 = arith.constant 64 : i32
        %mul3A_246 = arith.muli %add3A, %mul3A_245 : i32
        %add3A_247 = arith.addi %mul3A_246, %sub3A_244 : i32
        %mul3A_248 = arith.constant 4096 : i32
        %mul3A_249 = arith.muli %add3A_247, %mul3A_248 : i32
        %dma_wait3A_250 = arith.constant 0 : i32
        %dma_wait3A_251 = tpu.memref_slice %arg7[%dma_wait3A_250] : memref<4112xf32, #tpu.memory_space<vmem>> -> memref<4096xf32, #tpu.memory_space<vmem>>
        %dma_wait3A_252 = tpu.memref_slice %arg3[%mul3A_249] : memref<16777216xf32, #tpu.memory_space<hbm>> -> memref<4096xf32, #tpu.memory_space<hbm>>
        %dma_wait3A_253 = tpu.memref_slice %arg3[%mul3A_249] : memref<16777216xf32, #tpu.memory_space<hbm>> -> memref<4096xf32, #tpu.memory_space<hbm>>
        %dma_wait3A_254 = arith.constant 0 : i32
        %dma_wait3A_255 = tpu.memref_slice %arg7[%dma_wait3A_254] : memref<4112xf32, #tpu.memory_space<vmem>> -> memref<4096xf32, #tpu.memory_space<vmem>>
        tpu.wait_dma2 semaphore(%arg11 : memref<!tpu.dma_semaphore, #tpu.memory_space<semaphore_mem>>) src(%dma_wait3A_255 : memref<4096xf32, #tpu.memory_space<vmem>>) dst(%dma_wait3A_253 : memref<4096xf32, #tpu.memory_space<hbm>>)
        %sub3A_256 = arith.constant 2 : i32
        %sub3A_257 = arith.subi %add3A_175, %sub3A_256 : i32
        %mul3A_258 = arith.constant 64 : i32
        %mul3A_259 = arith.muli %add3A, %mul3A_258 : i32
        %add3A_260 = arith.addi %mul3A_259, %sub3A_257 : i32
        %mul3A_261 = arith.constant 4096 : i32
        %mul3A_262 = arith.muli %add3A_260, %mul3A_261 : i32
        %add3A_263 = arith.constant 8388608 : i32
        %add3A_264 = arith.addi %add3A_263, %mul3A_262 : i32
        %dma_wait3A_265 = arith.constant 8 : i32
        %dma_wait3A_266 = tpu.memref_slice %arg7[%dma_wait3A_265] : memref<4112xf32, #tpu.memory_space<vmem>> -> memref<4096xf32, #tpu.memory_space<vmem>>
        %dma_wait3A_267 = tpu.memref_slice %arg3[%add3A_264] : memref<16777216xf32, #tpu.memory_space<hbm>> -> memref<4096xf32, #tpu.memory_space<hbm>>
        %dma_wait3A_268 = tpu.memref_slice %arg3[%add3A_264] : memref<16777216xf32, #tpu.memory_space<hbm>> -> memref<4096xf32, #tpu.memory_space<hbm>>
        %dma_wait3A_269 = arith.constant 8 : i32
        %dma_wait3A_270 = tpu.memref_slice %arg7[%dma_wait3A_269] : memref<4112xf32, #tpu.memory_space<vmem>> -> memref<4096xf32, #tpu.memory_space<vmem>>
        tpu.wait_dma2 semaphore(%arg11 : memref<!tpu.dma_semaphore, #tpu.memory_space<semaphore_mem>>) src(%dma_wait3A_270 : memref<4096xf32, #tpu.memory_space<vmem>>) dst(%dma_wait3A_268 : memref<4096xf32, #tpu.memory_space<hbm>>)
      } else {
      }
      %scan3A_202 = arith.constant 0 : i32
      %scan3A_203 = arith.constant 256 : i32
      %scan3A_204 = arith.addi %scan3A_202, %scan3A_203 : i32
      %scan3A_205 = arith.constant 1 : i32
      scf.for %scan3A_244 = %scan3A_202 to %scan3A_204 step %scan3A_205  : i32 {
        %shift_right_arithmetic3A_245 = arith.constant 4 : i32
        %shift_right_arithmetic3A_246 = arith.shrsi %scan3A_244, %shift_right_arithmetic3A_245 : i32
        %mul3A_247 = arith.constant 256 : i32
        %mul3A_248 = arith.muli %shift_right_arithmetic3A_246, %mul3A_247 : i32
        %and3A_249 = arith.constant 15 : i32
        %and3A_250 = arith.andi %scan3A_244, %and3A_249 : i32
        %mul3A_251 = arith.constant 8 : i32
        %mul3A_252 = arith.muli %and3A_250, %mul3A_251 : i32
        %add3A_253 = arith.addi %mul3A_248, %mul3A_252 : i32
        %broadcast_in_dim3A_254 = vector.broadcast %add3A_253 : i32 to vector<16xi32>
        %add3A_255 = arith.addi %broadcast_in_dim3A_254, %add3A_8 : vector<16xi32>
        %gather3A_256 = tpu.vector_load_idx %arg5[%add3A_255] : memref<4352xf32, #tpu.memory_space<vmem>>[vector<16xi32>], vector<16xf32>,
        %mul3A_257 = arith.constant 16 : i32
        %mul3A_258 = arith.muli %scan3A_244, %mul3A_257 : i32
        %swap3A_259 = arith.index_cast %mul3A_258 : i32 to index
        %swap3A_260 = tpu.vector_load %arg7[%swap3A_259] {strides = array<i32>} : memref<4112xf32, #tpu.memory_space<vmem>>, vector<16xf32>,
        tpu.vector_store %arg7[%swap3A_259], %gather3A_256 {strides = array<i32>} : memref<4112xf32, #tpu.memory_space<vmem>>, vector<16xf32>,
      }
      %scan3A_206 = arith.constant 256 : i32
      %broadcast_in_dim3A_207 = arith.constant 4096 : i32
      %broadcast_in_dim3A_208 = vector.broadcast %broadcast_in_dim3A_207 : i32 to vector<16xi32>
      %add3A_209 = arith.addi %broadcast_in_dim3A_208, %add3A_8 : vector<16xi32>
      %gather3A_210 = tpu.vector_load_idx %arg5[%add3A_209] : memref<4352xf32, #tpu.memory_space<vmem>>[vector<16xi32>], vector<16xf32>,
      %swap3A_211 = arith.constant 4096 : index
      %swap3A_212 = tpu.vector_load %arg7[%swap3A_211] {strides = array<i32>} : memref<4112xf32, #tpu.memory_space<vmem>>, vector<16xf32>,
      tpu.vector_store %arg7[%swap3A_211], %gather3A_210 {strides = array<i32>} : memref<4112xf32, #tpu.memory_space<vmem>>, vector<16xf32>,
      %mul3A_213 = arith.constant 64 : i32
      %mul3A_214 = arith.muli %add3A, %mul3A_213 : i32
      %add3A_215 = arith.addi %mul3A_214, %add3A_175 : i32
      %mul3A_216 = arith.constant 4096 : i32
      %mul3A_217 = arith.muli %add3A_215, %mul3A_216 : i32
      %dma_start3A_218 = arith.constant 0 : i32
      %dma_start3A_219 = tpu.memref_slice %arg7[%dma_start3A_218] : memref<4112xf32, #tpu.memory_space<vmem>> -> memref<4096xf32, #tpu.memory_space<vmem>>
      %dma_start3A_220 = tpu.memref_slice %arg3[%mul3A_217] : memref<16777216xf32, #tpu.memory_space<hbm>> -> memref<4096xf32, #tpu.memory_space<hbm>>
      %dma_start3A_221 = tpu.memref_slice %arg3[%mul3A_217] : memref<16777216xf32, #tpu.memory_space<hbm>> -> memref<4096xf32, #tpu.memory_space<hbm>>
      %dma_start3A_222 = arith.constant 0 : i32
      %dma_start3A_223 = tpu.memref_slice %arg7[%dma_start3A_222] : memref<4112xf32, #tpu.memory_space<vmem>> -> memref<4096xf32, #tpu.memory_space<vmem>>
      tpu.enqueue_dma source(%dma_start3A_223 : memref<4096xf32, #tpu.memory_space<vmem>>) target(%dma_start3A_221 : memref<4096xf32, #tpu.memory_space<hbm>>) target_semaphore(%arg11 : memref<!tpu.dma_semaphore, #tpu.memory_space<semaphore_mem>>)
      %mul3A_224 = arith.constant 64 : i32
      %mul3A_225 = arith.muli %add3A, %mul3A_224 : i32
      %add3A_226 = arith.addi %mul3A_225, %add3A_175 : i32
      %mul3A_227 = arith.constant 4096 : i32
      %mul3A_228 = arith.muli %add3A_226, %mul3A_227 : i32
      %add3A_229 = arith.constant 8388608 : i32
      %add3A_230 = arith.addi %add3A_229, %mul3A_228 : i32
      %dma_start3A_231 = arith.constant 8 : i32
      %dma_start3A_232 = tpu.memref_slice %arg7[%dma_start3A_231] : memref<4112xf32, #tpu.memory_space<vmem>> -> memref<4096xf32, #tpu.memory_space<vmem>>
      %dma_start3A_233 = tpu.memref_slice %arg3[%add3A_230] : memref<16777216xf32, #tpu.memory_space<hbm>> -> memref<4096xf32, #tpu.memory_space<hbm>>
      %dma_start3A_234 = tpu.memref_slice %arg3[%add3A_230] : memref<16777216xf32, #tpu.memory_space<hbm>> -> memref<4096xf32, #tpu.memory_space<hbm>>
      %dma_start3A_235 = arith.constant 8 : i32
      %dma_start3A_236 = tpu.memref_slice %arg7[%dma_start3A_235] : memref<4112xf32, #tpu.memory_space<vmem>> -> memref<4096xf32, #tpu.memory_space<vmem>>
      tpu.enqueue_dma source(%dma_start3A_236 : memref<4096xf32, #tpu.memory_space<vmem>>) target(%dma_start3A_234 : memref<4096xf32, #tpu.memory_space<hbm>>) target_semaphore(%arg11 : memref<!tpu.dma_semaphore, #tpu.memory_space<semaphore_mem>>)
      %add3A_237 = arith.constant 2 : i32
      %add3A_238 = arith.addi %add3A_175, %add3A_237 : i32
      %lt3A_239 = arith.constant 64 : i32
      %lt3A_240 = arith.cmpi slt, %add3A_238, %lt3A_239 : i32
      %convert_element_type3A_241 = arith.extui %lt3A_240 : i1 to i32
      %cond3A_242 = arith.constant 0 : i32
      %cond3A_243 = arith.cmpi ne, %convert_element_type3A_241, %cond3A_242 : i32
      scf.if %cond3A_243 {
        %add3A_244 = arith.constant 2 : i32
        %add3A_245 = arith.addi %add3A_175, %add3A_244 : i32
        %mul3A_246 = arith.constant 64 : i32
        %mul3A_247 = arith.muli %add3A, %mul3A_246 : i32
        %add3A_248 = arith.addi %mul3A_247, %add3A_245 : i32
        %mul3A_249 = arith.constant 4096 : i32
        %mul3A_250 = arith.muli %add3A_248, %mul3A_249 : i32
        %dma_start3A_251 = arith.constant 0 : i32
        %dma_start3A_252 = tpu.memref_slice %arg5[%dma_start3A_251] : memref<4352xf32, #tpu.memory_space<vmem>> -> memref<4096xf32, #tpu.memory_space<vmem>>
        %dma_start3A_253 = tpu.memref_slice %arg2[%mul3A_250] : memref<8388608xf32, #tpu.memory_space<hbm>> -> memref<4096xf32, #tpu.memory_space<hbm>>
        %dma_start3A_254 = arith.constant 0 : i32
        %dma_start3A_255 = tpu.memref_slice %arg5[%dma_start3A_254] : memref<4352xf32, #tpu.memory_space<vmem>> -> memref<4096xf32, #tpu.memory_space<vmem>>
        %dma_start3A_256 = tpu.memref_slice %arg2[%mul3A_250] : memref<8388608xf32, #tpu.memory_space<hbm>> -> memref<4096xf32, #tpu.memory_space<hbm>>
        tpu.enqueue_dma source(%dma_start3A_256 : memref<4096xf32, #tpu.memory_space<hbm>>) target(%dma_start3A_255 : memref<4096xf32, #tpu.memory_space<vmem>>) target_semaphore(%arg9 : memref<!tpu.dma_semaphore, #tpu.memory_space<semaphore_mem>>)
        %add3A_257 = arith.constant 4096 : i32
        %add3A_258 = arith.addi %mul3A_250, %add3A_257 : i32
        %rem3A_259 = arith.constant 8388608 : i32
        %rem3A_260 = arith.remsi %add3A_258, %rem3A_259 : i32
        %dma_start3A_261 = arith.constant 4096 : i32
        %dma_start3A_262 = tpu.memref_slice %arg5[%dma_start3A_261] : memref<4352xf32, #tpu.memory_space<vmem>> -> memref<256xf32, #tpu.memory_space<vmem>>
        %dma_start3A_263 = tpu.memref_slice %arg2[%rem3A_260] : memref<8388608xf32, #tpu.memory_space<hbm>> -> memref<256xf32, #tpu.memory_space<hbm>>
        %dma_start3A_264 = arith.constant 4096 : i32
        %dma_start3A_265 = tpu.memref_slice %arg5[%dma_start3A_264] : memref<4352xf32, #tpu.memory_space<vmem>> -> memref<256xf32, #tpu.memory_space<vmem>>
        %dma_start3A_266 = tpu.memref_slice %arg2[%rem3A_260] : memref<8388608xf32, #tpu.memory_space<hbm>> -> memref<256xf32, #tpu.memory_space<hbm>>
        tpu.enqueue_dma source(%dma_start3A_266 : memref<256xf32, #tpu.memory_space<hbm>>) target(%dma_start3A_265 : memref<256xf32, #tpu.memory_space<vmem>>) target_semaphore(%arg9 : memref<!tpu.dma_semaphore, #tpu.memory_space<semaphore_mem>>)
      } else {
      }
    }
    %scan3A_54 = arith.constant 32 : i32
    %mul3A_55 = arith.constant 64 : i32
    %mul3A_56 = arith.muli %add3A, %mul3A_55 : i32
    %add3A_57 = arith.constant 62 : i32
    %add3A_58 = arith.addi %mul3A_56, %add3A_57 : i32
    %mul3A_59 = arith.constant 4096 : i32
    %mul3A_60 = arith.muli %add3A_58, %mul3A_59 : i32
    %dma_wait3A = arith.constant 0 : i32
    %dma_wait3A_61 = tpu.memref_slice %arg6[%dma_wait3A] : memref<4112xf32, #tpu.memory_space<vmem>> -> memref<4096xf32, #tpu.memory_space<vmem>>
    %dma_wait3A_62 = tpu.memref_slice %arg3[%mul3A_60] : memref<16777216xf32, #tpu.memory_space<hbm>> -> memref<4096xf32, #tpu.memory_space<hbm>>
    %dma_wait3A_63 = tpu.memref_slice %arg3[%mul3A_60] : memref<16777216xf32, #tpu.memory_space<hbm>> -> memref<4096xf32, #tpu.memory_space<hbm>>
    %dma_wait3A_64 = arith.constant 0 : i32
    %dma_wait3A_65 = tpu.memref_slice %arg6[%dma_wait3A_64] : memref<4112xf32, #tpu.memory_space<vmem>> -> memref<4096xf32, #tpu.memory_space<vmem>>
    tpu.wait_dma2 semaphore(%arg10 : memref<!tpu.dma_semaphore, #tpu.memory_space<semaphore_mem>>) src(%dma_wait3A_65 : memref<4096xf32, #tpu.memory_space<vmem>>) dst(%dma_wait3A_63 : memref<4096xf32, #tpu.memory_space<hbm>>)
    %mul3A_66 = arith.constant 64 : i32
    %mul3A_67 = arith.muli %add3A, %mul3A_66 : i32
    %add3A_68 = arith.constant 62 : i32
    %add3A_69 = arith.addi %mul3A_67, %add3A_68 : i32
    %mul3A_70 = arith.constant 4096 : i32
    %mul3A_71 = arith.muli %add3A_69, %mul3A_70 : i32
    %add3A_72 = arith.constant 8388608 : i32
    %add3A_73 = arith.addi %add3A_72, %mul3A_71 : i32
    %dma_wait3A_74 = arith.constant 8 : i32
    %dma_wait3A_75 = tpu.memref_slice %arg6[%dma_wait3A_74] : memref<4112xf32, #tpu.memory_space<vmem>> -> memref<4096xf32, #tpu.memory_space<vmem>>
    %dma_wait3A_76 = tpu.memref_slice %arg3[%add3A_73] : memref<16777216xf32, #tpu.memory_space<hbm>> -> memref<4096xf32, #tpu.memory_space<hbm>>
    %dma_wait3A_77 = tpu.memref_slice %arg3[%add3A_73] : memref<16777216xf32, #tpu.memory_space<hbm>> -> memref<4096xf32, #tpu.memory_space<hbm>>
    %dma_wait3A_78 = arith.constant 8 : i32
    %dma_wait3A_79 = tpu.memref_slice %arg6[%dma_wait3A_78] : memref<4112xf32, #tpu.memory_space<vmem>> -> memref<4096xf32, #tpu.memory_space<vmem>>
    tpu.wait_dma2 semaphore(%arg10 : memref<!tpu.dma_semaphore, #tpu.memory_space<semaphore_mem>>) src(%dma_wait3A_79 : memref<4096xf32, #tpu.memory_space<vmem>>) dst(%dma_wait3A_77 : memref<4096xf32, #tpu.memory_space<hbm>>)
    %mul3A_80 = arith.constant 64 : i32
    %mul3A_81 = arith.muli %add3A, %mul3A_80 : i32
    %add3A_82 = arith.constant 63 : i32
    %add3A_83 = arith.addi %mul3A_81, %add3A_82 : i32
    %mul3A_84 = arith.constant 4096 : i32
    %mul3A_85 = arith.muli %add3A_83, %mul3A_84 : i32
    %dma_wait3A_86 = arith.constant 0 : i32
    %dma_wait3A_87 = tpu.memref_slice %arg7[%dma_wait3A_86] : memref<4112xf32, #tpu.memory_space<vmem>> -> memref<4096xf32, #tpu.memory_space<vmem>>
    %dma_wait3A_88 = tpu.memref_slice %arg3[%mul3A_85] : memref<16777216xf32, #tpu.memory_space<hbm>> -> memref<4096xf32, #tpu.memory_space<hbm>>
    %dma_wait3A_89 = tpu.memref_slice %arg3[%mul3A_85] : memref<16777216xf32, #tpu.memory_space<hbm>> -> memref<4096xf32, #tpu.memory_space<hbm>>
    %dma_wait3A_90 = arith.constant 0 : i32
    %dma_wait3A_91 = tpu.memref_slice %arg7[%dma_wait3A_90] : memref<4112xf32, #tpu.memory_space<vmem>> -> memref<4096xf32, #tpu.memory_space<vmem>>
    tpu.wait_dma2 semaphore(%arg11 : memref<!tpu.dma_semaphore, #tpu.memory_space<semaphore_mem>>) src(%dma_wait3A_91 : memref<4096xf32, #tpu.memory_space<vmem>>) dst(%dma_wait3A_89 : memref<4096xf32, #tpu.memory_space<hbm>>)
    %mul3A_92 = arith.constant 64 : i32
    %mul3A_93 = arith.muli %add3A, %mul3A_92 : i32
    %add3A_94 = arith.constant 63 : i32
    %add3A_95 = arith.addi %mul3A_93, %add3A_94 : i32
    %mul3A_96 = arith.constant 4096 : i32
    %mul3A_97 = arith.muli %add3A_95, %mul3A_96 : i32
    %add3A_98 = arith.constant 8388608 : i32
    %add3A_99 = arith.addi %add3A_98, %mul3A_97 : i32
    %dma_wait3A_100 = arith.constant 8 : i32
    %dma_wait3A_101 = tpu.memref_slice %arg7[%dma_wait3A_100] : memref<4112xf32, #tpu.memory_space<vmem>> -> memref<4096xf32, #tpu.memory_space<vmem>>
    %dma_wait3A_102 = tpu.memref_slice %arg3[%add3A_99] : memref<16777216xf32, #tpu.memory_space<hbm>> -> memref<4096xf32, #tpu.memory_space<hbm>>
    %dma_wait3A_103 = tpu.memref_slice %arg3[%add3A_99] : memref<16777216xf32, #tpu.memory_space<hbm>> -> memref<4096xf32, #tpu.memory_space<hbm>>
    %dma_wait3A_104 = arith.constant 8 : i32
    %dma_wait3A_105 = tpu.memref_slice %arg7[%dma_wait3A_104] : memref<4112xf32, #tpu.memory_space<vmem>> -> memref<4096xf32, #tpu.memory_space<vmem>>
    tpu.wait_dma2 semaphore(%arg11 : memref<!tpu.dma_semaphore, #tpu.memory_space<semaphore_mem>>) src(%dma_wait3A_105 : memref<4096xf32, #tpu.memory_space<vmem>>) dst(%dma_wait3A_103 : memref<4096xf32, #tpu.memory_space<hbm>>)
    return
  }
}

#map = affine_map<(d0, d1) -> (0)>
#map1 = affine_map<(d0, d1) -> (0, 0)>
module attributes {stable_mosaic.version = 14 : i64} {
  func.func @_sc_body(%arg0: i32, %arg1: i32, %arg2: memref<4000000xi32, #tpu.memory_space<hbm>>, %arg3: memref<4000000xf32, #tpu.memory_space<hbm>>, %arg4: memref<4000000xf32, #tpu.memory_space<hbm>>, %arg5: memref<1048576x16xf32, #tpu.memory_space<hbm>>, %arg6: memref<32x16xf32, #tpu.memory_space<hbm>>, %arg7: memref<1280xi32, #tpu.memory_space<vmem>>, %arg8: memref<1280xi32, #tpu.memory_space<vmem>>, %arg9: memref<1280xf32, #tpu.memory_space<vmem>>, %arg10: memref<1280xf32, #tpu.memory_space<vmem>>, %arg11: memref<1280xf32, #tpu.memory_space<vmem>>, %arg12: memref<1280xf32, #tpu.memory_space<vmem>>, %arg13: memref<3x5x128xi32, #tpu.memory_space<vmem>>, %arg14: memref<3x5x128xi32, #tpu.memory_space<vmem>>, %arg15: memref<2x5x128x16xf32, #tpu.memory_space<vmem>>, %arg16: memref<2x5x128x16xf32, #tpu.memory_space<vmem>>, %arg17: memref<16xf32, #tpu.memory_space<vmem>>, %arg18: memref<!tpu.dma_semaphore, #tpu.memory_space<semaphore_mem>>, %arg19: memref<!tpu.dma_semaphore, #tpu.memory_space<semaphore_mem>>, %arg20: memref<!tpu.dma_semaphore, #tpu.memory_space<semaphore_mem>>, %arg21: memref<!tpu.dma_semaphore, #tpu.memory_space<semaphore_mem>>) attributes {dimension_semantics = [#tpu.dimension_semantics<core_parallel>, #tpu.dimension_semantics<subcore_parallel>], iteration_bounds = array<i64: 2, 16>, scalar_prefetch = 0 : i64, scratch_operands = 15 : i64, tpu.core_type = #tpu.core_type<sc_vector_subcore>, window_params = [{transform_indices = #map}, {transform_indices = #map}, {transform_indices = #map}, {transform_indices = #map1}, {transform_indices = #map1}]} {
    %mul3A = arith.constant 2 : i32
    %mul3A_0 = arith.muli %arg1, %mul3A : i32
    %add3A = arith.addi %mul3A_0, %arg0 : i32
    %sub3A = arith.constant 3125 : i32
    %sub3A_1 = arith.subi %sub3A, %add3A : i32
    %add3A_2 = arith.constant 32 : i32
    %add3A_3 = arith.addi %sub3A_1, %add3A_2 : i32
    %sub3A_4 = arith.constant 1 : i32
    %sub3A_5 = arith.subi %add3A_3, %sub3A_4 : i32
    %jit3A = arith.constant 32 : i32
    %div3A = arith.divsi %sub3A_5, %jit3A : i32
    %sign3A = arith.constant 0 : i32
    %sign3A_6 = arith.cmpi sgt, %sub3A_5, %sign3A : i32
    %sign3A_7 = arith.extui %sign3A_6 : i1 to i32
    %sign3A_8 = arith.constant 0 : i32
    %sign3A_9 = arith.cmpi slt, %sub3A_5, %sign3A_8 : i32
    %sign3A_10 = arith.extui %sign3A_9 : i1 to i32
    %sign3A_11 = arith.subi %sign3A_7, %sign3A_10 : i32
    %sign3A_12 = arith.constant 0 : i32
    %sign3A_13 = arith.cmpi sgt, %jit3A, %sign3A_12 : i32
    %sign3A_14 = arith.extui %sign3A_13 : i1 to i32
    %sign3A_15 = arith.constant 0 : i32
    %sign3A_16 = arith.cmpi slt, %jit3A, %sign3A_15 : i32
    %sign3A_17 = arith.extui %sign3A_16 : i1 to i32
    %sign3A_18 = arith.subi %sign3A_14, %sign3A_17 : i32
    %ne3A = arith.cmpi ne, %sign3A_11, %sign3A_18 : i32
    %rem3A = arith.remsi %sub3A_5, %jit3A : i32
    %ne3A_19 = arith.constant 0 : i32
    %ne3A_20 = arith.cmpi ne, %rem3A, %ne3A_19 : i32
    %and3A = arith.andi %ne3A, %ne3A_20 : i1
    %sub3A_21 = arith.constant 1 : i32
    %sub3A_22 = arith.subi %div3A, %sub3A_21 : i32
    %select_n3A = arith.select %and3A, %sub3A_22, %div3A : i32
    %iota3A = tpu.iota {dimensions = array<i32: 0>} : vector<16xi32>
    %broadcast_in_dim3A = arith.constant 0.000000e+00 : f32
    %broadcast_in_dim3A_23 = vector.broadcast %broadcast_in_dim3A : f32 to vector<16xf32>
    %swap3A = arith.constant 0 : index
    %swap3A_24 = tpu.vector_load %arg17[%swap3A] {strides = array<i32>} : memref<16xf32, #tpu.memory_space<vmem>>, vector<16xf32>,
    tpu.vector_store %arg17[%swap3A], %broadcast_in_dim3A_23 {strides = array<i32>} : memref<16xf32, #tpu.memory_space<vmem>>, vector<16xf32>,
    %add3A_25 = arith.constant 0 : i32
    %add3A_26 = arith.addi %add3A, %add3A_25 : i32
    %mul3A_27 = arith.constant 1280 : i32
    %mul3A_28 = arith.muli %add3A_26, %mul3A_27 : i32
    %dma_start3A = tpu.memref_slice %arg2[%mul3A_28] : memref<4000000xi32, #tpu.memory_space<hbm>> -> memref<1280xi32, #tpu.memory_space<hbm>>
    %dma_start3A_29 = tpu.memref_slice %arg2[%mul3A_28] : memref<4000000xi32, #tpu.memory_space<hbm>> -> memref<1280xi32, #tpu.memory_space<hbm>>
    tpu.enqueue_dma source(%dma_start3A_29 : memref<1280xi32, #tpu.memory_space<hbm>>) target(%arg7 : memref<1280xi32, #tpu.memory_space<vmem>>) target_semaphore(%arg18 : memref<!tpu.dma_semaphore, #tpu.memory_space<semaphore_mem>>)
    %dma_start3A_30 = tpu.memref_slice %arg3[%mul3A_28] : memref<4000000xf32, #tpu.memory_space<hbm>> -> memref<1280xf32, #tpu.memory_space<hbm>>
    %dma_start3A_31 = tpu.memref_slice %arg3[%mul3A_28] : memref<4000000xf32, #tpu.memory_space<hbm>> -> memref<1280xf32, #tpu.memory_space<hbm>>
    tpu.enqueue_dma source(%dma_start3A_31 : memref<1280xf32, #tpu.memory_space<hbm>>) target(%arg9 : memref<1280xf32, #tpu.memory_space<vmem>>) target_semaphore(%arg18 : memref<!tpu.dma_semaphore, #tpu.memory_space<semaphore_mem>>)
    %dma_start3A_32 = tpu.memref_slice %arg4[%mul3A_28] : memref<4000000xf32, #tpu.memory_space<hbm>> -> memref<1280xf32, #tpu.memory_space<hbm>>
    %dma_start3A_33 = tpu.memref_slice %arg4[%mul3A_28] : memref<4000000xf32, #tpu.memory_space<hbm>> -> memref<1280xf32, #tpu.memory_space<hbm>>
    tpu.enqueue_dma source(%dma_start3A_33 : memref<1280xf32, #tpu.memory_space<hbm>>) target(%arg11 : memref<1280xf32, #tpu.memory_space<vmem>>) target_semaphore(%arg18 : memref<!tpu.dma_semaphore, #tpu.memory_space<semaphore_mem>>)
    %gt3A = arith.constant 1 : i32
    %gt3A_34 = arith.cmpi sgt, %select_n3A, %gt3A : i32
    %convert_element_type3A = arith.extui %gt3A_34 : i1 to i32
    %cond3A = arith.constant 0 : i32
    %cond3A_35 = arith.cmpi ne, %convert_element_type3A, %cond3A : i32
    scf.if %cond3A_35 {
      %add3A_194 = arith.constant 32 : i32
      %add3A_195 = arith.addi %add3A, %add3A_194 : i32
      %mul3A_196 = arith.constant 1280 : i32
      %mul3A_197 = arith.muli %add3A_195, %mul3A_196 : i32
      %dma_start3A_198 = tpu.memref_slice %arg2[%mul3A_197] : memref<4000000xi32, #tpu.memory_space<hbm>> -> memref<1280xi32, #tpu.memory_space<hbm>>
      %dma_start3A_199 = tpu.memref_slice %arg2[%mul3A_197] : memref<4000000xi32, #tpu.memory_space<hbm>> -> memref<1280xi32, #tpu.memory_space<hbm>>
      tpu.enqueue_dma source(%dma_start3A_199 : memref<1280xi32, #tpu.memory_space<hbm>>) target(%arg8 : memref<1280xi32, #tpu.memory_space<vmem>>) target_semaphore(%arg19 : memref<!tpu.dma_semaphore, #tpu.memory_space<semaphore_mem>>)
      %dma_start3A_200 = tpu.memref_slice %arg3[%mul3A_197] : memref<4000000xf32, #tpu.memory_space<hbm>> -> memref<1280xf32, #tpu.memory_space<hbm>>
      %dma_start3A_201 = tpu.memref_slice %arg3[%mul3A_197] : memref<4000000xf32, #tpu.memory_space<hbm>> -> memref<1280xf32, #tpu.memory_space<hbm>>
      tpu.enqueue_dma source(%dma_start3A_201 : memref<1280xf32, #tpu.memory_space<hbm>>) target(%arg10 : memref<1280xf32, #tpu.memory_space<vmem>>) target_semaphore(%arg19 : memref<!tpu.dma_semaphore, #tpu.memory_space<semaphore_mem>>)
      %dma_start3A_202 = tpu.memref_slice %arg4[%mul3A_197] : memref<4000000xf32, #tpu.memory_space<hbm>> -> memref<1280xf32, #tpu.memory_space<hbm>>
      %dma_start3A_203 = tpu.memref_slice %arg4[%mul3A_197] : memref<4000000xf32, #tpu.memory_space<hbm>> -> memref<1280xf32, #tpu.memory_space<hbm>>
      tpu.enqueue_dma source(%dma_start3A_203 : memref<1280xf32, #tpu.memory_space<hbm>>) target(%arg12 : memref<1280xf32, #tpu.memory_space<vmem>>) target_semaphore(%arg19 : memref<!tpu.dma_semaphore, #tpu.memory_space<semaphore_mem>>)
    } else {
    }
    %add3A_36 = arith.constant 0 : i32
    %add3A_37 = arith.addi %add3A, %add3A_36 : i32
    %mul3A_38 = arith.constant 1280 : i32
    %mul3A_39 = arith.muli %add3A_37, %mul3A_38 : i32
    %dma_wait3A = tpu.memref_slice %arg2[%mul3A_39] : memref<4000000xi32, #tpu.memory_space<hbm>> -> memref<1280xi32, #tpu.memory_space<hbm>>
    %dma_wait3A_40 = tpu.memref_slice %arg2[%mul3A_39] : memref<4000000xi32, #tpu.memory_space<hbm>> -> memref<1280xi32, #tpu.memory_space<hbm>>
    tpu.wait_dma2 semaphore(%arg18 : memref<!tpu.dma_semaphore, #tpu.memory_space<semaphore_mem>>) src(%dma_wait3A_40 : memref<1280xi32, #tpu.memory_space<hbm>>) dst(%arg7 : memref<1280xi32, #tpu.memory_space<vmem>>)
    %dma_wait3A_41 = tpu.memref_slice %arg3[%mul3A_39] : memref<4000000xf32, #tpu.memory_space<hbm>> -> memref<1280xf32, #tpu.memory_space<hbm>>
    %dma_wait3A_42 = tpu.memref_slice %arg3[%mul3A_39] : memref<4000000xf32, #tpu.memory_space<hbm>> -> memref<1280xf32, #tpu.memory_space<hbm>>
    tpu.wait_dma2 semaphore(%arg18 : memref<!tpu.dma_semaphore, #tpu.memory_space<semaphore_mem>>) src(%dma_wait3A_42 : memref<1280xf32, #tpu.memory_space<hbm>>) dst(%arg9 : memref<1280xf32, #tpu.memory_space<vmem>>)
    %dma_wait3A_43 = tpu.memref_slice %arg4[%mul3A_39] : memref<4000000xf32, #tpu.memory_space<hbm>> -> memref<1280xf32, #tpu.memory_space<hbm>>
    %dma_wait3A_44 = tpu.memref_slice %arg4[%mul3A_39] : memref<4000000xf32, #tpu.memory_space<hbm>> -> memref<1280xf32, #tpu.memory_space<hbm>>
    tpu.wait_dma2 semaphore(%arg18 : memref<!tpu.dma_semaphore, #tpu.memory_space<semaphore_mem>>) src(%dma_wait3A_44 : memref<1280xf32, #tpu.memory_space<hbm>>) dst(%arg11 : memref<1280xf32, #tpu.memory_space<vmem>>)
    %scan3A = arith.constant 0 : i32
    %scan3A_45 = arith.constant 40 : i32
    %scan3A_46 = arith.addi %scan3A, %scan3A_45 : i32
    %scan3A_47 = arith.constant 1 : i32
    scf.for %scan3A_194 = %scan3A to %scan3A_46 step %scan3A_47  : i32 {
      %shift_right_arithmetic3A = arith.constant 3 : i32
      %shift_right_arithmetic3A_195 = arith.shrsi %scan3A_194, %shift_right_arithmetic3A : i32
      %mul3A_196 = arith.constant 256 : i32
      %mul3A_197 = arith.muli %shift_right_arithmetic3A_195, %mul3A_196 : i32
      %and3A_198 = arith.constant 7 : i32
      %and3A_199 = arith.andi %scan3A_194, %and3A_198 : i32
      %mul3A_200 = arith.constant 16 : i32
      %mul3A_201 = arith.muli %and3A_199, %mul3A_200 : i32
      %add3A_202 = arith.addi %mul3A_197, %mul3A_201 : i32
      %get3A = arith.index_cast %add3A_202 : i32 to index
      %get3A_203 = tpu.vector_load %arg7[%get3A] {strides = array<i32>} : memref<1280xi32, #tpu.memory_space<vmem>>, vector<16xi32>,
      %add3A_204 = arith.constant 128 : i32
      %add3A_205 = arith.addi %add3A_202, %add3A_204 : i32
      %get3A_206 = arith.index_cast %add3A_205 : i32 to index
      %get3A_207 = tpu.vector_load %arg7[%get3A_206] {strides = array<i32>} : memref<1280xi32, #tpu.memory_space<vmem>>, vector<16xi32>,
      %mul3A_208 = arith.constant 2048 : i32
      %mul3A_209 = vector.broadcast %mul3A_208 : i32 to vector<16xi32>
      %mul3A_210 = arith.muli %get3A_203, %mul3A_209 : vector<16xi32>
      %add3A_211 = arith.addi %mul3A_210, %get3A_207 : vector<16xi32>
      %and3A_212 = arith.constant 7 : i32
      %and3A_213 = vector.broadcast %and3A_212 : i32 to vector<16xi32>
      %and3A_214 = arith.andi %add3A_211, %and3A_213 : vector<16xi32>
      %eq3A = arith.constant 7 : i32
      %eq3A_215 = vector.broadcast %eq3A : i32 to vector<16xi32>
      %eq3A_216 = arith.cmpi eq, %and3A_214, %eq3A_215 : vector<16xi32>
      %convert_element_type3A_217 = arith.extui %eq3A_216 : vector<16xi1> to vector<16xi32>
      %mul3A_218 = arith.constant 524288 : i32
      %mul3A_219 = vector.broadcast %mul3A_218 : i32 to vector<16xi32>
      %mul3A_220 = arith.muli %convert_element_type3A_217, %mul3A_219 : vector<16xi32>
      %eq3A_221 = arith.constant 7 : i32
      %eq3A_222 = vector.broadcast %eq3A_221 : i32 to vector<16xi32>
      %eq3A_223 = arith.cmpi eq, %and3A_214, %eq3A_222 : vector<16xi32>
      %mul3A_224 = arith.constant 2 : i32
      %mul3A_225 = vector.broadcast %mul3A_224 : i32 to vector<16xi32>
      %mul3A_226 = arith.muli %and3A_214, %mul3A_225 : vector<16xi32>
      %jit3A_227 = arith.constant 6 : i32
      %broadcast_in_dim3A_228 = vector.broadcast %jit3A_227 : i32 to vector<16xi32>
      %select_n3A_229 = arith.select %eq3A_223, %broadcast_in_dim3A_228, %mul3A_226 : vector<16xi1>, vector<16xi32>
      %sub3A_230 = arith.constant 2048 : i32
      %sub3A_231 = vector.broadcast %sub3A_230 : i32 to vector<16xi32>
      %sub3A_232 = arith.subi %add3A_211, %sub3A_231 : vector<16xi32>
      %shift_right_logical3A = arith.constant 3 : i32
      %shift_right_logical3A_233 = vector.broadcast %shift_right_logical3A : i32 to vector<16xi32>
      %shift_right_logical3A_234 = arith.shrui %sub3A_232, %shift_right_logical3A_233 : vector<16xi32>
      %add3A_235 = arith.addi %shift_right_logical3A_234, %mul3A_220 : vector<16xi32>
      %shift_right_logical3A_236 = arith.constant 3 : i32
      %shift_right_logical3A_237 = vector.broadcast %shift_right_logical3A_236 : i32 to vector<16xi32>
      %shift_right_logical3A_238 = arith.shrui %add3A_211, %shift_right_logical3A_237 : vector<16xi32>
      %add3A_239 = arith.addi %shift_right_logical3A_238, %mul3A_220 : vector<16xi32>
      %shift_right_arithmetic3A_240 = arith.constant 3 : i32
      %shift_right_arithmetic3A_241 = arith.shrsi %scan3A_194, %shift_right_arithmetic3A_240 : i32
      %broadcast_in_dim3A_242 = vector.broadcast %shift_right_arithmetic3A_241 : i32 to vector<16xi32>
      %and3A_243 = arith.constant 7 : i32
      %and3A_244 = arith.andi %scan3A_194, %and3A_243 : i32
      %shift_left3A = arith.constant 4 : i32
      %shift_left3A_245 = arith.shli %and3A_244, %shift_left3A : i32
      %broadcast_in_dim3A_246 = vector.broadcast %shift_left3A_245 : i32 to vector<16xi32>
      %add3A_247 = arith.addi %broadcast_in_dim3A_246, %iota3A : vector<16xi32>
      %broadcast_in_dim3A_248 = arith.constant 0 : i32
      %broadcast_in_dim3A_249 = vector.broadcast %broadcast_in_dim3A_248 : i32 to vector<16xi32>
      tpu.vector_store_idx %arg13[%broadcast_in_dim3A_249, %broadcast_in_dim3A_242, %add3A_247], %add3A_235 : memref<3x5x128xi32, #tpu.memory_space<vmem>>[vector<16xi32>, vector<16xi32>, vector<16xi32>], vector<16xi32>,
      %broadcast_in_dim3A_250 = arith.constant 1 : i32
      %broadcast_in_dim3A_251 = vector.broadcast %broadcast_in_dim3A_250 : i32 to vector<16xi32>
      tpu.vector_store_idx %arg13[%broadcast_in_dim3A_251, %broadcast_in_dim3A_242, %add3A_247], %add3A_239 : memref<3x5x128xi32, #tpu.memory_space<vmem>>[vector<16xi32>, vector<16xi32>, vector<16xi32>], vector<16xi32>,
      %broadcast_in_dim3A_252 = arith.constant 2 : i32
      %broadcast_in_dim3A_253 = vector.broadcast %broadcast_in_dim3A_252 : i32 to vector<16xi32>
      tpu.vector_store_idx %arg13[%broadcast_in_dim3A_253, %broadcast_in_dim3A_242, %add3A_247], %select_n3A_229 : memref<3x5x128xi32, #tpu.memory_space<vmem>>[vector<16xi32>, vector<16xi32>, vector<16xi32>], vector<16xi32>,
    }
    %scan3A_48 = arith.constant 40 : i32
    %dma_start3A_49 = arith.constant 0 : i32
    %dma_start3A_50 = arith.constant 0 : i32
    %dma_start3A_51 = arith.constant 0 : i32
    %dma_start3A_52 = arith.constant 0 : i32
    %dma_start3A_53 = arith.constant 0 : i32
    %dma_start3A_54 = arith.constant 0 : i32
    %dma_start3A_55 = tpu.memref_slice %arg15[%dma_start3A_51, %dma_start3A_52, %dma_start3A_53, %dma_start3A_54] : memref<2x5x128x16xf32, #tpu.memory_space<vmem>> -> memref<1x1x128x16xf32, #tpu.memory_space<vmem>>
    %dma_start3A_56 = tpu.memref_squeeze %dma_start3A_55 : memref<1x1x128x16xf32, #tpu.memory_space<vmem>> -> memref<128x16xf32, #tpu.memory_space<vmem>>
    %dma_start3A_57 = arith.constant 0 : i32
    %dma_start3A_58 = tpu.memref_slice %arg13[%dma_start3A_49, %dma_start3A_50, %dma_start3A_57] : memref<3x5x128xi32, #tpu.memory_space<vmem>> -> memref<1x1x128xi32, #tpu.memory_space<vmem>>
    %dma_start3A_59 = tpu.memref_squeeze %dma_start3A_58 : memref<1x1x128xi32, #tpu.memory_space<vmem>> -> memref<128xi32, #tpu.memory_space<vmem>>
    %dma_start3A_60 = arith.constant 0 : i32
    %dma_start3A_61 = arith.constant 0 : i32
    %dma_start3A_62 = tpu.memref_slice %arg5[%dma_start3A_60, %dma_start3A_61] : memref<1048576x16xf32, #tpu.memory_space<hbm>> -> memref<1048576x16xf32, #tpu.memory_space<hbm>>
    tpu.enqueue_indirect_dma source(%dma_start3A_62 : memref<1048576x16xf32, #tpu.memory_space<hbm>>) target(%dma_start3A_56 : memref<128x16xf32, #tpu.memory_space<vmem>>) offsets(%dma_start3A_59 : memref<128xi32, #tpu.memory_space<vmem>>) semaphore(%arg20 : memref<!tpu.dma_semaphore, #tpu.memory_space<semaphore_mem>>)
    %dma_start3A_63 = arith.constant 0 : i32
    %dma_start3A_64 = arith.constant 1 : i32
    %dma_start3A_65 = arith.constant 0 : i32
    %dma_start3A_66 = arith.constant 1 : i32
    %dma_start3A_67 = arith.constant 0 : i32
    %dma_start3A_68 = arith.constant 0 : i32
    %dma_start3A_69 = tpu.memref_slice %arg15[%dma_start3A_65, %dma_start3A_66, %dma_start3A_67, %dma_start3A_68] : memref<2x5x128x16xf32, #tpu.memory_space<vmem>> -> memref<1x1x128x16xf32, #tpu.memory_space<vmem>>
    %dma_start3A_70 = tpu.memref_squeeze %dma_start3A_69 : memref<1x1x128x16xf32, #tpu.memory_space<vmem>> -> memref<128x16xf32, #tpu.memory_space<vmem>>
    %dma_start3A_71 = arith.constant 0 : i32
    %dma_start3A_72 = tpu.memref_slice %arg13[%dma_start3A_63, %dma_start3A_64, %dma_start3A_71] : memref<3x5x128xi32, #tpu.memory_space<vmem>> -> memref<1x1x128xi32, #tpu.memory_space<vmem>>
    %dma_start3A_73 = tpu.memref_squeeze %dma_start3A_72 : memref<1x1x128xi32, #tpu.memory_space<vmem>> -> memref<128xi32, #tpu.memory_space<vmem>>
    %dma_start3A_74 = arith.constant 0 : i32
    %dma_start3A_75 = arith.constant 0 : i32
    %dma_start3A_76 = tpu.memref_slice %arg5[%dma_start3A_74, %dma_start3A_75] : memref<1048576x16xf32, #tpu.memory_space<hbm>> -> memref<1048576x16xf32, #tpu.memory_space<hbm>>
    tpu.enqueue_indirect_dma source(%dma_start3A_76 : memref<1048576x16xf32, #tpu.memory_space<hbm>>) target(%dma_start3A_70 : memref<128x16xf32, #tpu.memory_space<vmem>>) offsets(%dma_start3A_73 : memref<128xi32, #tpu.memory_space<vmem>>) semaphore(%arg20 : memref<!tpu.dma_semaphore, #tpu.memory_space<semaphore_mem>>)
    %dma_start3A_77 = arith.constant 0 : i32
    %dma_start3A_78 = arith.constant 2 : i32
    %dma_start3A_79 = arith.constant 0 : i32
    %dma_start3A_80 = arith.constant 2 : i32
    %dma_start3A_81 = arith.constant 0 : i32
    %dma_start3A_82 = arith.constant 0 : i32
    %dma_start3A_83 = tpu.memref_slice %arg15[%dma_start3A_79, %dma_start3A_80, %dma_start3A_81, %dma_start3A_82] : memref<2x5x128x16xf32, #tpu.memory_space<vmem>> -> memref<1x1x128x16xf32, #tpu.memory_space<vmem>>
    %dma_start3A_84 = tpu.memref_squeeze %dma_start3A_83 : memref<1x1x128x16xf32, #tpu.memory_space<vmem>> -> memref<128x16xf32, #tpu.memory_space<vmem>>
    %dma_start3A_85 = arith.constant 0 : i32
    %dma_start3A_86 = tpu.memref_slice %arg13[%dma_start3A_77, %dma_start3A_78, %dma_start3A_85] : memref<3x5x128xi32, #tpu.memory_space<vmem>> -> memref<1x1x128xi32, #tpu.memory_space<vmem>>
    %dma_start3A_87 = tpu.memref_squeeze %dma_start3A_86 : memref<1x1x128xi32, #tpu.memory_space<vmem>> -> memref<128xi32, #tpu.memory_space<vmem>>
    %dma_start3A_88 = arith.constant 0 : i32
    %dma_start3A_89 = arith.constant 0 : i32
    %dma_start3A_90 = tpu.memref_slice %arg5[%dma_start3A_88, %dma_start3A_89] : memref<1048576x16xf32, #tpu.memory_space<hbm>> -> memref<1048576x16xf32, #tpu.memory_space<hbm>>
    tpu.enqueue_indirect_dma source(%dma_start3A_90 : memref<1048576x16xf32, #tpu.memory_space<hbm>>) target(%dma_start3A_84 : memref<128x16xf32, #tpu.memory_space<vmem>>) offsets(%dma_start3A_87 : memref<128xi32, #tpu.memory_space<vmem>>) semaphore(%arg20 : memref<!tpu.dma_semaphore, #tpu.memory_space<semaphore_mem>>)
    %dma_start3A_91 = arith.constant 0 : i32
    %dma_start3A_92 = arith.constant 3 : i32
    %dma_start3A_93 = arith.constant 0 : i32
    %dma_start3A_94 = arith.constant 3 : i32
    %dma_start3A_95 = arith.constant 0 : i32
    %dma_start3A_96 = arith.constant 0 : i32
    %dma_start3A_97 = tpu.memref_slice %arg15[%dma_start3A_93, %dma_start3A_94, %dma_start3A_95, %dma_start3A_96] : memref<2x5x128x16xf32, #tpu.memory_space<vmem>> -> memref<1x1x128x16xf32, #tpu.memory_space<vmem>>
    %dma_start3A_98 = tpu.memref_squeeze %dma_start3A_97 : memref<1x1x128x16xf32, #tpu.memory_space<vmem>> -> memref<128x16xf32, #tpu.memory_space<vmem>>
    %dma_start3A_99 = arith.constant 0 : i32
    %dma_start3A_100 = tpu.memref_slice %arg13[%dma_start3A_91, %dma_start3A_92, %dma_start3A_99] : memref<3x5x128xi32, #tpu.memory_space<vmem>> -> memref<1x1x128xi32, #tpu.memory_space<vmem>>
    %dma_start3A_101 = tpu.memref_squeeze %dma_start3A_100 : memref<1x1x128xi32, #tpu.memory_space<vmem>> -> memref<128xi32, #tpu.memory_space<vmem>>
    %dma_start3A_102 = arith.constant 0 : i32
    %dma_start3A_103 = arith.constant 0 : i32
    %dma_start3A_104 = tpu.memref_slice %arg5[%dma_start3A_102, %dma_start3A_103] : memref<1048576x16xf32, #tpu.memory_space<hbm>> -> memref<1048576x16xf32, #tpu.memory_space<hbm>>
    tpu.enqueue_indirect_dma source(%dma_start3A_104 : memref<1048576x16xf32, #tpu.memory_space<hbm>>) target(%dma_start3A_98 : memref<128x16xf32, #tpu.memory_space<vmem>>) offsets(%dma_start3A_101 : memref<128xi32, #tpu.memory_space<vmem>>) semaphore(%arg20 : memref<!tpu.dma_semaphore, #tpu.memory_space<semaphore_mem>>)
    %dma_start3A_105 = arith.constant 0 : i32
    %dma_start3A_106 = arith.constant 4 : i32
    %dma_start3A_107 = arith.constant 0 : i32
    %dma_start3A_108 = arith.constant 4 : i32
    %dma_start3A_109 = arith.constant 0 : i32
    %dma_start3A_110 = arith.constant 0 : i32
    %dma_start3A_111 = tpu.memref_slice %arg15[%dma_start3A_107, %dma_start3A_108, %dma_start3A_109, %dma_start3A_110] : memref<2x5x128x16xf32, #tpu.memory_space<vmem>> -> memref<1x1x128x16xf32, #tpu.memory_space<vmem>>
    %dma_start3A_112 = tpu.memref_squeeze %dma_start3A_111 : memref<1x1x128x16xf32, #tpu.memory_space<vmem>> -> memref<128x16xf32, #tpu.memory_space<vmem>>
    %dma_start3A_113 = arith.constant 0 : i32
    %dma_start3A_114 = tpu.memref_slice %arg13[%dma_start3A_105, %dma_start3A_106, %dma_start3A_113] : memref<3x5x128xi32, #tpu.memory_space<vmem>> -> memref<1x1x128xi32, #tpu.memory_space<vmem>>
    %dma_start3A_115 = tpu.memref_squeeze %dma_start3A_114 : memref<1x1x128xi32, #tpu.memory_space<vmem>> -> memref<128xi32, #tpu.memory_space<vmem>>
    %dma_start3A_116 = arith.constant 0 : i32
    %dma_start3A_117 = arith.constant 0 : i32
    %dma_start3A_118 = tpu.memref_slice %arg5[%dma_start3A_116, %dma_start3A_117] : memref<1048576x16xf32, #tpu.memory_space<hbm>> -> memref<1048576x16xf32, #tpu.memory_space<hbm>>
    tpu.enqueue_indirect_dma source(%dma_start3A_118 : memref<1048576x16xf32, #tpu.memory_space<hbm>>) target(%dma_start3A_112 : memref<128x16xf32, #tpu.memory_space<vmem>>) offsets(%dma_start3A_115 : memref<128xi32, #tpu.memory_space<vmem>>) semaphore(%arg20 : memref<!tpu.dma_semaphore, #tpu.memory_space<semaphore_mem>>)
    %dma_start3A_119 = arith.constant 1 : i32
    %dma_start3A_120 = arith.constant 0 : i32
    %dma_start3A_121 = arith.constant 1 : i32
    %dma_start3A_122 = arith.constant 0 : i32
    %dma_start3A_123 = arith.constant 0 : i32
    %dma_start3A_124 = arith.constant 0 : i32
    %dma_start3A_125 = tpu.memref_slice %arg15[%dma_start3A_121, %dma_start3A_122, %dma_start3A_123, %dma_start3A_124] : memref<2x5x128x16xf32, #tpu.memory_space<vmem>> -> memref<1x1x128x16xf32, #tpu.memory_space<vmem>>
    %dma_start3A_126 = tpu.memref_squeeze %dma_start3A_125 : memref<1x1x128x16xf32, #tpu.memory_space<vmem>> -> memref<128x16xf32, #tpu.memory_space<vmem>>
    %dma_start3A_127 = arith.constant 0 : i32
    %dma_start3A_128 = tpu.memref_slice %arg13[%dma_start3A_119, %dma_start3A_120, %dma_start3A_127] : memref<3x5x128xi32, #tpu.memory_space<vmem>> -> memref<1x1x128xi32, #tpu.memory_space<vmem>>
    %dma_start3A_129 = tpu.memref_squeeze %dma_start3A_128 : memref<1x1x128xi32, #tpu.memory_space<vmem>> -> memref<128xi32, #tpu.memory_space<vmem>>
    %dma_start3A_130 = arith.constant 0 : i32
    %dma_start3A_131 = arith.constant 0 : i32
    %dma_start3A_132 = tpu.memref_slice %arg5[%dma_start3A_130, %dma_start3A_131] : memref<1048576x16xf32, #tpu.memory_space<hbm>> -> memref<1048576x16xf32, #tpu.memory_space<hbm>>
    tpu.enqueue_indirect_dma source(%dma_start3A_132 : memref<1048576x16xf32, #tpu.memory_space<hbm>>) target(%dma_start3A_126 : memref<128x16xf32, #tpu.memory_space<vmem>>) offsets(%dma_start3A_129 : memref<128xi32, #tpu.memory_space<vmem>>) semaphore(%arg20 : memref<!tpu.dma_semaphore, #tpu.memory_space<semaphore_mem>>)
    %dma_start3A_133 = arith.constant 1 : i32
    %dma_start3A_134 = arith.constant 1 : i32
    %dma_start3A_135 = arith.constant 1 : i32
    %dma_start3A_136 = arith.constant 1 : i32
    %dma_start3A_137 = arith.constant 0 : i32
    %dma_start3A_138 = arith.constant 0 : i32
    %dma_start3A_139 = tpu.memref_slice %arg15[%dma_start3A_135, %dma_start3A_136, %dma_start3A_137, %dma_start3A_138] : memref<2x5x128x16xf32, #tpu.memory_space<vmem>> -> memref<1x1x128x16xf32, #tpu.memory_space<vmem>>
    %dma_start3A_140 = tpu.memref_squeeze %dma_start3A_139 : memref<1x1x128x16xf32, #tpu.memory_space<vmem>> -> memref<128x16xf32, #tpu.memory_space<vmem>>
    %dma_start3A_141 = arith.constant 0 : i32
    %dma_start3A_142 = tpu.memref_slice %arg13[%dma_start3A_133, %dma_start3A_134, %dma_start3A_141] : memref<3x5x128xi32, #tpu.memory_space<vmem>> -> memref<1x1x128xi32, #tpu.memory_space<vmem>>
    %dma_start3A_143 = tpu.memref_squeeze %dma_start3A_142 : memref<1x1x128xi32, #tpu.memory_space<vmem>> -> memref<128xi32, #tpu.memory_space<vmem>>
    %dma_start3A_144 = arith.constant 0 : i32
    %dma_start3A_145 = arith.constant 0 : i32
    %dma_start3A_146 = tpu.memref_slice %arg5[%dma_start3A_144, %dma_start3A_145] : memref<1048576x16xf32, #tpu.memory_space<hbm>> -> memref<1048576x16xf32, #tpu.memory_space<hbm>>
    tpu.enqueue_indirect_dma source(%dma_start3A_146 : memref<1048576x16xf32, #tpu.memory_space<hbm>>) target(%dma_start3A_140 : memref<128x16xf32, #tpu.memory_space<vmem>>) offsets(%dma_start3A_143 : memref<128xi32, #tpu.memory_space<vmem>>) semaphore(%arg20 : memref<!tpu.dma_semaphore, #tpu.memory_space<semaphore_mem>>)
    %dma_start3A_147 = arith.constant 1 : i32
    %dma_start3A_148 = arith.constant 2 : i32
    %dma_start3A_149 = arith.constant 1 : i32
    %dma_start3A_150 = arith.constant 2 : i32
    %dma_start3A_151 = arith.constant 0 : i32
    %dma_start3A_152 = arith.constant 0 : i32
    %dma_start3A_153 = tpu.memref_slice %arg15[%dma_start3A_149, %dma_start3A_150, %dma_start3A_151, %dma_start3A_152] : memref<2x5x128x16xf32, #tpu.memory_space<vmem>> -> memref<1x1x128x16xf32, #tpu.memory_space<vmem>>
    %dma_start3A_154 = tpu.memref_squeeze %dma_start3A_153 : memref<1x1x128x16xf32, #tpu.memory_space<vmem>> -> memref<128x16xf32, #tpu.memory_space<vmem>>
    %dma_start3A_155 = arith.constant 0 : i32
    %dma_start3A_156 = tpu.memref_slice %arg13[%dma_start3A_147, %dma_start3A_148, %dma_start3A_155] : memref<3x5x128xi32, #tpu.memory_space<vmem>> -> memref<1x1x128xi32, #tpu.memory_space<vmem>>
    %dma_start3A_157 = tpu.memref_squeeze %dma_start3A_156 : memref<1x1x128xi32, #tpu.memory_space<vmem>> -> memref<128xi32, #tpu.memory_space<vmem>>
    %dma_start3A_158 = arith.constant 0 : i32
    %dma_start3A_159 = arith.constant 0 : i32
    %dma_start3A_160 = tpu.memref_slice %arg5[%dma_start3A_158, %dma_start3A_159] : memref<1048576x16xf32, #tpu.memory_space<hbm>> -> memref<1048576x16xf32, #tpu.memory_space<hbm>>
    tpu.enqueue_indirect_dma source(%dma_start3A_160 : memref<1048576x16xf32, #tpu.memory_space<hbm>>) target(%dma_start3A_154 : memref<128x16xf32, #tpu.memory_space<vmem>>) offsets(%dma_start3A_157 : memref<128xi32, #tpu.memory_space<vmem>>) semaphore(%arg20 : memref<!tpu.dma_semaphore, #tpu.memory_space<semaphore_mem>>)
    %dma_start3A_161 = arith.constant 1 : i32
    %dma_start3A_162 = arith.constant 3 : i32
    %dma_start3A_163 = arith.constant 1 : i32
    %dma_start3A_164 = arith.constant 3 : i32
    %dma_start3A_165 = arith.constant 0 : i32
    %dma_start3A_166 = arith.constant 0 : i32
    %dma_start3A_167 = tpu.memref_slice %arg15[%dma_start3A_163, %dma_start3A_164, %dma_start3A_165, %dma_start3A_166] : memref<2x5x128x16xf32, #tpu.memory_space<vmem>> -> memref<1x1x128x16xf32, #tpu.memory_space<vmem>>
    %dma_start3A_168 = tpu.memref_squeeze %dma_start3A_167 : memref<1x1x128x16xf32, #tpu.memory_space<vmem>> -> memref<128x16xf32, #tpu.memory_space<vmem>>
    %dma_start3A_169 = arith.constant 0 : i32
    %dma_start3A_170 = tpu.memref_slice %arg13[%dma_start3A_161, %dma_start3A_162, %dma_start3A_169] : memref<3x5x128xi32, #tpu.memory_space<vmem>> -> memref<1x1x128xi32, #tpu.memory_space<vmem>>
    %dma_start3A_171 = tpu.memref_squeeze %dma_start3A_170 : memref<1x1x128xi32, #tpu.memory_space<vmem>> -> memref<128xi32, #tpu.memory_space<vmem>>
    %dma_start3A_172 = arith.constant 0 : i32
    %dma_start3A_173 = arith.constant 0 : i32
    %dma_start3A_174 = tpu.memref_slice %arg5[%dma_start3A_172, %dma_start3A_173] : memref<1048576x16xf32, #tpu.memory_space<hbm>> -> memref<1048576x16xf32, #tpu.memory_space<hbm>>
    tpu.enqueue_indirect_dma source(%dma_start3A_174 : memref<1048576x16xf32, #tpu.memory_space<hbm>>) target(%dma_start3A_168 : memref<128x16xf32, #tpu.memory_space<vmem>>) offsets(%dma_start3A_171 : memref<128xi32, #tpu.memory_space<vmem>>) semaphore(%arg20 : memref<!tpu.dma_semaphore, #tpu.memory_space<semaphore_mem>>)
    %dma_start3A_175 = arith.constant 1 : i32
    %dma_start3A_176 = arith.constant 4 : i32
    %dma_start3A_177 = arith.constant 1 : i32
    %dma_start3A_178 = arith.constant 4 : i32
    %dma_start3A_179 = arith.constant 0 : i32
    %dma_start3A_180 = arith.constant 0 : i32
    %dma_start3A_181 = tpu.memref_slice %arg15[%dma_start3A_177, %dma_start3A_178, %dma_start3A_179, %dma_start3A_180] : memref<2x5x128x16xf32, #tpu.memory_space<vmem>> -> memref<1x1x128x16xf32, #tpu.memory_space<vmem>>
    %dma_start3A_182 = tpu.memref_squeeze %dma_start3A_181 : memref<1x1x128x16xf32, #tpu.memory_space<vmem>> -> memref<128x16xf32, #tpu.memory_space<vmem>>
    %dma_start3A_183 = arith.constant 0 : i32
    %dma_start3A_184 = tpu.memref_slice %arg13[%dma_start3A_175, %dma_start3A_176, %dma_start3A_183] : memref<3x5x128xi32, #tpu.memory_space<vmem>> -> memref<1x1x128xi32, #tpu.memory_space<vmem>>
    %dma_start3A_185 = tpu.memref_squeeze %dma_start3A_184 : memref<1x1x128xi32, #tpu.memory_space<vmem>> -> memref<128xi32, #tpu.memory_space<vmem>>
    %dma_start3A_186 = arith.constant 0 : i32
    %dma_start3A_187 = arith.constant 0 : i32
    %dma_start3A_188 = tpu.memref_slice %arg5[%dma_start3A_186, %dma_start3A_187] : memref<1048576x16xf32, #tpu.memory_space<hbm>> -> memref<1048576x16xf32, #tpu.memory_space<hbm>>
    tpu.enqueue_indirect_dma source(%dma_start3A_188 : memref<1048576x16xf32, #tpu.memory_space<hbm>>) target(%dma_start3A_182 : memref<128x16xf32, #tpu.memory_space<vmem>>) offsets(%dma_start3A_185 : memref<128xi32, #tpu.memory_space<vmem>>) semaphore(%arg20 : memref<!tpu.dma_semaphore, #tpu.memory_space<semaphore_mem>>)
    %scan3A_189 = arith.constant 0 : i32
    %scan3A_190 = arith.constant 50 : i32
    %scan3A_191 = arith.addi %scan3A_189, %scan3A_190 : i32
    %scan3A_192 = arith.constant 1 : i32
    scf.for %scan3A_194 = %scan3A_189 to %scan3A_191 step %scan3A_192  : i32 {
      %mul3A_195 = arith.constant 2 : i32
      %mul3A_196 = arith.muli %mul3A_195, %scan3A_194 : i32
      %add3A_197 = arith.constant 0 : i32
      %add3A_198 = arith.addi %mul3A_196, %add3A_197 : i32
      %add3A_199 = arith.constant 1 : i32
      %add3A_200 = arith.addi %add3A_198, %add3A_199 : i32
      %lt3A = arith.cmpi slt, %add3A_200, %select_n3A : i32
      %convert_element_type3A_201 = arith.extui %lt3A : i1 to i32
      %cond3A_202 = arith.constant 0 : i32
      %cond3A_203 = arith.cmpi ne, %convert_element_type3A_201, %cond3A_202 : i32
      scf.if %cond3A_203 {
        %add3A_234 = arith.constant 1 : i32
        %add3A_235 = arith.addi %add3A_198, %add3A_234 : i32
        %mul3A_236 = arith.constant 32 : i32
        %mul3A_237 = arith.muli %mul3A_236, %add3A_235 : i32
        %add3A_238 = arith.addi %add3A, %mul3A_237 : i32
        %mul3A_239 = arith.constant 1280 : i32
        %mul3A_240 = arith.muli %add3A_238, %mul3A_239 : i32
        %dma_wait3A_241 = tpu.memref_slice %arg2[%mul3A_240] : memref<4000000xi32, #tpu.memory_space<hbm>> -> memref<1280xi32, #tpu.memory_space<hbm>>
        %dma_wait3A_242 = tpu.memref_slice %arg2[%mul3A_240] : memref<4000000xi32, #tpu.memory_space<hbm>> -> memref<1280xi32, #tpu.memory_space<hbm>>
        tpu.wait_dma2 semaphore(%arg19 : memref<!tpu.dma_semaphore, #tpu.memory_space<semaphore_mem>>) src(%dma_wait3A_242 : memref<1280xi32, #tpu.memory_space<hbm>>) dst(%arg8 : memref<1280xi32, #tpu.memory_space<vmem>>)
        %dma_wait3A_243 = tpu.memref_slice %arg3[%mul3A_240] : memref<4000000xf32, #tpu.memory_space<hbm>> -> memref<1280xf32, #tpu.memory_space<hbm>>
        %dma_wait3A_244 = tpu.memref_slice %arg3[%mul3A_240] : memref<4000000xf32, #tpu.memory_space<hbm>> -> memref<1280xf32, #tpu.memory_space<hbm>>
        tpu.wait_dma2 semaphore(%arg19 : memref<!tpu.dma_semaphore, #tpu.memory_space<semaphore_mem>>) src(%dma_wait3A_244 : memref<1280xf32, #tpu.memory_space<hbm>>) dst(%arg10 : memref<1280xf32, #tpu.memory_space<vmem>>)
        %dma_wait3A_245 = tpu.memref_slice %arg4[%mul3A_240] : memref<4000000xf32, #tpu.memory_space<hbm>> -> memref<1280xf32, #tpu.memory_space<hbm>>
        %dma_wait3A_246 = tpu.memref_slice %arg4[%mul3A_240] : memref<4000000xf32, #tpu.memory_space<hbm>> -> memref<1280xf32, #tpu.memory_space<hbm>>
        tpu.wait_dma2 semaphore(%arg19 : memref<!tpu.dma_semaphore, #tpu.memory_space<semaphore_mem>>) src(%dma_wait3A_246 : memref<1280xf32, #tpu.memory_space<hbm>>) dst(%arg12 : memref<1280xf32, #tpu.memory_space<vmem>>)
        %scan3A_247 = arith.constant 0 : i32
        %scan3A_248 = arith.constant 40 : i32
        %scan3A_249 = arith.addi %scan3A_247, %scan3A_248 : i32
        %scan3A_250 = arith.constant 1 : i32
        scf.for %scan3A_392 = %scan3A_247 to %scan3A_249 step %scan3A_250  : i32 {
          %shift_right_arithmetic3A = arith.constant 3 : i32
          %shift_right_arithmetic3A_393 = arith.shrsi %scan3A_392, %shift_right_arithmetic3A : i32
          %mul3A_394 = arith.constant 256 : i32
          %mul3A_395 = arith.muli %shift_right_arithmetic3A_393, %mul3A_394 : i32
          %and3A_396 = arith.constant 7 : i32
          %and3A_397 = arith.andi %scan3A_392, %and3A_396 : i32
          %mul3A_398 = arith.constant 16 : i32
          %mul3A_399 = arith.muli %and3A_397, %mul3A_398 : i32
          %add3A_400 = arith.addi %mul3A_395, %mul3A_399 : i32
          %get3A = arith.index_cast %add3A_400 : i32 to index
          %get3A_401 = tpu.vector_load %arg8[%get3A] {strides = array<i32>} : memref<1280xi32, #tpu.memory_space<vmem>>, vector<16xi32>,
          %add3A_402 = arith.constant 128 : i32
          %add3A_403 = arith.addi %add3A_400, %add3A_402 : i32
          %get3A_404 = arith.index_cast %add3A_403 : i32 to index
          %get3A_405 = tpu.vector_load %arg8[%get3A_404] {strides = array<i32>} : memref<1280xi32, #tpu.memory_space<vmem>>, vector<16xi32>,
          %mul3A_406 = arith.constant 2048 : i32
          %mul3A_407 = vector.broadcast %mul3A_406 : i32 to vector<16xi32>
          %mul3A_408 = arith.muli %get3A_401, %mul3A_407 : vector<16xi32>
          %add3A_409 = arith.addi %mul3A_408, %get3A_405 : vector<16xi32>
          %and3A_410 = arith.constant 7 : i32
          %and3A_411 = vector.broadcast %and3A_410 : i32 to vector<16xi32>
          %and3A_412 = arith.andi %add3A_409, %and3A_411 : vector<16xi32>
          %eq3A = arith.constant 7 : i32
          %eq3A_413 = vector.broadcast %eq3A : i32 to vector<16xi32>
          %eq3A_414 = arith.cmpi eq, %and3A_412, %eq3A_413 : vector<16xi32>
          %convert_element_type3A_415 = arith.extui %eq3A_414 : vector<16xi1> to vector<16xi32>
          %mul3A_416 = arith.constant 524288 : i32
          %mul3A_417 = vector.broadcast %mul3A_416 : i32 to vector<16xi32>
          %mul3A_418 = arith.muli %convert_element_type3A_415, %mul3A_417 : vector<16xi32>
          %eq3A_419 = arith.constant 7 : i32
          %eq3A_420 = vector.broadcast %eq3A_419 : i32 to vector<16xi32>
          %eq3A_421 = arith.cmpi eq, %and3A_412, %eq3A_420 : vector<16xi32>
          %mul3A_422 = arith.constant 2 : i32
          %mul3A_423 = vector.broadcast %mul3A_422 : i32 to vector<16xi32>
          %mul3A_424 = arith.muli %and3A_412, %mul3A_423 : vector<16xi32>
          %jit3A_425 = arith.constant 6 : i32
          %broadcast_in_dim3A_426 = vector.broadcast %jit3A_425 : i32 to vector<16xi32>
          %select_n3A_427 = arith.select %eq3A_421, %broadcast_in_dim3A_426, %mul3A_424 : vector<16xi1>, vector<16xi32>
          %sub3A_428 = arith.constant 2048 : i32
          %sub3A_429 = vector.broadcast %sub3A_428 : i32 to vector<16xi32>
          %sub3A_430 = arith.subi %add3A_409, %sub3A_429 : vector<16xi32>
          %shift_right_logical3A = arith.constant 3 : i32
          %shift_right_logical3A_431 = vector.broadcast %shift_right_logical3A : i32 to vector<16xi32>
          %shift_right_logical3A_432 = arith.shrui %sub3A_430, %shift_right_logical3A_431 : vector<16xi32>
          %add3A_433 = arith.addi %shift_right_logical3A_432, %mul3A_418 : vector<16xi32>
          %shift_right_logical3A_434 = arith.constant 3 : i32
          %shift_right_logical3A_435 = vector.broadcast %shift_right_logical3A_434 : i32 to vector<16xi32>
          %shift_right_logical3A_436 = arith.shrui %add3A_409, %shift_right_logical3A_435 : vector<16xi32>
          %add3A_437 = arith.addi %shift_right_logical3A_436, %mul3A_418 : vector<16xi32>
          %shift_right_arithmetic3A_438 = arith.constant 3 : i32
          %shift_right_arithmetic3A_439 = arith.shrsi %scan3A_392, %shift_right_arithmetic3A_438 : i32
          %broadcast_in_dim3A_440 = vector.broadcast %shift_right_arithmetic3A_439 : i32 to vector<16xi32>
          %and3A_441 = arith.constant 7 : i32
          %and3A_442 = arith.andi %scan3A_392, %and3A_441 : i32
          %shift_left3A = arith.constant 4 : i32
          %shift_left3A_443 = arith.shli %and3A_442, %shift_left3A : i32
          %broadcast_in_dim3A_444 = vector.broadcast %shift_left3A_443 : i32 to vector<16xi32>
          %add3A_445 = arith.addi %broadcast_in_dim3A_444, %iota3A : vector<16xi32>
          %broadcast_in_dim3A_446 = arith.constant 0 : i32
          %broadcast_in_dim3A_447 = vector.broadcast %broadcast_in_dim3A_446 : i32 to vector<16xi32>
          tpu.vector_store_idx %arg14[%broadcast_in_dim3A_447, %broadcast_in_dim3A_440, %add3A_445], %add3A_433 : memref<3x5x128xi32, #tpu.memory_space<vmem>>[vector<16xi32>, vector<16xi32>, vector<16xi32>], vector<16xi32>,
          %broadcast_in_dim3A_448 = arith.constant 1 : i32
          %broadcast_in_dim3A_449 = vector.broadcast %broadcast_in_dim3A_448 : i32 to vector<16xi32>
          tpu.vector_store_idx %arg14[%broadcast_in_dim3A_449, %broadcast_in_dim3A_440, %add3A_445], %add3A_437 : memref<3x5x128xi32, #tpu.memory_space<vmem>>[vector<16xi32>, vector<16xi32>, vector<16xi32>], vector<16xi32>,
          %broadcast_in_dim3A_450 = arith.constant 2 : i32
          %broadcast_in_dim3A_451 = vector.broadcast %broadcast_in_dim3A_450 : i32 to vector<16xi32>
          tpu.vector_store_idx %arg14[%broadcast_in_dim3A_451, %broadcast_in_dim3A_440, %add3A_445], %select_n3A_427 : memref<3x5x128xi32, #tpu.memory_space<vmem>>[vector<16xi32>, vector<16xi32>, vector<16xi32>], vector<16xi32>,
        }
        %scan3A_251 = arith.constant 40 : i32
        %dma_start3A_252 = arith.constant 0 : i32
        %dma_start3A_253 = arith.constant 0 : i32
        %dma_start3A_254 = arith.constant 0 : i32
        %dma_start3A_255 = arith.constant 0 : i32
        %dma_start3A_256 = arith.constant 0 : i32
        %dma_start3A_257 = arith.constant 0 : i32
        %dma_start3A_258 = tpu.memref_slice %arg16[%dma_start3A_254, %dma_start3A_255, %dma_start3A_256, %dma_start3A_257] : memref<2x5x128x16xf32, #tpu.memory_space<vmem>> -> memref<1x1x128x16xf32, #tpu.memory_space<vmem>>
        %dma_start3A_259 = tpu.memref_squeeze %dma_start3A_258 : memref<1x1x128x16xf32, #tpu.memory_space<vmem>> -> memref<128x16xf32, #tpu.memory_space<vmem>>
        %dma_start3A_260 = arith.constant 0 : i32
        %dma_start3A_261 = tpu.memref_slice %arg14[%dma_start3A_252, %dma_start3A_253, %dma_start3A_260] : memref<3x5x128xi32, #tpu.memory_space<vmem>> -> memref<1x1x128xi32, #tpu.memory_space<vmem>>
        %dma_start3A_262 = tpu.memref_squeeze %dma_start3A_261 : memref<1x1x128xi32, #tpu.memory_space<vmem>> -> memref<128xi32, #tpu.memory_space<vmem>>
        %dma_start3A_263 = arith.constant 0 : i32
        %dma_start3A_264 = arith.constant 0 : i32
        %dma_start3A_265 = tpu.memref_slice %arg5[%dma_start3A_263, %dma_start3A_264] : memref<1048576x16xf32, #tpu.memory_space<hbm>> -> memref<1048576x16xf32, #tpu.memory_space<hbm>>
        tpu.enqueue_indirect_dma source(%dma_start3A_265 : memref<1048576x16xf32, #tpu.memory_space<hbm>>) target(%dma_start3A_259 : memref<128x16xf32, #tpu.memory_space<vmem>>) offsets(%dma_start3A_262 : memref<128xi32, #tpu.memory_space<vmem>>) semaphore(%arg21 : memref<!tpu.dma_semaphore, #tpu.memory_space<semaphore_mem>>)
        %dma_start3A_266 = arith.constant 0 : i32
        %dma_start3A_267 = arith.constant 1 : i32
        %dma_start3A_268 = arith.constant 0 : i32
        %dma_start3A_269 = arith.constant 1 : i32
        %dma_start3A_270 = arith.constant 0 : i32
        %dma_start3A_271 = arith.constant 0 : i32
        %dma_start3A_272 = tpu.memref_slice %arg16[%dma_start3A_268, %dma_start3A_269, %dma_start3A_270, %dma_start3A_271] : memref<2x5x128x16xf32, #tpu.memory_space<vmem>> -> memref<1x1x128x16xf32, #tpu.memory_space<vmem>>
        %dma_start3A_273 = tpu.memref_squeeze %dma_start3A_272 : memref<1x1x128x16xf32, #tpu.memory_space<vmem>> -> memref<128x16xf32, #tpu.memory_space<vmem>>
        %dma_start3A_274 = arith.constant 0 : i32
        %dma_start3A_275 = tpu.memref_slice %arg14[%dma_start3A_266, %dma_start3A_267, %dma_start3A_274] : memref<3x5x128xi32, #tpu.memory_space<vmem>> -> memref<1x1x128xi32, #tpu.memory_space<vmem>>
        %dma_start3A_276 = tpu.memref_squeeze %dma_start3A_275 : memref<1x1x128xi32, #tpu.memory_space<vmem>> -> memref<128xi32, #tpu.memory_space<vmem>>
        %dma_start3A_277 = arith.constant 0 : i32
        %dma_start3A_278 = arith.constant 0 : i32
        %dma_start3A_279 = tpu.memref_slice %arg5[%dma_start3A_277, %dma_start3A_278] : memref<1048576x16xf32, #tpu.memory_space<hbm>> -> memref<1048576x16xf32, #tpu.memory_space<hbm>>
        tpu.enqueue_indirect_dma source(%dma_start3A_279 : memref<1048576x16xf32, #tpu.memory_space<hbm>>) target(%dma_start3A_273 : memref<128x16xf32, #tpu.memory_space<vmem>>) offsets(%dma_start3A_276 : memref<128xi32, #tpu.memory_space<vmem>>) semaphore(%arg21 : memref<!tpu.dma_semaphore, #tpu.memory_space<semaphore_mem>>)
        %dma_start3A_280 = arith.constant 0 : i32
        %dma_start3A_281 = arith.constant 2 : i32
        %dma_start3A_282 = arith.constant 0 : i32
        %dma_start3A_283 = arith.constant 2 : i32
        %dma_start3A_284 = arith.constant 0 : i32
        %dma_start3A_285 = arith.constant 0 : i32
        %dma_start3A_286 = tpu.memref_slice %arg16[%dma_start3A_282, %dma_start3A_283, %dma_start3A_284, %dma_start3A_285] : memref<2x5x128x16xf32, #tpu.memory_space<vmem>> -> memref<1x1x128x16xf32, #tpu.memory_space<vmem>>
        %dma_start3A_287 = tpu.memref_squeeze %dma_start3A_286 : memref<1x1x128x16xf32, #tpu.memory_space<vmem>> -> memref<128x16xf32, #tpu.memory_space<vmem>>
        %dma_start3A_288 = arith.constant 0 : i32
        %dma_start3A_289 = tpu.memref_slice %arg14[%dma_start3A_280, %dma_start3A_281, %dma_start3A_288] : memref<3x5x128xi32, #tpu.memory_space<vmem>> -> memref<1x1x128xi32, #tpu.memory_space<vmem>>
        %dma_start3A_290 = tpu.memref_squeeze %dma_start3A_289 : memref<1x1x128xi32, #tpu.memory_space<vmem>> -> memref<128xi32, #tpu.memory_space<vmem>>
        %dma_start3A_291 = arith.constant 0 : i32
        %dma_start3A_292 = arith.constant 0 : i32
        %dma_start3A_293 = tpu.memref_slice %arg5[%dma_start3A_291, %dma_start3A_292] : memref<1048576x16xf32, #tpu.memory_space<hbm>> -> memref<1048576x16xf32, #tpu.memory_space<hbm>>
        tpu.enqueue_indirect_dma source(%dma_start3A_293 : memref<1048576x16xf32, #tpu.memory_space<hbm>>) target(%dma_start3A_287 : memref<128x16xf32, #tpu.memory_space<vmem>>) offsets(%dma_start3A_290 : memref<128xi32, #tpu.memory_space<vmem>>) semaphore(%arg21 : memref<!tpu.dma_semaphore, #tpu.memory_space<semaphore_mem>>)
        %dma_start3A_294 = arith.constant 0 : i32
        %dma_start3A_295 = arith.constant 3 : i32
        %dma_start3A_296 = arith.constant 0 : i32
        %dma_start3A_297 = arith.constant 3 : i32
        %dma_start3A_298 = arith.constant 0 : i32
        %dma_start3A_299 = arith.constant 0 : i32
        %dma_start3A_300 = tpu.memref_slice %arg16[%dma_start3A_296, %dma_start3A_297, %dma_start3A_298, %dma_start3A_299] : memref<2x5x128x16xf32, #tpu.memory_space<vmem>> -> memref<1x1x128x16xf32, #tpu.memory_space<vmem>>
        %dma_start3A_301 = tpu.memref_squeeze %dma_start3A_300 : memref<1x1x128x16xf32, #tpu.memory_space<vmem>> -> memref<128x16xf32, #tpu.memory_space<vmem>>
        %dma_start3A_302 = arith.constant 0 : i32
        %dma_start3A_303 = tpu.memref_slice %arg14[%dma_start3A_294, %dma_start3A_295, %dma_start3A_302] : memref<3x5x128xi32, #tpu.memory_space<vmem>> -> memref<1x1x128xi32, #tpu.memory_space<vmem>>
        %dma_start3A_304 = tpu.memref_squeeze %dma_start3A_303 : memref<1x1x128xi32, #tpu.memory_space<vmem>> -> memref<128xi32, #tpu.memory_space<vmem>>
        %dma_start3A_305 = arith.constant 0 : i32
        %dma_start3A_306 = arith.constant 0 : i32
        %dma_start3A_307 = tpu.memref_slice %arg5[%dma_start3A_305, %dma_start3A_306] : memref<1048576x16xf32, #tpu.memory_space<hbm>> -> memref<1048576x16xf32, #tpu.memory_space<hbm>>
        tpu.enqueue_indirect_dma source(%dma_start3A_307 : memref<1048576x16xf32, #tpu.memory_space<hbm>>) target(%dma_start3A_301 : memref<128x16xf32, #tpu.memory_space<vmem>>) offsets(%dma_start3A_304 : memref<128xi32, #tpu.memory_space<vmem>>) semaphore(%arg21 : memref<!tpu.dma_semaphore, #tpu.memory_space<semaphore_mem>>)
        %dma_start3A_308 = arith.constant 0 : i32
        %dma_start3A_309 = arith.constant 4 : i32
        %dma_start3A_310 = arith.constant 0 : i32
        %dma_start3A_311 = arith.constant 4 : i32
        %dma_start3A_312 = arith.constant 0 : i32
        %dma_start3A_313 = arith.constant 0 : i32
        %dma_start3A_314 = tpu.memref_slice %arg16[%dma_start3A_310, %dma_start3A_311, %dma_start3A_312, %dma_start3A_313] : memref<2x5x128x16xf32, #tpu.memory_space<vmem>> -> memref<1x1x128x16xf32, #tpu.memory_space<vmem>>
        %dma_start3A_315 = tpu.memref_squeeze %dma_start3A_314 : memref<1x1x128x16xf32, #tpu.memory_space<vmem>> -> memref<128x16xf32, #tpu.memory_space<vmem>>
        %dma_start3A_316 = arith.constant 0 : i32
        %dma_start3A_317 = tpu.memref_slice %arg14[%dma_start3A_308, %dma_start3A_309, %dma_start3A_316] : memref<3x5x128xi32, #tpu.memory_space<vmem>> -> memref<1x1x128xi32, #tpu.memory_space<vmem>>
        %dma_start3A_318 = tpu.memref_squeeze %dma_start3A_317 : memref<1x1x128xi32, #tpu.memory_space<vmem>> -> memref<128xi32, #tpu.memory_space<vmem>>
        %dma_start3A_319 = arith.constant 0 : i32
        %dma_start3A_320 = arith.constant 0 : i32
        %dma_start3A_321 = tpu.memref_slice %arg5[%dma_start3A_319, %dma_start3A_320] : memref<1048576x16xf32, #tpu.memory_space<hbm>> -> memref<1048576x16xf32, #tpu.memory_space<hbm>>
        tpu.enqueue_indirect_dma source(%dma_start3A_321 : memref<1048576x16xf32, #tpu.memory_space<hbm>>) target(%dma_start3A_315 : memref<128x16xf32, #tpu.memory_space<vmem>>) offsets(%dma_start3A_318 : memref<128xi32, #tpu.memory_space<vmem>>) semaphore(%arg21 : memref<!tpu.dma_semaphore, #tpu.memory_space<semaphore_mem>>)
        %dma_start3A_322 = arith.constant 1 : i32
        %dma_start3A_323 = arith.constant 0 : i32
        %dma_start3A_324 = arith.constant 1 : i32
        %dma_start3A_325 = arith.constant 0 : i32
        %dma_start3A_326 = arith.constant 0 : i32
        %dma_start3A_327 = arith.constant 0 : i32
        %dma_start3A_328 = tpu.memref_slice %arg16[%dma_start3A_324, %dma_start3A_325, %dma_start3A_326, %dma_start3A_327] : memref<2x5x128x16xf32, #tpu.memory_space<vmem>> -> memref<1x1x128x16xf32, #tpu.memory_space<vmem>>
        %dma_start3A_329 = tpu.memref_squeeze %dma_start3A_328 : memref<1x1x128x16xf32, #tpu.memory_space<vmem>> -> memref<128x16xf32, #tpu.memory_space<vmem>>
        %dma_start3A_330 = arith.constant 0 : i32
        %dma_start3A_331 = tpu.memref_slice %arg14[%dma_start3A_322, %dma_start3A_323, %dma_start3A_330] : memref<3x5x128xi32, #tpu.memory_space<vmem>> -> memref<1x1x128xi32, #tpu.memory_space<vmem>>
        %dma_start3A_332 = tpu.memref_squeeze %dma_start3A_331 : memref<1x1x128xi32, #tpu.memory_space<vmem>> -> memref<128xi32, #tpu.memory_space<vmem>>
        %dma_start3A_333 = arith.constant 0 : i32
        %dma_start3A_334 = arith.constant 0 : i32
        %dma_start3A_335 = tpu.memref_slice %arg5[%dma_start3A_333, %dma_start3A_334] : memref<1048576x16xf32, #tpu.memory_space<hbm>> -> memref<1048576x16xf32, #tpu.memory_space<hbm>>
        tpu.enqueue_indirect_dma source(%dma_start3A_335 : memref<1048576x16xf32, #tpu.memory_space<hbm>>) target(%dma_start3A_329 : memref<128x16xf32, #tpu.memory_space<vmem>>) offsets(%dma_start3A_332 : memref<128xi32, #tpu.memory_space<vmem>>) semaphore(%arg21 : memref<!tpu.dma_semaphore, #tpu.memory_space<semaphore_mem>>)
        %dma_start3A_336 = arith.constant 1 : i32
        %dma_start3A_337 = arith.constant 1 : i32
        %dma_start3A_338 = arith.constant 1 : i32
        %dma_start3A_339 = arith.constant 1 : i32
        %dma_start3A_340 = arith.constant 0 : i32
        %dma_start3A_341 = arith.constant 0 : i32
        %dma_start3A_342 = tpu.memref_slice %arg16[%dma_start3A_338, %dma_start3A_339, %dma_start3A_340, %dma_start3A_341] : memref<2x5x128x16xf32, #tpu.memory_space<vmem>> -> memref<1x1x128x16xf32, #tpu.memory_space<vmem>>
        %dma_start3A_343 = tpu.memref_squeeze %dma_start3A_342 : memref<1x1x128x16xf32, #tpu.memory_space<vmem>> -> memref<128x16xf32, #tpu.memory_space<vmem>>
        %dma_start3A_344 = arith.constant 0 : i32
        %dma_start3A_345 = tpu.memref_slice %arg14[%dma_start3A_336, %dma_start3A_337, %dma_start3A_344] : memref<3x5x128xi32, #tpu.memory_space<vmem>> -> memref<1x1x128xi32, #tpu.memory_space<vmem>>
        %dma_start3A_346 = tpu.memref_squeeze %dma_start3A_345 : memref<1x1x128xi32, #tpu.memory_space<vmem>> -> memref<128xi32, #tpu.memory_space<vmem>>
        %dma_start3A_347 = arith.constant 0 : i32
        %dma_start3A_348 = arith.constant 0 : i32
        %dma_start3A_349 = tpu.memref_slice %arg5[%dma_start3A_347, %dma_start3A_348] : memref<1048576x16xf32, #tpu.memory_space<hbm>> -> memref<1048576x16xf32, #tpu.memory_space<hbm>>
        tpu.enqueue_indirect_dma source(%dma_start3A_349 : memref<1048576x16xf32, #tpu.memory_space<hbm>>) target(%dma_start3A_343 : memref<128x16xf32, #tpu.memory_space<vmem>>) offsets(%dma_start3A_346 : memref<128xi32, #tpu.memory_space<vmem>>) semaphore(%arg21 : memref<!tpu.dma_semaphore, #tpu.memory_space<semaphore_mem>>)
        %dma_start3A_350 = arith.constant 1 : i32
        %dma_start3A_351 = arith.constant 2 : i32
        %dma_start3A_352 = arith.constant 1 : i32
        %dma_start3A_353 = arith.constant 2 : i32
        %dma_start3A_354 = arith.constant 0 : i32
        %dma_start3A_355 = arith.constant 0 : i32
        %dma_start3A_356 = tpu.memref_slice %arg16[%dma_start3A_352, %dma_start3A_353, %dma_start3A_354, %dma_start3A_355] : memref<2x5x128x16xf32, #tpu.memory_space<vmem>> -> memref<1x1x128x16xf32, #tpu.memory_space<vmem>>
        %dma_start3A_357 = tpu.memref_squeeze %dma_start3A_356 : memref<1x1x128x16xf32, #tpu.memory_space<vmem>> -> memref<128x16xf32, #tpu.memory_space<vmem>>
        %dma_start3A_358 = arith.constant 0 : i32
        %dma_start3A_359 = tpu.memref_slice %arg14[%dma_start3A_350, %dma_start3A_351, %dma_start3A_358] : memref<3x5x128xi32, #tpu.memory_space<vmem>> -> memref<1x1x128xi32, #tpu.memory_space<vmem>>
        %dma_start3A_360 = tpu.memref_squeeze %dma_start3A_359 : memref<1x1x128xi32, #tpu.memory_space<vmem>> -> memref<128xi32, #tpu.memory_space<vmem>>
        %dma_start3A_361 = arith.constant 0 : i32
        %dma_start3A_362 = arith.constant 0 : i32
        %dma_start3A_363 = tpu.memref_slice %arg5[%dma_start3A_361, %dma_start3A_362] : memref<1048576x16xf32, #tpu.memory_space<hbm>> -> memref<1048576x16xf32, #tpu.memory_space<hbm>>
        tpu.enqueue_indirect_dma source(%dma_start3A_363 : memref<1048576x16xf32, #tpu.memory_space<hbm>>) target(%dma_start3A_357 : memref<128x16xf32, #tpu.memory_space<vmem>>) offsets(%dma_start3A_360 : memref<128xi32, #tpu.memory_space<vmem>>) semaphore(%arg21 : memref<!tpu.dma_semaphore, #tpu.memory_space<semaphore_mem>>)
        %dma_start3A_364 = arith.constant 1 : i32
        %dma_start3A_365 = arith.constant 3 : i32
        %dma_start3A_366 = arith.constant 1 : i32
        %dma_start3A_367 = arith.constant 3 : i32
        %dma_start3A_368 = arith.constant 0 : i32
        %dma_start3A_369 = arith.constant 0 : i32
        %dma_start3A_370 = tpu.memref_slice %arg16[%dma_start3A_366, %dma_start3A_367, %dma_start3A_368, %dma_start3A_369] : memref<2x5x128x16xf32, #tpu.memory_space<vmem>> -> memref<1x1x128x16xf32, #tpu.memory_space<vmem>>
        %dma_start3A_371 = tpu.memref_squeeze %dma_start3A_370 : memref<1x1x128x16xf32, #tpu.memory_space<vmem>> -> memref<128x16xf32, #tpu.memory_space<vmem>>
        %dma_start3A_372 = arith.constant 0 : i32
        %dma_start3A_373 = tpu.memref_slice %arg14[%dma_start3A_364, %dma_start3A_365, %dma_start3A_372] : memref<3x5x128xi32, #tpu.memory_space<vmem>> -> memref<1x1x128xi32, #tpu.memory_space<vmem>>
        %dma_start3A_374 = tpu.memref_squeeze %dma_start3A_373 : memref<1x1x128xi32, #tpu.memory_space<vmem>> -> memref<128xi32, #tpu.memory_space<vmem>>
        %dma_start3A_375 = arith.constant 0 : i32
        %dma_start3A_376 = arith.constant 0 : i32
        %dma_start3A_377 = tpu.memref_slice %arg5[%dma_start3A_375, %dma_start3A_376] : memref<1048576x16xf32, #tpu.memory_space<hbm>> -> memref<1048576x16xf32, #tpu.memory_space<hbm>>
        tpu.enqueue_indirect_dma source(%dma_start3A_377 : memref<1048576x16xf32, #tpu.memory_space<hbm>>) target(%dma_start3A_371 : memref<128x16xf32, #tpu.memory_space<vmem>>) offsets(%dma_start3A_374 : memref<128xi32, #tpu.memory_space<vmem>>) semaphore(%arg21 : memref<!tpu.dma_semaphore, #tpu.memory_space<semaphore_mem>>)
        %dma_start3A_378 = arith.constant 1 : i32
        %dma_start3A_379 = arith.constant 4 : i32
        %dma_start3A_380 = arith.constant 1 : i32
        %dma_start3A_381 = arith.constant 4 : i32
        %dma_start3A_382 = arith.constant 0 : i32
        %dma_start3A_383 = arith.constant 0 : i32
        %dma_start3A_384 = tpu.memref_slice %arg16[%dma_start3A_380, %dma_start3A_381, %dma_start3A_382, %dma_start3A_383] : memref<2x5x128x16xf32, #tpu.memory_space<vmem>> -> memref<1x1x128x16xf32, #tpu.memory_space<vmem>>
        %dma_start3A_385 = tpu.memref_squeeze %dma_start3A_384 : memref<1x1x128x16xf32, #tpu.memory_space<vmem>> -> memref<128x16xf32, #tpu.memory_space<vmem>>
        %dma_start3A_386 = arith.constant 0 : i32
        %dma_start3A_387 = tpu.memref_slice %arg14[%dma_start3A_378, %dma_start3A_379, %dma_start3A_386] : memref<3x5x128xi32, #tpu.memory_space<vmem>> -> memref<1x1x128xi32, #tpu.memory_space<vmem>>
        %dma_start3A_388 = tpu.memref_squeeze %dma_start3A_387 : memref<1x1x128xi32, #tpu.memory_space<vmem>> -> memref<128xi32, #tpu.memory_space<vmem>>
        %dma_start3A_389 = arith.constant 0 : i32
        %dma_start3A_390 = arith.constant 0 : i32
        %dma_start3A_391 = tpu.memref_slice %arg5[%dma_start3A_389, %dma_start3A_390] : memref<1048576x16xf32, #tpu.memory_space<hbm>> -> memref<1048576x16xf32, #tpu.memory_space<hbm>>
        tpu.enqueue_indirect_dma source(%dma_start3A_391 : memref<1048576x16xf32, #tpu.memory_space<hbm>>) target(%dma_start3A_385 : memref<128x16xf32, #tpu.memory_space<vmem>>) offsets(%dma_start3A_388 : memref<128xi32, #tpu.memory_space<vmem>>) semaphore(%arg21 : memref<!tpu.dma_semaphore, #tpu.memory_space<semaphore_mem>>)
      } else {
      }
      %lt3A_204 = arith.cmpi slt, %add3A_198, %select_n3A : i32
      %convert_element_type3A_205 = arith.extui %lt3A_204 : i1 to i32
      %cond3A_206 = arith.constant 0 : i32
      %cond3A_207 = arith.cmpi ne, %convert_element_type3A_205, %cond3A_206 : i32
      scf.if %cond3A_207 {
        %dma_wait3A_234 = arith.constant 0 : i32
        %dma_wait3A_235 = arith.constant 0 : i32
        %dma_wait3A_236 = arith.constant 0 : i32
        %dma_wait3A_237 = arith.constant 0 : i32
        %dma_wait3A_238 = arith.constant 0 : i32
        %dma_wait3A_239 = arith.constant 0 : i32
        %dma_wait3A_240 = tpu.memref_slice %arg15[%dma_wait3A_236, %dma_wait3A_237, %dma_wait3A_238, %dma_wait3A_239] : memref<2x5x128x16xf32, #tpu.memory_space<vmem>> -> memref<1x1x128x16xf32, #tpu.memory_space<vmem>>
        %dma_wait3A_241 = tpu.memref_squeeze %dma_wait3A_240 : memref<1x1x128x16xf32, #tpu.memory_space<vmem>> -> memref<128x16xf32, #tpu.memory_space<vmem>>
        %dma_wait3A_242 = arith.constant 0 : i32
        %dma_wait3A_243 = tpu.memref_slice %arg13[%dma_wait3A_234, %dma_wait3A_235, %dma_wait3A_242] : memref<3x5x128xi32, #tpu.memory_space<vmem>> -> memref<1x1x128xi32, #tpu.memory_space<vmem>>
        %dma_wait3A_244 = tpu.memref_squeeze %dma_wait3A_243 : memref<1x1x128xi32, #tpu.memory_space<vmem>> -> memref<128xi32, #tpu.memory_space<vmem>>
        %dma_wait3A_245 = arith.constant 0 : i32
        %dma_wait3A_246 = arith.constant 0 : i32
        %dma_wait3A_247 = tpu.memref_slice %arg5[%dma_wait3A_245, %dma_wait3A_246] : memref<1048576x16xf32, #tpu.memory_space<hbm>> -> memref<1048576x16xf32, #tpu.memory_space<hbm>>
        tpu.wait_indirect_dma semaphore(%arg20 : memref<!tpu.dma_semaphore, #tpu.memory_space<semaphore_mem>>) src(%dma_wait3A_247 : memref<1048576x16xf32, #tpu.memory_space<hbm>>) dst(%dma_wait3A_241 : memref<128x16xf32, #tpu.memory_space<vmem>>)
        %dma_wait3A_248 = arith.constant 0 : i32
        %dma_wait3A_249 = arith.constant 1 : i32
        %dma_wait3A_250 = arith.constant 0 : i32
        %dma_wait3A_251 = arith.constant 1 : i32
        %dma_wait3A_252 = arith.constant 0 : i32
        %dma_wait3A_253 = arith.constant 0 : i32
        %dma_wait3A_254 = tpu.memref_slice %arg15[%dma_wait3A_250, %dma_wait3A_251, %dma_wait3A_252, %dma_wait3A_253] : memref<2x5x128x16xf32, #tpu.memory_space<vmem>> -> memref<1x1x128x16xf32, #tpu.memory_space<vmem>>
        %dma_wait3A_255 = tpu.memref_squeeze %dma_wait3A_254 : memref<1x1x128x16xf32, #tpu.memory_space<vmem>> -> memref<128x16xf32, #tpu.memory_space<vmem>>
        %dma_wait3A_256 = arith.constant 0 : i32
        %dma_wait3A_257 = tpu.memref_slice %arg13[%dma_wait3A_248, %dma_wait3A_249, %dma_wait3A_256] : memref<3x5x128xi32, #tpu.memory_space<vmem>> -> memref<1x1x128xi32, #tpu.memory_space<vmem>>
        %dma_wait3A_258 = tpu.memref_squeeze %dma_wait3A_257 : memref<1x1x128xi32, #tpu.memory_space<vmem>> -> memref<128xi32, #tpu.memory_space<vmem>>
        %dma_wait3A_259 = arith.constant 0 : i32
        %dma_wait3A_260 = arith.constant 0 : i32
        %dma_wait3A_261 = tpu.memref_slice %arg5[%dma_wait3A_259, %dma_wait3A_260] : memref<1048576x16xf32, #tpu.memory_space<hbm>> -> memref<1048576x16xf32, #tpu.memory_space<hbm>>
        tpu.wait_indirect_dma semaphore(%arg20 : memref<!tpu.dma_semaphore, #tpu.memory_space<semaphore_mem>>) src(%dma_wait3A_261 : memref<1048576x16xf32, #tpu.memory_space<hbm>>) dst(%dma_wait3A_255 : memref<128x16xf32, #tpu.memory_space<vmem>>)
        %dma_wait3A_262 = arith.constant 0 : i32
        %dma_wait3A_263 = arith.constant 2 : i32
        %dma_wait3A_264 = arith.constant 0 : i32
        %dma_wait3A_265 = arith.constant 2 : i32
        %dma_wait3A_266 = arith.constant 0 : i32
        %dma_wait3A_267 = arith.constant 0 : i32
        %dma_wait3A_268 = tpu.memref_slice %arg15[%dma_wait3A_264, %dma_wait3A_265, %dma_wait3A_266, %dma_wait3A_267] : memref<2x5x128x16xf32, #tpu.memory_space<vmem>> -> memref<1x1x128x16xf32, #tpu.memory_space<vmem>>
        %dma_wait3A_269 = tpu.memref_squeeze %dma_wait3A_268 : memref<1x1x128x16xf32, #tpu.memory_space<vmem>> -> memref<128x16xf32, #tpu.memory_space<vmem>>
        %dma_wait3A_270 = arith.constant 0 : i32
        %dma_wait3A_271 = tpu.memref_slice %arg13[%dma_wait3A_262, %dma_wait3A_263, %dma_wait3A_270] : memref<3x5x128xi32, #tpu.memory_space<vmem>> -> memref<1x1x128xi32, #tpu.memory_space<vmem>>
        %dma_wait3A_272 = tpu.memref_squeeze %dma_wait3A_271 : memref<1x1x128xi32, #tpu.memory_space<vmem>> -> memref<128xi32, #tpu.memory_space<vmem>>
        %dma_wait3A_273 = arith.constant 0 : i32
        %dma_wait3A_274 = arith.constant 0 : i32
        %dma_wait3A_275 = tpu.memref_slice %arg5[%dma_wait3A_273, %dma_wait3A_274] : memref<1048576x16xf32, #tpu.memory_space<hbm>> -> memref<1048576x16xf32, #tpu.memory_space<hbm>>
        tpu.wait_indirect_dma semaphore(%arg20 : memref<!tpu.dma_semaphore, #tpu.memory_space<semaphore_mem>>) src(%dma_wait3A_275 : memref<1048576x16xf32, #tpu.memory_space<hbm>>) dst(%dma_wait3A_269 : memref<128x16xf32, #tpu.memory_space<vmem>>)
        %dma_wait3A_276 = arith.constant 0 : i32
        %dma_wait3A_277 = arith.constant 3 : i32
        %dma_wait3A_278 = arith.constant 0 : i32
        %dma_wait3A_279 = arith.constant 3 : i32
        %dma_wait3A_280 = arith.constant 0 : i32
        %dma_wait3A_281 = arith.constant 0 : i32
        %dma_wait3A_282 = tpu.memref_slice %arg15[%dma_wait3A_278, %dma_wait3A_279, %dma_wait3A_280, %dma_wait3A_281] : memref<2x5x128x16xf32, #tpu.memory_space<vmem>> -> memref<1x1x128x16xf32, #tpu.memory_space<vmem>>
        %dma_wait3A_283 = tpu.memref_squeeze %dma_wait3A_282 : memref<1x1x128x16xf32, #tpu.memory_space<vmem>> -> memref<128x16xf32, #tpu.memory_space<vmem>>
        %dma_wait3A_284 = arith.constant 0 : i32
        %dma_wait3A_285 = tpu.memref_slice %arg13[%dma_wait3A_276, %dma_wait3A_277, %dma_wait3A_284] : memref<3x5x128xi32, #tpu.memory_space<vmem>> -> memref<1x1x128xi32, #tpu.memory_space<vmem>>
        %dma_wait3A_286 = tpu.memref_squeeze %dma_wait3A_285 : memref<1x1x128xi32, #tpu.memory_space<vmem>> -> memref<128xi32, #tpu.memory_space<vmem>>
        %dma_wait3A_287 = arith.constant 0 : i32
        %dma_wait3A_288 = arith.constant 0 : i32
        %dma_wait3A_289 = tpu.memref_slice %arg5[%dma_wait3A_287, %dma_wait3A_288] : memref<1048576x16xf32, #tpu.memory_space<hbm>> -> memref<1048576x16xf32, #tpu.memory_space<hbm>>
        tpu.wait_indirect_dma semaphore(%arg20 : memref<!tpu.dma_semaphore, #tpu.memory_space<semaphore_mem>>) src(%dma_wait3A_289 : memref<1048576x16xf32, #tpu.memory_space<hbm>>) dst(%dma_wait3A_283 : memref<128x16xf32, #tpu.memory_space<vmem>>)
        %dma_wait3A_290 = arith.constant 0 : i32
        %dma_wait3A_291 = arith.constant 4 : i32
        %dma_wait3A_292 = arith.constant 0 : i32
        %dma_wait3A_293 = arith.constant 4 : i32
        %dma_wait3A_294 = arith.constant 0 : i32
        %dma_wait3A_295 = arith.constant 0 : i32
        %dma_wait3A_296 = tpu.memref_slice %arg15[%dma_wait3A_292, %dma_wait3A_293, %dma_wait3A_294, %dma_wait3A_295] : memref<2x5x128x16xf32, #tpu.memory_space<vmem>> -> memref<1x1x128x16xf32, #tpu.memory_space<vmem>>
        %dma_wait3A_297 = tpu.memref_squeeze %dma_wait3A_296 : memref<1x1x128x16xf32, #tpu.memory_space<vmem>> -> memref<128x16xf32, #tpu.memory_space<vmem>>
        %dma_wait3A_298 = arith.constant 0 : i32
        %dma_wait3A_299 = tpu.memref_slice %arg13[%dma_wait3A_290, %dma_wait3A_291, %dma_wait3A_298] : memref<3x5x128xi32, #tpu.memory_space<vmem>> -> memref<1x1x128xi32, #tpu.memory_space<vmem>>
        %dma_wait3A_300 = tpu.memref_squeeze %dma_wait3A_299 : memref<1x1x128xi32, #tpu.memory_space<vmem>> -> memref<128xi32, #tpu.memory_space<vmem>>
        %dma_wait3A_301 = arith.constant 0 : i32
        %dma_wait3A_302 = arith.constant 0 : i32
        %dma_wait3A_303 = tpu.memref_slice %arg5[%dma_wait3A_301, %dma_wait3A_302] : memref<1048576x16xf32, #tpu.memory_space<hbm>> -> memref<1048576x16xf32, #tpu.memory_space<hbm>>
        tpu.wait_indirect_dma semaphore(%arg20 : memref<!tpu.dma_semaphore, #tpu.memory_space<semaphore_mem>>) src(%dma_wait3A_303 : memref<1048576x16xf32, #tpu.memory_space<hbm>>) dst(%dma_wait3A_297 : memref<128x16xf32, #tpu.memory_space<vmem>>)
        %dma_wait3A_304 = arith.constant 1 : i32
        %dma_wait3A_305 = arith.constant 0 : i32
        %dma_wait3A_306 = arith.constant 1 : i32
        %dma_wait3A_307 = arith.constant 0 : i32
        %dma_wait3A_308 = arith.constant 0 : i32
        %dma_wait3A_309 = arith.constant 0 : i32
        %dma_wait3A_310 = tpu.memref_slice %arg15[%dma_wait3A_306, %dma_wait3A_307, %dma_wait3A_308, %dma_wait3A_309] : memref<2x5x128x16xf32, #tpu.memory_space<vmem>> -> memref<1x1x128x16xf32, #tpu.memory_space<vmem>>
        %dma_wait3A_311 = tpu.memref_squeeze %dma_wait3A_310 : memref<1x1x128x16xf32, #tpu.memory_space<vmem>> -> memref<128x16xf32, #tpu.memory_space<vmem>>
        %dma_wait3A_312 = arith.constant 0 : i32
        %dma_wait3A_313 = tpu.memref_slice %arg13[%dma_wait3A_304, %dma_wait3A_305, %dma_wait3A_312] : memref<3x5x128xi32, #tpu.memory_space<vmem>> -> memref<1x1x128xi32, #tpu.memory_space<vmem>>
        %dma_wait3A_314 = tpu.memref_squeeze %dma_wait3A_313 : memref<1x1x128xi32, #tpu.memory_space<vmem>> -> memref<128xi32, #tpu.memory_space<vmem>>
        %dma_wait3A_315 = arith.constant 0 : i32
        %dma_wait3A_316 = arith.constant 0 : i32
        %dma_wait3A_317 = tpu.memref_slice %arg5[%dma_wait3A_315, %dma_wait3A_316] : memref<1048576x16xf32, #tpu.memory_space<hbm>> -> memref<1048576x16xf32, #tpu.memory_space<hbm>>
        tpu.wait_indirect_dma semaphore(%arg20 : memref<!tpu.dma_semaphore, #tpu.memory_space<semaphore_mem>>) src(%dma_wait3A_317 : memref<1048576x16xf32, #tpu.memory_space<hbm>>) dst(%dma_wait3A_311 : memref<128x16xf32, #tpu.memory_space<vmem>>)
        %dma_wait3A_318 = arith.constant 1 : i32
        %dma_wait3A_319 = arith.constant 1 : i32
        %dma_wait3A_320 = arith.constant 1 : i32
        %dma_wait3A_321 = arith.constant 1 : i32
        %dma_wait3A_322 = arith.constant 0 : i32
        %dma_wait3A_323 = arith.constant 0 : i32
        %dma_wait3A_324 = tpu.memref_slice %arg15[%dma_wait3A_320, %dma_wait3A_321, %dma_wait3A_322, %dma_wait3A_323] : memref<2x5x128x16xf32, #tpu.memory_space<vmem>> -> memref<1x1x128x16xf32, #tpu.memory_space<vmem>>
        %dma_wait3A_325 = tpu.memref_squeeze %dma_wait3A_324 : memref<1x1x128x16xf32, #tpu.memory_space<vmem>> -> memref<128x16xf32, #tpu.memory_space<vmem>>
        %dma_wait3A_326 = arith.constant 0 : i32
        %dma_wait3A_327 = tpu.memref_slice %arg13[%dma_wait3A_318, %dma_wait3A_319, %dma_wait3A_326] : memref<3x5x128xi32, #tpu.memory_space<vmem>> -> memref<1x1x128xi32, #tpu.memory_space<vmem>>
        %dma_wait3A_328 = tpu.memref_squeeze %dma_wait3A_327 : memref<1x1x128xi32, #tpu.memory_space<vmem>> -> memref<128xi32, #tpu.memory_space<vmem>>
        %dma_wait3A_329 = arith.constant 0 : i32
        %dma_wait3A_330 = arith.constant 0 : i32
        %dma_wait3A_331 = tpu.memref_slice %arg5[%dma_wait3A_329, %dma_wait3A_330] : memref<1048576x16xf32, #tpu.memory_space<hbm>> -> memref<1048576x16xf32, #tpu.memory_space<hbm>>
        tpu.wait_indirect_dma semaphore(%arg20 : memref<!tpu.dma_semaphore, #tpu.memory_space<semaphore_mem>>) src(%dma_wait3A_331 : memref<1048576x16xf32, #tpu.memory_space<hbm>>) dst(%dma_wait3A_325 : memref<128x16xf32, #tpu.memory_space<vmem>>)
        %dma_wait3A_332 = arith.constant 1 : i32
        %dma_wait3A_333 = arith.constant 2 : i32
        %dma_wait3A_334 = arith.constant 1 : i32
        %dma_wait3A_335 = arith.constant 2 : i32
        %dma_wait3A_336 = arith.constant 0 : i32
        %dma_wait3A_337 = arith.constant 0 : i32
        %dma_wait3A_338 = tpu.memref_slice %arg15[%dma_wait3A_334, %dma_wait3A_335, %dma_wait3A_336, %dma_wait3A_337] : memref<2x5x128x16xf32, #tpu.memory_space<vmem>> -> memref<1x1x128x16xf32, #tpu.memory_space<vmem>>
        %dma_wait3A_339 = tpu.memref_squeeze %dma_wait3A_338 : memref<1x1x128x16xf32, #tpu.memory_space<vmem>> -> memref<128x16xf32, #tpu.memory_space<vmem>>
        %dma_wait3A_340 = arith.constant 0 : i32
        %dma_wait3A_341 = tpu.memref_slice %arg13[%dma_wait3A_332, %dma_wait3A_333, %dma_wait3A_340] : memref<3x5x128xi32, #tpu.memory_space<vmem>> -> memref<1x1x128xi32, #tpu.memory_space<vmem>>
        %dma_wait3A_342 = tpu.memref_squeeze %dma_wait3A_341 : memref<1x1x128xi32, #tpu.memory_space<vmem>> -> memref<128xi32, #tpu.memory_space<vmem>>
        %dma_wait3A_343 = arith.constant 0 : i32
        %dma_wait3A_344 = arith.constant 0 : i32
        %dma_wait3A_345 = tpu.memref_slice %arg5[%dma_wait3A_343, %dma_wait3A_344] : memref<1048576x16xf32, #tpu.memory_space<hbm>> -> memref<1048576x16xf32, #tpu.memory_space<hbm>>
        tpu.wait_indirect_dma semaphore(%arg20 : memref<!tpu.dma_semaphore, #tpu.memory_space<semaphore_mem>>) src(%dma_wait3A_345 : memref<1048576x16xf32, #tpu.memory_space<hbm>>) dst(%dma_wait3A_339 : memref<128x16xf32, #tpu.memory_space<vmem>>)
        %dma_wait3A_346 = arith.constant 1 : i32
        %dma_wait3A_347 = arith.constant 3 : i32
        %dma_wait3A_348 = arith.constant 1 : i32
        %dma_wait3A_349 = arith.constant 3 : i32
        %dma_wait3A_350 = arith.constant 0 : i32
        %dma_wait3A_351 = arith.constant 0 : i32
        %dma_wait3A_352 = tpu.memref_slice %arg15[%dma_wait3A_348, %dma_wait3A_349, %dma_wait3A_350, %dma_wait3A_351] : memref<2x5x128x16xf32, #tpu.memory_space<vmem>> -> memref<1x1x128x16xf32, #tpu.memory_space<vmem>>
        %dma_wait3A_353 = tpu.memref_squeeze %dma_wait3A_352 : memref<1x1x128x16xf32, #tpu.memory_space<vmem>> -> memref<128x16xf32, #tpu.memory_space<vmem>>
        %dma_wait3A_354 = arith.constant 0 : i32
        %dma_wait3A_355 = tpu.memref_slice %arg13[%dma_wait3A_346, %dma_wait3A_347, %dma_wait3A_354] : memref<3x5x128xi32, #tpu.memory_space<vmem>> -> memref<1x1x128xi32, #tpu.memory_space<vmem>>
        %dma_wait3A_356 = tpu.memref_squeeze %dma_wait3A_355 : memref<1x1x128xi32, #tpu.memory_space<vmem>> -> memref<128xi32, #tpu.memory_space<vmem>>
        %dma_wait3A_357 = arith.constant 0 : i32
        %dma_wait3A_358 = arith.constant 0 : i32
        %dma_wait3A_359 = tpu.memref_slice %arg5[%dma_wait3A_357, %dma_wait3A_358] : memref<1048576x16xf32, #tpu.memory_space<hbm>> -> memref<1048576x16xf32, #tpu.memory_space<hbm>>
        tpu.wait_indirect_dma semaphore(%arg20 : memref<!tpu.dma_semaphore, #tpu.memory_space<semaphore_mem>>) src(%dma_wait3A_359 : memref<1048576x16xf32, #tpu.memory_space<hbm>>) dst(%dma_wait3A_353 : memref<128x16xf32, #tpu.memory_space<vmem>>)
        %dma_wait3A_360 = arith.constant 1 : i32
        %dma_wait3A_361 = arith.constant 4 : i32
        %dma_wait3A_362 = arith.constant 1 : i32
        %dma_wait3A_363 = arith.constant 4 : i32
        %dma_wait3A_364 = arith.constant 0 : i32
        %dma_wait3A_365 = arith.constant 0 : i32
        %dma_wait3A_366 = tpu.memref_slice %arg15[%dma_wait3A_362, %dma_wait3A_363, %dma_wait3A_364, %dma_wait3A_365] : memref<2x5x128x16xf32, #tpu.memory_space<vmem>> -> memref<1x1x128x16xf32, #tpu.memory_space<vmem>>
        %dma_wait3A_367 = tpu.memref_squeeze %dma_wait3A_366 : memref<1x1x128x16xf32, #tpu.memory_space<vmem>> -> memref<128x16xf32, #tpu.memory_space<vmem>>
        %dma_wait3A_368 = arith.constant 0 : i32
        %dma_wait3A_369 = tpu.memref_slice %arg13[%dma_wait3A_360, %dma_wait3A_361, %dma_wait3A_368] : memref<3x5x128xi32, #tpu.memory_space<vmem>> -> memref<1x1x128xi32, #tpu.memory_space<vmem>>
        %dma_wait3A_370 = tpu.memref_squeeze %dma_wait3A_369 : memref<1x1x128xi32, #tpu.memory_space<vmem>> -> memref<128xi32, #tpu.memory_space<vmem>>
        %dma_wait3A_371 = arith.constant 0 : i32
        %dma_wait3A_372 = arith.constant 0 : i32
        %dma_wait3A_373 = tpu.memref_slice %arg5[%dma_wait3A_371, %dma_wait3A_372] : memref<1048576x16xf32, #tpu.memory_space<hbm>> -> memref<1048576x16xf32, #tpu.memory_space<hbm>>
        tpu.wait_indirect_dma semaphore(%arg20 : memref<!tpu.dma_semaphore, #tpu.memory_space<semaphore_mem>>) src(%dma_wait3A_373 : memref<1048576x16xf32, #tpu.memory_space<hbm>>) dst(%dma_wait3A_367 : memref<128x16xf32, #tpu.memory_space<vmem>>)
        %broadcast_in_dim3A_374 = arith.constant 0.000000e+00 : f32
        %broadcast_in_dim3A_375 = vector.broadcast %broadcast_in_dim3A_374 : f32 to vector<16xf32>
        %scan3A_376 = arith.constant 0 : i32
        %scan3A_377 = arith.constant 80 : i32
        %scan3A_378 = arith.addi %scan3A_376, %scan3A_377 : i32
        %scan3A_379 = arith.constant 1 : i32
        %scan3A_380 = scf.for %scan3A_386 = %scan3A_376 to %scan3A_378 step %scan3A_379 iter_args(%scan3A_387 = %broadcast_in_dim3A_375) -> (vector<16xf32>)  : i32 {
          %shift_right_arithmetic3A = arith.constant 4 : i32
          %shift_right_arithmetic3A_388 = arith.shrsi %scan3A_386, %shift_right_arithmetic3A : i32
          %broadcast_in_dim3A_389 = vector.broadcast %shift_right_arithmetic3A_388 : i32 to vector<16xi32>
          %and3A_390 = arith.constant 7 : i32
          %and3A_391 = arith.andi %scan3A_386, %and3A_390 : i32
          %shift_left3A = arith.constant 4 : i32
          %shift_left3A_392 = arith.shli %and3A_391, %shift_left3A : i32
          %broadcast_in_dim3A_393 = vector.broadcast %shift_left3A_392 : i32 to vector<16xi32>
          %add3A_394 = arith.addi %broadcast_in_dim3A_393, %iota3A : vector<16xi32>
          %shift_right_arithmetic3A_395 = arith.constant 3 : i32
          %shift_right_arithmetic3A_396 = arith.shrsi %scan3A_386, %shift_right_arithmetic3A_395 : i32
          %and3A_397 = arith.constant 1 : i32
          %and3A_398 = arith.andi %shift_right_arithmetic3A_396, %and3A_397 : i32
          %broadcast_in_dim3A_399 = vector.broadcast %and3A_398 : i32 to vector<16xi32>
          %broadcast_in_dim3A_400 = arith.constant 2 : i32
          %broadcast_in_dim3A_401 = vector.broadcast %broadcast_in_dim3A_400 : i32 to vector<16xi32>
          %gather3A = tpu.vector_load_idx %arg13[%broadcast_in_dim3A_401, %broadcast_in_dim3A_389, %add3A_394] : memref<3x5x128xi32, #tpu.memory_space<vmem>>[vector<16xi32>, vector<16xi32>, vector<16xi32>], vector<16xi32>,
          %add3A_402 = arith.addi %gather3A, %broadcast_in_dim3A_399 : vector<16xi32>
          %add3A_403 = arith.constant 2 : i32
          %add3A_404 = vector.broadcast %add3A_403 : i32 to vector<16xi32>
          %add3A_405 = arith.addi %add3A_402, %add3A_404 : vector<16xi32>
          %broadcast_in_dim3A_406 = arith.constant 0 : i32
          %broadcast_in_dim3A_407 = vector.broadcast %broadcast_in_dim3A_406 : i32 to vector<16xi32>
          %gather3A_408 = tpu.vector_load_idx %arg15[%broadcast_in_dim3A_407, %broadcast_in_dim3A_389, %add3A_394, %add3A_402] : memref<2x5x128x16xf32, #tpu.memory_space<vmem>>[vector<16xi32>, vector<16xi32>, vector<16xi32>, vector<16xi32>], vector<16xf32>,
          %broadcast_in_dim3A_409 = arith.constant 0 : i32
          %broadcast_in_dim3A_410 = vector.broadcast %broadcast_in_dim3A_409 : i32 to vector<16xi32>
          %gather3A_411 = tpu.vector_load_idx %arg15[%broadcast_in_dim3A_410, %broadcast_in_dim3A_389, %add3A_394, %add3A_405] : memref<2x5x128x16xf32, #tpu.memory_space<vmem>>[vector<16xi32>, vector<16xi32>, vector<16xi32>, vector<16xi32>], vector<16xf32>,
          %broadcast_in_dim3A_412 = arith.constant 1 : i32
          %broadcast_in_dim3A_413 = vector.broadcast %broadcast_in_dim3A_412 : i32 to vector<16xi32>
          %gather3A_414 = tpu.vector_load_idx %arg15[%broadcast_in_dim3A_413, %broadcast_in_dim3A_389, %add3A_394, %add3A_402] : memref<2x5x128x16xf32, #tpu.memory_space<vmem>>[vector<16xi32>, vector<16xi32>, vector<16xi32>, vector<16xi32>], vector<16xf32>,
          %broadcast_in_dim3A_415 = arith.constant 1 : i32
          %broadcast_in_dim3A_416 = vector.broadcast %broadcast_in_dim3A_415 : i32 to vector<16xi32>
          %gather3A_417 = tpu.vector_load_idx %arg15[%broadcast_in_dim3A_416, %broadcast_in_dim3A_389, %add3A_394, %add3A_405] : memref<2x5x128x16xf32, #tpu.memory_space<vmem>>[vector<16xi32>, vector<16xi32>, vector<16xi32>, vector<16xi32>], vector<16xf32>,
          %mul3A_418 = arith.constant 16 : i32
          %mul3A_419 = arith.muli %scan3A_386, %mul3A_418 : i32
          %get3A_420 = arith.index_cast %mul3A_419 : i32 to index
          %get3A_421 = tpu.vector_load %arg9[%get3A_420] {strides = array<i32>} : memref<1280xf32, #tpu.memory_space<vmem>>, vector<16xf32>,
          %mul3A_422 = arith.constant 16 : i32
          %mul3A_423 = arith.muli %scan3A_386, %mul3A_422 : i32
          %get3A_424 = arith.index_cast %mul3A_423 : i32 to index
          %get3A_425 = tpu.vector_load %arg11[%get3A_424] {strides = array<i32>} : memref<1280xf32, #tpu.memory_space<vmem>>, vector<16xf32>,
          %sub3A_426 = arith.subf %get3A_425, %gather3A_414 : vector<16xf32>
          %sub3A_427 = arith.subf %gather3A_414, %gather3A_417 : vector<16xf32>
          %mul3A_428 = arith.constant 1.500000e+00 : f32
          %mul3A_429 = vector.broadcast %mul3A_428 : f32 to vector<16xf32>
          %mul3A_430 = arith.mulf %mul3A_429, %sub3A_427 : vector<16xf32>
          %sub3A_431 = arith.subf %gather3A_411, %gather3A_408 : vector<16xf32>
          %mul3A_432 = arith.constant 5.000000e-01 : f32
          %mul3A_433 = vector.broadcast %mul3A_432 : f32 to vector<16xf32>
          %mul3A_434 = arith.mulf %mul3A_433, %sub3A_431 : vector<16xf32>
          %add3A_435 = arith.addf %mul3A_430, %mul3A_434 : vector<16xf32>
          %mul3A_436 = arith.constant 2.500000e+00 : f32
          %mul3A_437 = vector.broadcast %mul3A_436 : f32 to vector<16xf32>
          %mul3A_438 = arith.mulf %mul3A_437, %gather3A_414 : vector<16xf32>
          %sub3A_439 = arith.subf %gather3A_408, %mul3A_438 : vector<16xf32>
          %mul3A_440 = arith.constant 2.000000e+00 : f32
          %mul3A_441 = vector.broadcast %mul3A_440 : f32 to vector<16xf32>
          %mul3A_442 = arith.mulf %mul3A_441, %gather3A_417 : vector<16xf32>
          %add3A_443 = arith.addf %sub3A_439, %mul3A_442 : vector<16xf32>
          %mul3A_444 = arith.constant 5.000000e-01 : f32
          %mul3A_445 = vector.broadcast %mul3A_444 : f32 to vector<16xf32>
          %mul3A_446 = arith.mulf %mul3A_445, %gather3A_411 : vector<16xf32>
          %sub3A_447 = arith.subf %add3A_443, %mul3A_446 : vector<16xf32>
          %sub3A_448 = arith.subf %gather3A_417, %gather3A_408 : vector<16xf32>
          %mul3A_449 = arith.constant 5.000000e-01 : f32
          %mul3A_450 = vector.broadcast %mul3A_449 : f32 to vector<16xf32>
          %mul3A_451 = arith.mulf %mul3A_450, %sub3A_448 : vector<16xf32>
          %mul3A_452 = arith.mulf %add3A_435, %sub3A_426 : vector<16xf32>
          %add3A_453 = arith.addf %mul3A_452, %sub3A_447 : vector<16xf32>
          %mul3A_454 = arith.mulf %add3A_453, %sub3A_426 : vector<16xf32>
          %add3A_455 = arith.addf %mul3A_454, %mul3A_451 : vector<16xf32>
          %mul3A_456 = arith.mulf %add3A_455, %sub3A_426 : vector<16xf32>
          %add3A_457 = arith.addf %mul3A_456, %gather3A_414 : vector<16xf32>
          %sub3A_458 = arith.subf %get3A_421, %add3A_457 : vector<16xf32>
          %mul3A_459 = arith.mulf %sub3A_458, %sub3A_458 : vector<16xf32>
          %add3A_460 = arith.addf %scan3A_387, %mul3A_459 : vector<16xf32>
          scf.yield %add3A_460 : vector<16xf32>
        }
        %scan3A_381 = arith.constant 80 : i32
        %get3A = arith.constant 0 : index
        %get3A_382 = tpu.vector_load %arg17[%get3A] {strides = array<i32>} : memref<16xf32, #tpu.memory_space<vmem>>, vector<16xf32>,
        %add3A_383 = arith.addf %get3A_382, %scan3A_380 : vector<16xf32>
        %swap3A_384 = arith.constant 0 : index
        %swap3A_385 = tpu.vector_load %arg17[%swap3A_384] {strides = array<i32>} : memref<16xf32, #tpu.memory_space<vmem>>, vector<16xf32>,
        tpu.vector_store %arg17[%swap3A_384], %add3A_383 {strides = array<i32>} : memref<16xf32, #tpu.memory_space<vmem>>, vector<16xf32>,
      } else {
      }
      %add3A_208 = arith.constant 2 : i32
      %add3A_209 = arith.addi %add3A_198, %add3A_208 : i32
      %lt3A_210 = arith.cmpi slt, %add3A_209, %select_n3A : i32
      %convert_element_type3A_211 = arith.extui %lt3A_210 : i1 to i32
      %cond3A_212 = arith.constant 0 : i32
      %cond3A_213 = arith.cmpi ne, %convert_element_type3A_211, %cond3A_212 : i32
      scf.if %cond3A_213 {
        %add3A_234 = arith.constant 2 : i32
        %add3A_235 = arith.addi %add3A_198, %add3A_234 : i32
        %mul3A_236 = arith.constant 32 : i32
        %mul3A_237 = arith.muli %mul3A_236, %add3A_235 : i32
        %add3A_238 = arith.addi %add3A, %mul3A_237 : i32
        %mul3A_239 = arith.constant 1280 : i32
        %mul3A_240 = arith.muli %add3A_238, %mul3A_239 : i32
        %dma_start3A_241 = tpu.memref_slice %arg2[%mul3A_240] : memref<4000000xi32, #tpu.memory_space<hbm>> -> memref<1280xi32, #tpu.memory_space<hbm>>
        %dma_start3A_242 = tpu.memref_slice %arg2[%mul3A_240] : memref<4000000xi32, #tpu.memory_space<hbm>> -> memref<1280xi32, #tpu.memory_space<hbm>>
        tpu.enqueue_dma source(%dma_start3A_242 : memref<1280xi32, #tpu.memory_space<hbm>>) target(%arg7 : memref<1280xi32, #tpu.memory_space<vmem>>) target_semaphore(%arg18 : memref<!tpu.dma_semaphore, #tpu.memory_space<semaphore_mem>>)
        %dma_start3A_243 = tpu.memref_slice %arg3[%mul3A_240] : memref<4000000xf32, #tpu.memory_space<hbm>> -> memref<1280xf32, #tpu.memory_space<hbm>>
        %dma_start3A_244 = tpu.memref_slice %arg3[%mul3A_240] : memref<4000000xf32, #tpu.memory_space<hbm>> -> memref<1280xf32, #tpu.memory_space<hbm>>
        tpu.enqueue_dma source(%dma_start3A_244 : memref<1280xf32, #tpu.memory_space<hbm>>) target(%arg9 : memref<1280xf32, #tpu.memory_space<vmem>>) target_semaphore(%arg18 : memref<!tpu.dma_semaphore, #tpu.memory_space<semaphore_mem>>)
        %dma_start3A_245 = tpu.memref_slice %arg4[%mul3A_240] : memref<4000000xf32, #tpu.memory_space<hbm>> -> memref<1280xf32, #tpu.memory_space<hbm>>
        %dma_start3A_246 = tpu.memref_slice %arg4[%mul3A_240] : memref<4000000xf32, #tpu.memory_space<hbm>> -> memref<1280xf32, #tpu.memory_space<hbm>>
        tpu.enqueue_dma source(%dma_start3A_246 : memref<1280xf32, #tpu.memory_space<hbm>>) target(%arg11 : memref<1280xf32, #tpu.memory_space<vmem>>) target_semaphore(%arg18 : memref<!tpu.dma_semaphore, #tpu.memory_space<semaphore_mem>>)
      } else {
      }
      %mul3A_214 = arith.constant 2 : i32
      %mul3A_215 = arith.muli %mul3A_214, %scan3A_194 : i32
      %add3A_216 = arith.constant 1 : i32
      %add3A_217 = arith.addi %mul3A_215, %add3A_216 : i32
      %add3A_218 = arith.constant 1 : i32
      %add3A_219 = arith.addi %add3A_217, %add3A_218 : i32
      %lt3A_220 = arith.cmpi slt, %add3A_219, %select_n3A : i32
      %convert_element_type3A_221 = arith.extui %lt3A_220 : i1 to i32
      %cond3A_222 = arith.constant 0 : i32
      %cond3A_223 = arith.cmpi ne, %convert_element_type3A_221, %cond3A_222 : i32
      scf.if %cond3A_223 {
        %add3A_234 = arith.constant 1 : i32
        %add3A_235 = arith.addi %add3A_217, %add3A_234 : i32
        %mul3A_236 = arith.constant 32 : i32
        %mul3A_237 = arith.muli %mul3A_236, %add3A_235 : i32
        %add3A_238 = arith.addi %add3A, %mul3A_237 : i32
        %mul3A_239 = arith.constant 1280 : i32
        %mul3A_240 = arith.muli %add3A_238, %mul3A_239 : i32
        %dma_wait3A_241 = tpu.memref_slice %arg2[%mul3A_240] : memref<4000000xi32, #tpu.memory_space<hbm>> -> memref<1280xi32, #tpu.memory_space<hbm>>
        %dma_wait3A_242 = tpu.memref_slice %arg2[%mul3A_240] : memref<4000000xi32, #tpu.memory_space<hbm>> -> memref<1280xi32, #tpu.memory_space<hbm>>
        tpu.wait_dma2 semaphore(%arg18 : memref<!tpu.dma_semaphore, #tpu.memory_space<semaphore_mem>>) src(%dma_wait3A_242 : memref<1280xi32, #tpu.memory_space<hbm>>) dst(%arg7 : memref<1280xi32, #tpu.memory_space<vmem>>)
        %dma_wait3A_243 = tpu.memref_slice %arg3[%mul3A_240] : memref<4000000xf32, #tpu.memory_space<hbm>> -> memref<1280xf32, #tpu.memory_space<hbm>>
        %dma_wait3A_244 = tpu.memref_slice %arg3[%mul3A_240] : memref<4000000xf32, #tpu.memory_space<hbm>> -> memref<1280xf32, #tpu.memory_space<hbm>>
        tpu.wait_dma2 semaphore(%arg18 : memref<!tpu.dma_semaphore, #tpu.memory_space<semaphore_mem>>) src(%dma_wait3A_244 : memref<1280xf32, #tpu.memory_space<hbm>>) dst(%arg9 : memref<1280xf32, #tpu.memory_space<vmem>>)
        %dma_wait3A_245 = tpu.memref_slice %arg4[%mul3A_240] : memref<4000000xf32, #tpu.memory_space<hbm>> -> memref<1280xf32, #tpu.memory_space<hbm>>
        %dma_wait3A_246 = tpu.memref_slice %arg4[%mul3A_240] : memref<4000000xf32, #tpu.memory_space<hbm>> -> memref<1280xf32, #tpu.memory_space<hbm>>
        tpu.wait_dma2 semaphore(%arg18 : memref<!tpu.dma_semaphore, #tpu.memory_space<semaphore_mem>>) src(%dma_wait3A_246 : memref<1280xf32, #tpu.memory_space<hbm>>) dst(%arg11 : memref<1280xf32, #tpu.memory_space<vmem>>)
        %scan3A_247 = arith.constant 0 : i32
        %scan3A_248 = arith.constant 40 : i32
        %scan3A_249 = arith.addi %scan3A_247, %scan3A_248 : i32
        %scan3A_250 = arith.constant 1 : i32
        scf.for %scan3A_392 = %scan3A_247 to %scan3A_249 step %scan3A_250  : i32 {
          %shift_right_arithmetic3A = arith.constant 3 : i32
          %shift_right_arithmetic3A_393 = arith.shrsi %scan3A_392, %shift_right_arithmetic3A : i32
          %mul3A_394 = arith.constant 256 : i32
          %mul3A_395 = arith.muli %shift_right_arithmetic3A_393, %mul3A_394 : i32
          %and3A_396 = arith.constant 7 : i32
          %and3A_397 = arith.andi %scan3A_392, %and3A_396 : i32
          %mul3A_398 = arith.constant 16 : i32
          %mul3A_399 = arith.muli %and3A_397, %mul3A_398 : i32
          %add3A_400 = arith.addi %mul3A_395, %mul3A_399 : i32
          %get3A = arith.index_cast %add3A_400 : i32 to index
          %get3A_401 = tpu.vector_load %arg7[%get3A] {strides = array<i32>} : memref<1280xi32, #tpu.memory_space<vmem>>, vector<16xi32>,
          %add3A_402 = arith.constant 128 : i32
          %add3A_403 = arith.addi %add3A_400, %add3A_402 : i32
          %get3A_404 = arith.index_cast %add3A_403 : i32 to index
          %get3A_405 = tpu.vector_load %arg7[%get3A_404] {strides = array<i32>} : memref<1280xi32, #tpu.memory_space<vmem>>, vector<16xi32>,
          %mul3A_406 = arith.constant 2048 : i32
          %mul3A_407 = vector.broadcast %mul3A_406 : i32 to vector<16xi32>
          %mul3A_408 = arith.muli %get3A_401, %mul3A_407 : vector<16xi32>
          %add3A_409 = arith.addi %mul3A_408, %get3A_405 : vector<16xi32>
          %and3A_410 = arith.constant 7 : i32
          %and3A_411 = vector.broadcast %and3A_410 : i32 to vector<16xi32>
          %and3A_412 = arith.andi %add3A_409, %and3A_411 : vector<16xi32>
          %eq3A = arith.constant 7 : i32
          %eq3A_413 = vector.broadcast %eq3A : i32 to vector<16xi32>
          %eq3A_414 = arith.cmpi eq, %and3A_412, %eq3A_413 : vector<16xi32>
          %convert_element_type3A_415 = arith.extui %eq3A_414 : vector<16xi1> to vector<16xi32>
          %mul3A_416 = arith.constant 524288 : i32
          %mul3A_417 = vector.broadcast %mul3A_416 : i32 to vector<16xi32>
          %mul3A_418 = arith.muli %convert_element_type3A_415, %mul3A_417 : vector<16xi32>
          %eq3A_419 = arith.constant 7 : i32
          %eq3A_420 = vector.broadcast %eq3A_419 : i32 to vector<16xi32>
          %eq3A_421 = arith.cmpi eq, %and3A_412, %eq3A_420 : vector<16xi32>
          %mul3A_422 = arith.constant 2 : i32
          %mul3A_423 = vector.broadcast %mul3A_422 : i32 to vector<16xi32>
          %mul3A_424 = arith.muli %and3A_412, %mul3A_423 : vector<16xi32>
          %jit3A_425 = arith.constant 6 : i32
          %broadcast_in_dim3A_426 = vector.broadcast %jit3A_425 : i32 to vector<16xi32>
          %select_n3A_427 = arith.select %eq3A_421, %broadcast_in_dim3A_426, %mul3A_424 : vector<16xi1>, vector<16xi32>
          %sub3A_428 = arith.constant 2048 : i32
          %sub3A_429 = vector.broadcast %sub3A_428 : i32 to vector<16xi32>
          %sub3A_430 = arith.subi %add3A_409, %sub3A_429 : vector<16xi32>
          %shift_right_logical3A = arith.constant 3 : i32
          %shift_right_logical3A_431 = vector.broadcast %shift_right_logical3A : i32 to vector<16xi32>
          %shift_right_logical3A_432 = arith.shrui %sub3A_430, %shift_right_logical3A_431 : vector<16xi32>
          %add3A_433 = arith.addi %shift_right_logical3A_432, %mul3A_418 : vector<16xi32>
          %shift_right_logical3A_434 = arith.constant 3 : i32
          %shift_right_logical3A_435 = vector.broadcast %shift_right_logical3A_434 : i32 to vector<16xi32>
          %shift_right_logical3A_436 = arith.shrui %add3A_409, %shift_right_logical3A_435 : vector<16xi32>
          %add3A_437 = arith.addi %shift_right_logical3A_436, %mul3A_418 : vector<16xi32>
          %shift_right_arithmetic3A_438 = arith.constant 3 : i32
          %shift_right_arithmetic3A_439 = arith.shrsi %scan3A_392, %shift_right_arithmetic3A_438 : i32
          %broadcast_in_dim3A_440 = vector.broadcast %shift_right_arithmetic3A_439 : i32 to vector<16xi32>
          %and3A_441 = arith.constant 7 : i32
          %and3A_442 = arith.andi %scan3A_392, %and3A_441 : i32
          %shift_left3A = arith.constant 4 : i32
          %shift_left3A_443 = arith.shli %and3A_442, %shift_left3A : i32
          %broadcast_in_dim3A_444 = vector.broadcast %shift_left3A_443 : i32 to vector<16xi32>
          %add3A_445 = arith.addi %broadcast_in_dim3A_444, %iota3A : vector<16xi32>
          %broadcast_in_dim3A_446 = arith.constant 0 : i32
          %broadcast_in_dim3A_447 = vector.broadcast %broadcast_in_dim3A_446 : i32 to vector<16xi32>
          tpu.vector_store_idx %arg13[%broadcast_in_dim3A_447, %broadcast_in_dim3A_440, %add3A_445], %add3A_433 : memref<3x5x128xi32, #tpu.memory_space<vmem>>[vector<16xi32>, vector<16xi32>, vector<16xi32>], vector<16xi32>,
          %broadcast_in_dim3A_448 = arith.constant 1 : i32
          %broadcast_in_dim3A_449 = vector.broadcast %broadcast_in_dim3A_448 : i32 to vector<16xi32>
          tpu.vector_store_idx %arg13[%broadcast_in_dim3A_449, %broadcast_in_dim3A_440, %add3A_445], %add3A_437 : memref<3x5x128xi32, #tpu.memory_space<vmem>>[vector<16xi32>, vector<16xi32>, vector<16xi32>], vector<16xi32>,
          %broadcast_in_dim3A_450 = arith.constant 2 : i32
          %broadcast_in_dim3A_451 = vector.broadcast %broadcast_in_dim3A_450 : i32 to vector<16xi32>
          tpu.vector_store_idx %arg13[%broadcast_in_dim3A_451, %broadcast_in_dim3A_440, %add3A_445], %select_n3A_427 : memref<3x5x128xi32, #tpu.memory_space<vmem>>[vector<16xi32>, vector<16xi32>, vector<16xi32>], vector<16xi32>,
        }
        %scan3A_251 = arith.constant 40 : i32
        %dma_start3A_252 = arith.constant 0 : i32
        %dma_start3A_253 = arith.constant 0 : i32
        %dma_start3A_254 = arith.constant 0 : i32
        %dma_start3A_255 = arith.constant 0 : i32
        %dma_start3A_256 = arith.constant 0 : i32
        %dma_start3A_257 = arith.constant 0 : i32
        %dma_start3A_258 = tpu.memref_slice %arg15[%dma_start3A_254, %dma_start3A_255, %dma_start3A_256, %dma_start3A_257] : memref<2x5x128x16xf32, #tpu.memory_space<vmem>> -> memref<1x1x128x16xf32, #tpu.memory_space<vmem>>
        %dma_start3A_259 = tpu.memref_squeeze %dma_start3A_258 : memref<1x1x128x16xf32, #tpu.memory_space<vmem>> -> memref<128x16xf32, #tpu.memory_space<vmem>>
        %dma_start3A_260 = arith.constant 0 : i32
        %dma_start3A_261 = tpu.memref_slice %arg13[%dma_start3A_252, %dma_start3A_253, %dma_start3A_260] : memref<3x5x128xi32, #tpu.memory_space<vmem>> -> memref<1x1x128xi32, #tpu.memory_space<vmem>>
        %dma_start3A_262 = tpu.memref_squeeze %dma_start3A_261 : memref<1x1x128xi32, #tpu.memory_space<vmem>> -> memref<128xi32, #tpu.memory_space<vmem>>
        %dma_start3A_263 = arith.constant 0 : i32
        %dma_start3A_264 = arith.constant 0 : i32
        %dma_start3A_265 = tpu.memref_slice %arg5[%dma_start3A_263, %dma_start3A_264] : memref<1048576x16xf32, #tpu.memory_space<hbm>> -> memref<1048576x16xf32, #tpu.memory_space<hbm>>
        tpu.enqueue_indirect_dma source(%dma_start3A_265 : memref<1048576x16xf32, #tpu.memory_space<hbm>>) target(%dma_start3A_259 : memref<128x16xf32, #tpu.memory_space<vmem>>) offsets(%dma_start3A_262 : memref<128xi32, #tpu.memory_space<vmem>>) semaphore(%arg20 : memref<!tpu.dma_semaphore, #tpu.memory_space<semaphore_mem>>)
        %dma_start3A_266 = arith.constant 0 : i32
        %dma_start3A_267 = arith.constant 1 : i32
        %dma_start3A_268 = arith.constant 0 : i32
        %dma_start3A_269 = arith.constant 1 : i32
        %dma_start3A_270 = arith.constant 0 : i32
        %dma_start3A_271 = arith.constant 0 : i32
        %dma_start3A_272 = tpu.memref_slice %arg15[%dma_start3A_268, %dma_start3A_269, %dma_start3A_270, %dma_start3A_271] : memref<2x5x128x16xf32, #tpu.memory_space<vmem>> -> memref<1x1x128x16xf32, #tpu.memory_space<vmem>>
        %dma_start3A_273 = tpu.memref_squeeze %dma_start3A_272 : memref<1x1x128x16xf32, #tpu.memory_space<vmem>> -> memref<128x16xf32, #tpu.memory_space<vmem>>
        %dma_start3A_274 = arith.constant 0 : i32
        %dma_start3A_275 = tpu.memref_slice %arg13[%dma_start3A_266, %dma_start3A_267, %dma_start3A_274] : memref<3x5x128xi32, #tpu.memory_space<vmem>> -> memref<1x1x128xi32, #tpu.memory_space<vmem>>
        %dma_start3A_276 = tpu.memref_squeeze %dma_start3A_275 : memref<1x1x128xi32, #tpu.memory_space<vmem>> -> memref<128xi32, #tpu.memory_space<vmem>>
        %dma_start3A_277 = arith.constant 0 : i32
        %dma_start3A_278 = arith.constant 0 : i32
        %dma_start3A_279 = tpu.memref_slice %arg5[%dma_start3A_277, %dma_start3A_278] : memref<1048576x16xf32, #tpu.memory_space<hbm>> -> memref<1048576x16xf32, #tpu.memory_space<hbm>>
        tpu.enqueue_indirect_dma source(%dma_start3A_279 : memref<1048576x16xf32, #tpu.memory_space<hbm>>) target(%dma_start3A_273 : memref<128x16xf32, #tpu.memory_space<vmem>>) offsets(%dma_start3A_276 : memref<128xi32, #tpu.memory_space<vmem>>) semaphore(%arg20 : memref<!tpu.dma_semaphore, #tpu.memory_space<semaphore_mem>>)
        %dma_start3A_280 = arith.constant 0 : i32
        %dma_start3A_281 = arith.constant 2 : i32
        %dma_start3A_282 = arith.constant 0 : i32
        %dma_start3A_283 = arith.constant 2 : i32
        %dma_start3A_284 = arith.constant 0 : i32
        %dma_start3A_285 = arith.constant 0 : i32
        %dma_start3A_286 = tpu.memref_slice %arg15[%dma_start3A_282, %dma_start3A_283, %dma_start3A_284, %dma_start3A_285] : memref<2x5x128x16xf32, #tpu.memory_space<vmem>> -> memref<1x1x128x16xf32, #tpu.memory_space<vmem>>
        %dma_start3A_287 = tpu.memref_squeeze %dma_start3A_286 : memref<1x1x128x16xf32, #tpu.memory_space<vmem>> -> memref<128x16xf32, #tpu.memory_space<vmem>>
        %dma_start3A_288 = arith.constant 0 : i32
        %dma_start3A_289 = tpu.memref_slice %arg13[%dma_start3A_280, %dma_start3A_281, %dma_start3A_288] : memref<3x5x128xi32, #tpu.memory_space<vmem>> -> memref<1x1x128xi32, #tpu.memory_space<vmem>>
        %dma_start3A_290 = tpu.memref_squeeze %dma_start3A_289 : memref<1x1x128xi32, #tpu.memory_space<vmem>> -> memref<128xi32, #tpu.memory_space<vmem>>
        %dma_start3A_291 = arith.constant 0 : i32
        %dma_start3A_292 = arith.constant 0 : i32
        %dma_start3A_293 = tpu.memref_slice %arg5[%dma_start3A_291, %dma_start3A_292] : memref<1048576x16xf32, #tpu.memory_space<hbm>> -> memref<1048576x16xf32, #tpu.memory_space<hbm>>
        tpu.enqueue_indirect_dma source(%dma_start3A_293 : memref<1048576x16xf32, #tpu.memory_space<hbm>>) target(%dma_start3A_287 : memref<128x16xf32, #tpu.memory_space<vmem>>) offsets(%dma_start3A_290 : memref<128xi32, #tpu.memory_space<vmem>>) semaphore(%arg20 : memref<!tpu.dma_semaphore, #tpu.memory_space<semaphore_mem>>)
        %dma_start3A_294 = arith.constant 0 : i32
        %dma_start3A_295 = arith.constant 3 : i32
        %dma_start3A_296 = arith.constant 0 : i32
        %dma_start3A_297 = arith.constant 3 : i32
        %dma_start3A_298 = arith.constant 0 : i32
        %dma_start3A_299 = arith.constant 0 : i32
        %dma_start3A_300 = tpu.memref_slice %arg15[%dma_start3A_296, %dma_start3A_297, %dma_start3A_298, %dma_start3A_299] : memref<2x5x128x16xf32, #tpu.memory_space<vmem>> -> memref<1x1x128x16xf32, #tpu.memory_space<vmem>>
        %dma_start3A_301 = tpu.memref_squeeze %dma_start3A_300 : memref<1x1x128x16xf32, #tpu.memory_space<vmem>> -> memref<128x16xf32, #tpu.memory_space<vmem>>
        %dma_start3A_302 = arith.constant 0 : i32
        %dma_start3A_303 = tpu.memref_slice %arg13[%dma_start3A_294, %dma_start3A_295, %dma_start3A_302] : memref<3x5x128xi32, #tpu.memory_space<vmem>> -> memref<1x1x128xi32, #tpu.memory_space<vmem>>
        %dma_start3A_304 = tpu.memref_squeeze %dma_start3A_303 : memref<1x1x128xi32, #tpu.memory_space<vmem>> -> memref<128xi32, #tpu.memory_space<vmem>>
        %dma_start3A_305 = arith.constant 0 : i32
        %dma_start3A_306 = arith.constant 0 : i32
        %dma_start3A_307 = tpu.memref_slice %arg5[%dma_start3A_305, %dma_start3A_306] : memref<1048576x16xf32, #tpu.memory_space<hbm>> -> memref<1048576x16xf32, #tpu.memory_space<hbm>>
        tpu.enqueue_indirect_dma source(%dma_start3A_307 : memref<1048576x16xf32, #tpu.memory_space<hbm>>) target(%dma_start3A_301 : memref<128x16xf32, #tpu.memory_space<vmem>>) offsets(%dma_start3A_304 : memref<128xi32, #tpu.memory_space<vmem>>) semaphore(%arg20 : memref<!tpu.dma_semaphore, #tpu.memory_space<semaphore_mem>>)
        %dma_start3A_308 = arith.constant 0 : i32
        %dma_start3A_309 = arith.constant 4 : i32
        %dma_start3A_310 = arith.constant 0 : i32
        %dma_start3A_311 = arith.constant 4 : i32
        %dma_start3A_312 = arith.constant 0 : i32
        %dma_start3A_313 = arith.constant 0 : i32
        %dma_start3A_314 = tpu.memref_slice %arg15[%dma_start3A_310, %dma_start3A_311, %dma_start3A_312, %dma_start3A_313] : memref<2x5x128x16xf32, #tpu.memory_space<vmem>> -> memref<1x1x128x16xf32, #tpu.memory_space<vmem>>
        %dma_start3A_315 = tpu.memref_squeeze %dma_start3A_314 : memref<1x1x128x16xf32, #tpu.memory_space<vmem>> -> memref<128x16xf32, #tpu.memory_space<vmem>>
        %dma_start3A_316 = arith.constant 0 : i32
        %dma_start3A_317 = tpu.memref_slice %arg13[%dma_start3A_308, %dma_start3A_309, %dma_start3A_316] : memref<3x5x128xi32, #tpu.memory_space<vmem>> -> memref<1x1x128xi32, #tpu.memory_space<vmem>>
        %dma_start3A_318 = tpu.memref_squeeze %dma_start3A_317 : memref<1x1x128xi32, #tpu.memory_space<vmem>> -> memref<128xi32, #tpu.memory_space<vmem>>
        %dma_start3A_319 = arith.constant 0 : i32
        %dma_start3A_320 = arith.constant 0 : i32
        %dma_start3A_321 = tpu.memref_slice %arg5[%dma_start3A_319, %dma_start3A_320] : memref<1048576x16xf32, #tpu.memory_space<hbm>> -> memref<1048576x16xf32, #tpu.memory_space<hbm>>
        tpu.enqueue_indirect_dma source(%dma_start3A_321 : memref<1048576x16xf32, #tpu.memory_space<hbm>>) target(%dma_start3A_315 : memref<128x16xf32, #tpu.memory_space<vmem>>) offsets(%dma_start3A_318 : memref<128xi32, #tpu.memory_space<vmem>>) semaphore(%arg20 : memref<!tpu.dma_semaphore, #tpu.memory_space<semaphore_mem>>)
        %dma_start3A_322 = arith.constant 1 : i32
        %dma_start3A_323 = arith.constant 0 : i32
        %dma_start3A_324 = arith.constant 1 : i32
        %dma_start3A_325 = arith.constant 0 : i32
        %dma_start3A_326 = arith.constant 0 : i32
        %dma_start3A_327 = arith.constant 0 : i32
        %dma_start3A_328 = tpu.memref_slice %arg15[%dma_start3A_324, %dma_start3A_325, %dma_start3A_326, %dma_start3A_327] : memref<2x5x128x16xf32, #tpu.memory_space<vmem>> -> memref<1x1x128x16xf32, #tpu.memory_space<vmem>>
        %dma_start3A_329 = tpu.memref_squeeze %dma_start3A_328 : memref<1x1x128x16xf32, #tpu.memory_space<vmem>> -> memref<128x16xf32, #tpu.memory_space<vmem>>
        %dma_start3A_330 = arith.constant 0 : i32
        %dma_start3A_331 = tpu.memref_slice %arg13[%dma_start3A_322, %dma_start3A_323, %dma_start3A_330] : memref<3x5x128xi32, #tpu.memory_space<vmem>> -> memref<1x1x128xi32, #tpu.memory_space<vmem>>
        %dma_start3A_332 = tpu.memref_squeeze %dma_start3A_331 : memref<1x1x128xi32, #tpu.memory_space<vmem>> -> memref<128xi32, #tpu.memory_space<vmem>>
        %dma_start3A_333 = arith.constant 0 : i32
        %dma_start3A_334 = arith.constant 0 : i32
        %dma_start3A_335 = tpu.memref_slice %arg5[%dma_start3A_333, %dma_start3A_334] : memref<1048576x16xf32, #tpu.memory_space<hbm>> -> memref<1048576x16xf32, #tpu.memory_space<hbm>>
        tpu.enqueue_indirect_dma source(%dma_start3A_335 : memref<1048576x16xf32, #tpu.memory_space<hbm>>) target(%dma_start3A_329 : memref<128x16xf32, #tpu.memory_space<vmem>>) offsets(%dma_start3A_332 : memref<128xi32, #tpu.memory_space<vmem>>) semaphore(%arg20 : memref<!tpu.dma_semaphore, #tpu.memory_space<semaphore_mem>>)
        %dma_start3A_336 = arith.constant 1 : i32
        %dma_start3A_337 = arith.constant 1 : i32
        %dma_start3A_338 = arith.constant 1 : i32
        %dma_start3A_339 = arith.constant 1 : i32
        %dma_start3A_340 = arith.constant 0 : i32
        %dma_start3A_341 = arith.constant 0 : i32
        %dma_start3A_342 = tpu.memref_slice %arg15[%dma_start3A_338, %dma_start3A_339, %dma_start3A_340, %dma_start3A_341] : memref<2x5x128x16xf32, #tpu.memory_space<vmem>> -> memref<1x1x128x16xf32, #tpu.memory_space<vmem>>
        %dma_start3A_343 = tpu.memref_squeeze %dma_start3A_342 : memref<1x1x128x16xf32, #tpu.memory_space<vmem>> -> memref<128x16xf32, #tpu.memory_space<vmem>>
        %dma_start3A_344 = arith.constant 0 : i32
        %dma_start3A_345 = tpu.memref_slice %arg13[%dma_start3A_336, %dma_start3A_337, %dma_start3A_344] : memref<3x5x128xi32, #tpu.memory_space<vmem>> -> memref<1x1x128xi32, #tpu.memory_space<vmem>>
        %dma_start3A_346 = tpu.memref_squeeze %dma_start3A_345 : memref<1x1x128xi32, #tpu.memory_space<vmem>> -> memref<128xi32, #tpu.memory_space<vmem>>
        %dma_start3A_347 = arith.constant 0 : i32
        %dma_start3A_348 = arith.constant 0 : i32
        %dma_start3A_349 = tpu.memref_slice %arg5[%dma_start3A_347, %dma_start3A_348] : memref<1048576x16xf32, #tpu.memory_space<hbm>> -> memref<1048576x16xf32, #tpu.memory_space<hbm>>
        tpu.enqueue_indirect_dma source(%dma_start3A_349 : memref<1048576x16xf32, #tpu.memory_space<hbm>>) target(%dma_start3A_343 : memref<128x16xf32, #tpu.memory_space<vmem>>) offsets(%dma_start3A_346 : memref<128xi32, #tpu.memory_space<vmem>>) semaphore(%arg20 : memref<!tpu.dma_semaphore, #tpu.memory_space<semaphore_mem>>)
        %dma_start3A_350 = arith.constant 1 : i32
        %dma_start3A_351 = arith.constant 2 : i32
        %dma_start3A_352 = arith.constant 1 : i32
        %dma_start3A_353 = arith.constant 2 : i32
        %dma_start3A_354 = arith.constant 0 : i32
        %dma_start3A_355 = arith.constant 0 : i32
        %dma_start3A_356 = tpu.memref_slice %arg15[%dma_start3A_352, %dma_start3A_353, %dma_start3A_354, %dma_start3A_355] : memref<2x5x128x16xf32, #tpu.memory_space<vmem>> -> memref<1x1x128x16xf32, #tpu.memory_space<vmem>>
        %dma_start3A_357 = tpu.memref_squeeze %dma_start3A_356 : memref<1x1x128x16xf32, #tpu.memory_space<vmem>> -> memref<128x16xf32, #tpu.memory_space<vmem>>
        %dma_start3A_358 = arith.constant 0 : i32
        %dma_start3A_359 = tpu.memref_slice %arg13[%dma_start3A_350, %dma_start3A_351, %dma_start3A_358] : memref<3x5x128xi32, #tpu.memory_space<vmem>> -> memref<1x1x128xi32, #tpu.memory_space<vmem>>
        %dma_start3A_360 = tpu.memref_squeeze %dma_start3A_359 : memref<1x1x128xi32, #tpu.memory_space<vmem>> -> memref<128xi32, #tpu.memory_space<vmem>>
        %dma_start3A_361 = arith.constant 0 : i32
        %dma_start3A_362 = arith.constant 0 : i32
        %dma_start3A_363 = tpu.memref_slice %arg5[%dma_start3A_361, %dma_start3A_362] : memref<1048576x16xf32, #tpu.memory_space<hbm>> -> memref<1048576x16xf32, #tpu.memory_space<hbm>>
        tpu.enqueue_indirect_dma source(%dma_start3A_363 : memref<1048576x16xf32, #tpu.memory_space<hbm>>) target(%dma_start3A_357 : memref<128x16xf32, #tpu.memory_space<vmem>>) offsets(%dma_start3A_360 : memref<128xi32, #tpu.memory_space<vmem>>) semaphore(%arg20 : memref<!tpu.dma_semaphore, #tpu.memory_space<semaphore_mem>>)
        %dma_start3A_364 = arith.constant 1 : i32
        %dma_start3A_365 = arith.constant 3 : i32
        %dma_start3A_366 = arith.constant 1 : i32
        %dma_start3A_367 = arith.constant 3 : i32
        %dma_start3A_368 = arith.constant 0 : i32
        %dma_start3A_369 = arith.constant 0 : i32
        %dma_start3A_370 = tpu.memref_slice %arg15[%dma_start3A_366, %dma_start3A_367, %dma_start3A_368, %dma_start3A_369] : memref<2x5x128x16xf32, #tpu.memory_space<vmem>> -> memref<1x1x128x16xf32, #tpu.memory_space<vmem>>
        %dma_start3A_371 = tpu.memref_squeeze %dma_start3A_370 : memref<1x1x128x16xf32, #tpu.memory_space<vmem>> -> memref<128x16xf32, #tpu.memory_space<vmem>>
        %dma_start3A_372 = arith.constant 0 : i32
        %dma_start3A_373 = tpu.memref_slice %arg13[%dma_start3A_364, %dma_start3A_365, %dma_start3A_372] : memref<3x5x128xi32, #tpu.memory_space<vmem>> -> memref<1x1x128xi32, #tpu.memory_space<vmem>>
        %dma_start3A_374 = tpu.memref_squeeze %dma_start3A_373 : memref<1x1x128xi32, #tpu.memory_space<vmem>> -> memref<128xi32, #tpu.memory_space<vmem>>
        %dma_start3A_375 = arith.constant 0 : i32
        %dma_start3A_376 = arith.constant 0 : i32
        %dma_start3A_377 = tpu.memref_slice %arg5[%dma_start3A_375, %dma_start3A_376] : memref<1048576x16xf32, #tpu.memory_space<hbm>> -> memref<1048576x16xf32, #tpu.memory_space<hbm>>
        tpu.enqueue_indirect_dma source(%dma_start3A_377 : memref<1048576x16xf32, #tpu.memory_space<hbm>>) target(%dma_start3A_371 : memref<128x16xf32, #tpu.memory_space<vmem>>) offsets(%dma_start3A_374 : memref<128xi32, #tpu.memory_space<vmem>>) semaphore(%arg20 : memref<!tpu.dma_semaphore, #tpu.memory_space<semaphore_mem>>)
        %dma_start3A_378 = arith.constant 1 : i32
        %dma_start3A_379 = arith.constant 4 : i32
        %dma_start3A_380 = arith.constant 1 : i32
        %dma_start3A_381 = arith.constant 4 : i32
        %dma_start3A_382 = arith.constant 0 : i32
        %dma_start3A_383 = arith.constant 0 : i32
        %dma_start3A_384 = tpu.memref_slice %arg15[%dma_start3A_380, %dma_start3A_381, %dma_start3A_382, %dma_start3A_383] : memref<2x5x128x16xf32, #tpu.memory_space<vmem>> -> memref<1x1x128x16xf32, #tpu.memory_space<vmem>>
        %dma_start3A_385 = tpu.memref_squeeze %dma_start3A_384 : memref<1x1x128x16xf32, #tpu.memory_space<vmem>> -> memref<128x16xf32, #tpu.memory_space<vmem>>
        %dma_start3A_386 = arith.constant 0 : i32
        %dma_start3A_387 = tpu.memref_slice %arg13[%dma_start3A_378, %dma_start3A_379, %dma_start3A_386] : memref<3x5x128xi32, #tpu.memory_space<vmem>> -> memref<1x1x128xi32, #tpu.memory_space<vmem>>
        %dma_start3A_388 = tpu.memref_squeeze %dma_start3A_387 : memref<1x1x128xi32, #tpu.memory_space<vmem>> -> memref<128xi32, #tpu.memory_space<vmem>>
        %dma_start3A_389 = arith.constant 0 : i32
        %dma_start3A_390 = arith.constant 0 : i32
        %dma_start3A_391 = tpu.memref_slice %arg5[%dma_start3A_389, %dma_start3A_390] : memref<1048576x16xf32, #tpu.memory_space<hbm>> -> memref<1048576x16xf32, #tpu.memory_space<hbm>>
        tpu.enqueue_indirect_dma source(%dma_start3A_391 : memref<1048576x16xf32, #tpu.memory_space<hbm>>) target(%dma_start3A_385 : memref<128x16xf32, #tpu.memory_space<vmem>>) offsets(%dma_start3A_388 : memref<128xi32, #tpu.memory_space<vmem>>) semaphore(%arg20 : memref<!tpu.dma_semaphore, #tpu.memory_space<semaphore_mem>>)
      } else {
      }
      %lt3A_224 = arith.cmpi slt, %add3A_217, %select_n3A : i32
      %convert_element_type3A_225 = arith.extui %lt3A_224 : i1 to i32
      %cond3A_226 = arith.constant 0 : i32
      %cond3A_227 = arith.cmpi ne, %convert_element_type3A_225, %cond3A_226 : i32
      scf.if %cond3A_227 {
        %dma_wait3A_234 = arith.constant 0 : i32
        %dma_wait3A_235 = arith.constant 0 : i32
        %dma_wait3A_236 = arith.constant 0 : i32
        %dma_wait3A_237 = arith.constant 0 : i32
        %dma_wait3A_238 = arith.constant 0 : i32
        %dma_wait3A_239 = arith.constant 0 : i32
        %dma_wait3A_240 = tpu.memref_slice %arg16[%dma_wait3A_236, %dma_wait3A_237, %dma_wait3A_238, %dma_wait3A_239] : memref<2x5x128x16xf32, #tpu.memory_space<vmem>> -> memref<1x1x128x16xf32, #tpu.memory_space<vmem>>
        %dma_wait3A_241 = tpu.memref_squeeze %dma_wait3A_240 : memref<1x1x128x16xf32, #tpu.memory_space<vmem>> -> memref<128x16xf32, #tpu.memory_space<vmem>>
        %dma_wait3A_242 = arith.constant 0 : i32
        %dma_wait3A_243 = tpu.memref_slice %arg14[%dma_wait3A_234, %dma_wait3A_235, %dma_wait3A_242] : memref<3x5x128xi32, #tpu.memory_space<vmem>> -> memref<1x1x128xi32, #tpu.memory_space<vmem>>
        %dma_wait3A_244 = tpu.memref_squeeze %dma_wait3A_243 : memref<1x1x128xi32, #tpu.memory_space<vmem>> -> memref<128xi32, #tpu.memory_space<vmem>>
        %dma_wait3A_245 = arith.constant 0 : i32
        %dma_wait3A_246 = arith.constant 0 : i32
        %dma_wait3A_247 = tpu.memref_slice %arg5[%dma_wait3A_245, %dma_wait3A_246] : memref<1048576x16xf32, #tpu.memory_space<hbm>> -> memref<1048576x16xf32, #tpu.memory_space<hbm>>
        tpu.wait_indirect_dma semaphore(%arg21 : memref<!tpu.dma_semaphore, #tpu.memory_space<semaphore_mem>>) src(%dma_wait3A_247 : memref<1048576x16xf32, #tpu.memory_space<hbm>>) dst(%dma_wait3A_241 : memref<128x16xf32, #tpu.memory_space<vmem>>)
        %dma_wait3A_248 = arith.constant 0 : i32
        %dma_wait3A_249 = arith.constant 1 : i32
        %dma_wait3A_250 = arith.constant 0 : i32
        %dma_wait3A_251 = arith.constant 1 : i32
        %dma_wait3A_252 = arith.constant 0 : i32
        %dma_wait3A_253 = arith.constant 0 : i32
        %dma_wait3A_254 = tpu.memref_slice %arg16[%dma_wait3A_250, %dma_wait3A_251, %dma_wait3A_252, %dma_wait3A_253] : memref<2x5x128x16xf32, #tpu.memory_space<vmem>> -> memref<1x1x128x16xf32, #tpu.memory_space<vmem>>
        %dma_wait3A_255 = tpu.memref_squeeze %dma_wait3A_254 : memref<1x1x128x16xf32, #tpu.memory_space<vmem>> -> memref<128x16xf32, #tpu.memory_space<vmem>>
        %dma_wait3A_256 = arith.constant 0 : i32
        %dma_wait3A_257 = tpu.memref_slice %arg14[%dma_wait3A_248, %dma_wait3A_249, %dma_wait3A_256] : memref<3x5x128xi32, #tpu.memory_space<vmem>> -> memref<1x1x128xi32, #tpu.memory_space<vmem>>
        %dma_wait3A_258 = tpu.memref_squeeze %dma_wait3A_257 : memref<1x1x128xi32, #tpu.memory_space<vmem>> -> memref<128xi32, #tpu.memory_space<vmem>>
        %dma_wait3A_259 = arith.constant 0 : i32
        %dma_wait3A_260 = arith.constant 0 : i32
        %dma_wait3A_261 = tpu.memref_slice %arg5[%dma_wait3A_259, %dma_wait3A_260] : memref<1048576x16xf32, #tpu.memory_space<hbm>> -> memref<1048576x16xf32, #tpu.memory_space<hbm>>
        tpu.wait_indirect_dma semaphore(%arg21 : memref<!tpu.dma_semaphore, #tpu.memory_space<semaphore_mem>>) src(%dma_wait3A_261 : memref<1048576x16xf32, #tpu.memory_space<hbm>>) dst(%dma_wait3A_255 : memref<128x16xf32, #tpu.memory_space<vmem>>)
        %dma_wait3A_262 = arith.constant 0 : i32
        %dma_wait3A_263 = arith.constant 2 : i32
        %dma_wait3A_264 = arith.constant 0 : i32
        %dma_wait3A_265 = arith.constant 2 : i32
        %dma_wait3A_266 = arith.constant 0 : i32
        %dma_wait3A_267 = arith.constant 0 : i32
        %dma_wait3A_268 = tpu.memref_slice %arg16[%dma_wait3A_264, %dma_wait3A_265, %dma_wait3A_266, %dma_wait3A_267] : memref<2x5x128x16xf32, #tpu.memory_space<vmem>> -> memref<1x1x128x16xf32, #tpu.memory_space<vmem>>
        %dma_wait3A_269 = tpu.memref_squeeze %dma_wait3A_268 : memref<1x1x128x16xf32, #tpu.memory_space<vmem>> -> memref<128x16xf32, #tpu.memory_space<vmem>>
        %dma_wait3A_270 = arith.constant 0 : i32
        %dma_wait3A_271 = tpu.memref_slice %arg14[%dma_wait3A_262, %dma_wait3A_263, %dma_wait3A_270] : memref<3x5x128xi32, #tpu.memory_space<vmem>> -> memref<1x1x128xi32, #tpu.memory_space<vmem>>
        %dma_wait3A_272 = tpu.memref_squeeze %dma_wait3A_271 : memref<1x1x128xi32, #tpu.memory_space<vmem>> -> memref<128xi32, #tpu.memory_space<vmem>>
        %dma_wait3A_273 = arith.constant 0 : i32
        %dma_wait3A_274 = arith.constant 0 : i32
        %dma_wait3A_275 = tpu.memref_slice %arg5[%dma_wait3A_273, %dma_wait3A_274] : memref<1048576x16xf32, #tpu.memory_space<hbm>> -> memref<1048576x16xf32, #tpu.memory_space<hbm>>
        tpu.wait_indirect_dma semaphore(%arg21 : memref<!tpu.dma_semaphore, #tpu.memory_space<semaphore_mem>>) src(%dma_wait3A_275 : memref<1048576x16xf32, #tpu.memory_space<hbm>>) dst(%dma_wait3A_269 : memref<128x16xf32, #tpu.memory_space<vmem>>)
        %dma_wait3A_276 = arith.constant 0 : i32
        %dma_wait3A_277 = arith.constant 3 : i32
        %dma_wait3A_278 = arith.constant 0 : i32
        %dma_wait3A_279 = arith.constant 3 : i32
        %dma_wait3A_280 = arith.constant 0 : i32
        %dma_wait3A_281 = arith.constant 0 : i32
        %dma_wait3A_282 = tpu.memref_slice %arg16[%dma_wait3A_278, %dma_wait3A_279, %dma_wait3A_280, %dma_wait3A_281] : memref<2x5x128x16xf32, #tpu.memory_space<vmem>> -> memref<1x1x128x16xf32, #tpu.memory_space<vmem>>
        %dma_wait3A_283 = tpu.memref_squeeze %dma_wait3A_282 : memref<1x1x128x16xf32, #tpu.memory_space<vmem>> -> memref<128x16xf32, #tpu.memory_space<vmem>>
        %dma_wait3A_284 = arith.constant 0 : i32
        %dma_wait3A_285 = tpu.memref_slice %arg14[%dma_wait3A_276, %dma_wait3A_277, %dma_wait3A_284] : memref<3x5x128xi32, #tpu.memory_space<vmem>> -> memref<1x1x128xi32, #tpu.memory_space<vmem>>
        %dma_wait3A_286 = tpu.memref_squeeze %dma_wait3A_285 : memref<1x1x128xi32, #tpu.memory_space<vmem>> -> memref<128xi32, #tpu.memory_space<vmem>>
        %dma_wait3A_287 = arith.constant 0 : i32
        %dma_wait3A_288 = arith.constant 0 : i32
        %dma_wait3A_289 = tpu.memref_slice %arg5[%dma_wait3A_287, %dma_wait3A_288] : memref<1048576x16xf32, #tpu.memory_space<hbm>> -> memref<1048576x16xf32, #tpu.memory_space<hbm>>
        tpu.wait_indirect_dma semaphore(%arg21 : memref<!tpu.dma_semaphore, #tpu.memory_space<semaphore_mem>>) src(%dma_wait3A_289 : memref<1048576x16xf32, #tpu.memory_space<hbm>>) dst(%dma_wait3A_283 : memref<128x16xf32, #tpu.memory_space<vmem>>)
        %dma_wait3A_290 = arith.constant 0 : i32
        %dma_wait3A_291 = arith.constant 4 : i32
        %dma_wait3A_292 = arith.constant 0 : i32
        %dma_wait3A_293 = arith.constant 4 : i32
        %dma_wait3A_294 = arith.constant 0 : i32
        %dma_wait3A_295 = arith.constant 0 : i32
        %dma_wait3A_296 = tpu.memref_slice %arg16[%dma_wait3A_292, %dma_wait3A_293, %dma_wait3A_294, %dma_wait3A_295] : memref<2x5x128x16xf32, #tpu.memory_space<vmem>> -> memref<1x1x128x16xf32, #tpu.memory_space<vmem>>
        %dma_wait3A_297 = tpu.memref_squeeze %dma_wait3A_296 : memref<1x1x128x16xf32, #tpu.memory_space<vmem>> -> memref<128x16xf32, #tpu.memory_space<vmem>>
        %dma_wait3A_298 = arith.constant 0 : i32
        %dma_wait3A_299 = tpu.memref_slice %arg14[%dma_wait3A_290, %dma_wait3A_291, %dma_wait3A_298] : memref<3x5x128xi32, #tpu.memory_space<vmem>> -> memref<1x1x128xi32, #tpu.memory_space<vmem>>
        %dma_wait3A_300 = tpu.memref_squeeze %dma_wait3A_299 : memref<1x1x128xi32, #tpu.memory_space<vmem>> -> memref<128xi32, #tpu.memory_space<vmem>>
        %dma_wait3A_301 = arith.constant 0 : i32
        %dma_wait3A_302 = arith.constant 0 : i32
        %dma_wait3A_303 = tpu.memref_slice %arg5[%dma_wait3A_301, %dma_wait3A_302] : memref<1048576x16xf32, #tpu.memory_space<hbm>> -> memref<1048576x16xf32, #tpu.memory_space<hbm>>
        tpu.wait_indirect_dma semaphore(%arg21 : memref<!tpu.dma_semaphore, #tpu.memory_space<semaphore_mem>>) src(%dma_wait3A_303 : memref<1048576x16xf32, #tpu.memory_space<hbm>>) dst(%dma_wait3A_297 : memref<128x16xf32, #tpu.memory_space<vmem>>)
        %dma_wait3A_304 = arith.constant 1 : i32
        %dma_wait3A_305 = arith.constant 0 : i32
        %dma_wait3A_306 = arith.constant 1 : i32
        %dma_wait3A_307 = arith.constant 0 : i32
        %dma_wait3A_308 = arith.constant 0 : i32
        %dma_wait3A_309 = arith.constant 0 : i32
        %dma_wait3A_310 = tpu.memref_slice %arg16[%dma_wait3A_306, %dma_wait3A_307, %dma_wait3A_308, %dma_wait3A_309] : memref<2x5x128x16xf32, #tpu.memory_space<vmem>> -> memref<1x1x128x16xf32, #tpu.memory_space<vmem>>
        %dma_wait3A_311 = tpu.memref_squeeze %dma_wait3A_310 : memref<1x1x128x16xf32, #tpu.memory_space<vmem>> -> memref<128x16xf32, #tpu.memory_space<vmem>>
        %dma_wait3A_312 = arith.constant 0 : i32
        %dma_wait3A_313 = tpu.memref_slice %arg14[%dma_wait3A_304, %dma_wait3A_305, %dma_wait3A_312] : memref<3x5x128xi32, #tpu.memory_space<vmem>> -> memref<1x1x128xi32, #tpu.memory_space<vmem>>
        %dma_wait3A_314 = tpu.memref_squeeze %dma_wait3A_313 : memref<1x1x128xi32, #tpu.memory_space<vmem>> -> memref<128xi32, #tpu.memory_space<vmem>>
        %dma_wait3A_315 = arith.constant 0 : i32
        %dma_wait3A_316 = arith.constant 0 : i32
        %dma_wait3A_317 = tpu.memref_slice %arg5[%dma_wait3A_315, %dma_wait3A_316] : memref<1048576x16xf32, #tpu.memory_space<hbm>> -> memref<1048576x16xf32, #tpu.memory_space<hbm>>
        tpu.wait_indirect_dma semaphore(%arg21 : memref<!tpu.dma_semaphore, #tpu.memory_space<semaphore_mem>>) src(%dma_wait3A_317 : memref<1048576x16xf32, #tpu.memory_space<hbm>>) dst(%dma_wait3A_311 : memref<128x16xf32, #tpu.memory_space<vmem>>)
        %dma_wait3A_318 = arith.constant 1 : i32
        %dma_wait3A_319 = arith.constant 1 : i32
        %dma_wait3A_320 = arith.constant 1 : i32
        %dma_wait3A_321 = arith.constant 1 : i32
        %dma_wait3A_322 = arith.constant 0 : i32
        %dma_wait3A_323 = arith.constant 0 : i32
        %dma_wait3A_324 = tpu.memref_slice %arg16[%dma_wait3A_320, %dma_wait3A_321, %dma_wait3A_322, %dma_wait3A_323] : memref<2x5x128x16xf32, #tpu.memory_space<vmem>> -> memref<1x1x128x16xf32, #tpu.memory_space<vmem>>
        %dma_wait3A_325 = tpu.memref_squeeze %dma_wait3A_324 : memref<1x1x128x16xf32, #tpu.memory_space<vmem>> -> memref<128x16xf32, #tpu.memory_space<vmem>>
        %dma_wait3A_326 = arith.constant 0 : i32
        %dma_wait3A_327 = tpu.memref_slice %arg14[%dma_wait3A_318, %dma_wait3A_319, %dma_wait3A_326] : memref<3x5x128xi32, #tpu.memory_space<vmem>> -> memref<1x1x128xi32, #tpu.memory_space<vmem>>
        %dma_wait3A_328 = tpu.memref_squeeze %dma_wait3A_327 : memref<1x1x128xi32, #tpu.memory_space<vmem>> -> memref<128xi32, #tpu.memory_space<vmem>>
        %dma_wait3A_329 = arith.constant 0 : i32
        %dma_wait3A_330 = arith.constant 0 : i32
        %dma_wait3A_331 = tpu.memref_slice %arg5[%dma_wait3A_329, %dma_wait3A_330] : memref<1048576x16xf32, #tpu.memory_space<hbm>> -> memref<1048576x16xf32, #tpu.memory_space<hbm>>
        tpu.wait_indirect_dma semaphore(%arg21 : memref<!tpu.dma_semaphore, #tpu.memory_space<semaphore_mem>>) src(%dma_wait3A_331 : memref<1048576x16xf32, #tpu.memory_space<hbm>>) dst(%dma_wait3A_325 : memref<128x16xf32, #tpu.memory_space<vmem>>)
        %dma_wait3A_332 = arith.constant 1 : i32
        %dma_wait3A_333 = arith.constant 2 : i32
        %dma_wait3A_334 = arith.constant 1 : i32
        %dma_wait3A_335 = arith.constant 2 : i32
        %dma_wait3A_336 = arith.constant 0 : i32
        %dma_wait3A_337 = arith.constant 0 : i32
        %dma_wait3A_338 = tpu.memref_slice %arg16[%dma_wait3A_334, %dma_wait3A_335, %dma_wait3A_336, %dma_wait3A_337] : memref<2x5x128x16xf32, #tpu.memory_space<vmem>> -> memref<1x1x128x16xf32, #tpu.memory_space<vmem>>
        %dma_wait3A_339 = tpu.memref_squeeze %dma_wait3A_338 : memref<1x1x128x16xf32, #tpu.memory_space<vmem>> -> memref<128x16xf32, #tpu.memory_space<vmem>>
        %dma_wait3A_340 = arith.constant 0 : i32
        %dma_wait3A_341 = tpu.memref_slice %arg14[%dma_wait3A_332, %dma_wait3A_333, %dma_wait3A_340] : memref<3x5x128xi32, #tpu.memory_space<vmem>> -> memref<1x1x128xi32, #tpu.memory_space<vmem>>
        %dma_wait3A_342 = tpu.memref_squeeze %dma_wait3A_341 : memref<1x1x128xi32, #tpu.memory_space<vmem>> -> memref<128xi32, #tpu.memory_space<vmem>>
        %dma_wait3A_343 = arith.constant 0 : i32
        %dma_wait3A_344 = arith.constant 0 : i32
        %dma_wait3A_345 = tpu.memref_slice %arg5[%dma_wait3A_343, %dma_wait3A_344] : memref<1048576x16xf32, #tpu.memory_space<hbm>> -> memref<1048576x16xf32, #tpu.memory_space<hbm>>
        tpu.wait_indirect_dma semaphore(%arg21 : memref<!tpu.dma_semaphore, #tpu.memory_space<semaphore_mem>>) src(%dma_wait3A_345 : memref<1048576x16xf32, #tpu.memory_space<hbm>>) dst(%dma_wait3A_339 : memref<128x16xf32, #tpu.memory_space<vmem>>)
        %dma_wait3A_346 = arith.constant 1 : i32
        %dma_wait3A_347 = arith.constant 3 : i32
        %dma_wait3A_348 = arith.constant 1 : i32
        %dma_wait3A_349 = arith.constant 3 : i32
        %dma_wait3A_350 = arith.constant 0 : i32
        %dma_wait3A_351 = arith.constant 0 : i32
        %dma_wait3A_352 = tpu.memref_slice %arg16[%dma_wait3A_348, %dma_wait3A_349, %dma_wait3A_350, %dma_wait3A_351] : memref<2x5x128x16xf32, #tpu.memory_space<vmem>> -> memref<1x1x128x16xf32, #tpu.memory_space<vmem>>
        %dma_wait3A_353 = tpu.memref_squeeze %dma_wait3A_352 : memref<1x1x128x16xf32, #tpu.memory_space<vmem>> -> memref<128x16xf32, #tpu.memory_space<vmem>>
        %dma_wait3A_354 = arith.constant 0 : i32
        %dma_wait3A_355 = tpu.memref_slice %arg14[%dma_wait3A_346, %dma_wait3A_347, %dma_wait3A_354] : memref<3x5x128xi32, #tpu.memory_space<vmem>> -> memref<1x1x128xi32, #tpu.memory_space<vmem>>
        %dma_wait3A_356 = tpu.memref_squeeze %dma_wait3A_355 : memref<1x1x128xi32, #tpu.memory_space<vmem>> -> memref<128xi32, #tpu.memory_space<vmem>>
        %dma_wait3A_357 = arith.constant 0 : i32
        %dma_wait3A_358 = arith.constant 0 : i32
        %dma_wait3A_359 = tpu.memref_slice %arg5[%dma_wait3A_357, %dma_wait3A_358] : memref<1048576x16xf32, #tpu.memory_space<hbm>> -> memref<1048576x16xf32, #tpu.memory_space<hbm>>
        tpu.wait_indirect_dma semaphore(%arg21 : memref<!tpu.dma_semaphore, #tpu.memory_space<semaphore_mem>>) src(%dma_wait3A_359 : memref<1048576x16xf32, #tpu.memory_space<hbm>>) dst(%dma_wait3A_353 : memref<128x16xf32, #tpu.memory_space<vmem>>)
        %dma_wait3A_360 = arith.constant 1 : i32
        %dma_wait3A_361 = arith.constant 4 : i32
        %dma_wait3A_362 = arith.constant 1 : i32
        %dma_wait3A_363 = arith.constant 4 : i32
        %dma_wait3A_364 = arith.constant 0 : i32
        %dma_wait3A_365 = arith.constant 0 : i32
        %dma_wait3A_366 = tpu.memref_slice %arg16[%dma_wait3A_362, %dma_wait3A_363, %dma_wait3A_364, %dma_wait3A_365] : memref<2x5x128x16xf32, #tpu.memory_space<vmem>> -> memref<1x1x128x16xf32, #tpu.memory_space<vmem>>
        %dma_wait3A_367 = tpu.memref_squeeze %dma_wait3A_366 : memref<1x1x128x16xf32, #tpu.memory_space<vmem>> -> memref<128x16xf32, #tpu.memory_space<vmem>>
        %dma_wait3A_368 = arith.constant 0 : i32
        %dma_wait3A_369 = tpu.memref_slice %arg14[%dma_wait3A_360, %dma_wait3A_361, %dma_wait3A_368] : memref<3x5x128xi32, #tpu.memory_space<vmem>> -> memref<1x1x128xi32, #tpu.memory_space<vmem>>
        %dma_wait3A_370 = tpu.memref_squeeze %dma_wait3A_369 : memref<1x1x128xi32, #tpu.memory_space<vmem>> -> memref<128xi32, #tpu.memory_space<vmem>>
        %dma_wait3A_371 = arith.constant 0 : i32
        %dma_wait3A_372 = arith.constant 0 : i32
        %dma_wait3A_373 = tpu.memref_slice %arg5[%dma_wait3A_371, %dma_wait3A_372] : memref<1048576x16xf32, #tpu.memory_space<hbm>> -> memref<1048576x16xf32, #tpu.memory_space<hbm>>
        tpu.wait_indirect_dma semaphore(%arg21 : memref<!tpu.dma_semaphore, #tpu.memory_space<semaphore_mem>>) src(%dma_wait3A_373 : memref<1048576x16xf32, #tpu.memory_space<hbm>>) dst(%dma_wait3A_367 : memref<128x16xf32, #tpu.memory_space<vmem>>)
        %broadcast_in_dim3A_374 = arith.constant 0.000000e+00 : f32
        %broadcast_in_dim3A_375 = vector.broadcast %broadcast_in_dim3A_374 : f32 to vector<16xf32>
        %scan3A_376 = arith.constant 0 : i32
        %scan3A_377 = arith.constant 80 : i32
        %scan3A_378 = arith.addi %scan3A_376, %scan3A_377 : i32
        %scan3A_379 = arith.constant 1 : i32
        %scan3A_380 = scf.for %scan3A_386 = %scan3A_376 to %scan3A_378 step %scan3A_379 iter_args(%scan3A_387 = %broadcast_in_dim3A_375) -> (vector<16xf32>)  : i32 {
          %shift_right_arithmetic3A = arith.constant 4 : i32
          %shift_right_arithmetic3A_388 = arith.shrsi %scan3A_386, %shift_right_arithmetic3A : i32
          %broadcast_in_dim3A_389 = vector.broadcast %shift_right_arithmetic3A_388 : i32 to vector<16xi32>
          %and3A_390 = arith.constant 7 : i32
          %and3A_391 = arith.andi %scan3A_386, %and3A_390 : i32
          %shift_left3A = arith.constant 4 : i32
          %shift_left3A_392 = arith.shli %and3A_391, %shift_left3A : i32
          %broadcast_in_dim3A_393 = vector.broadcast %shift_left3A_392 : i32 to vector<16xi32>
          %add3A_394 = arith.addi %broadcast_in_dim3A_393, %iota3A : vector<16xi32>
          %shift_right_arithmetic3A_395 = arith.constant 3 : i32
          %shift_right_arithmetic3A_396 = arith.shrsi %scan3A_386, %shift_right_arithmetic3A_395 : i32
          %and3A_397 = arith.constant 1 : i32
          %and3A_398 = arith.andi %shift_right_arithmetic3A_396, %and3A_397 : i32
          %broadcast_in_dim3A_399 = vector.broadcast %and3A_398 : i32 to vector<16xi32>
          %broadcast_in_dim3A_400 = arith.constant 2 : i32
          %broadcast_in_dim3A_401 = vector.broadcast %broadcast_in_dim3A_400 : i32 to vector<16xi32>
          %gather3A = tpu.vector_load_idx %arg14[%broadcast_in_dim3A_401, %broadcast_in_dim3A_389, %add3A_394] : memref<3x5x128xi32, #tpu.memory_space<vmem>>[vector<16xi32>, vector<16xi32>, vector<16xi32>], vector<16xi32>,
          %add3A_402 = arith.addi %gather3A, %broadcast_in_dim3A_399 : vector<16xi32>
          %add3A_403 = arith.constant 2 : i32
          %add3A_404 = vector.broadcast %add3A_403 : i32 to vector<16xi32>
          %add3A_405 = arith.addi %add3A_402, %add3A_404 : vector<16xi32>
          %broadcast_in_dim3A_406 = arith.constant 0 : i32
          %broadcast_in_dim3A_407 = vector.broadcast %broadcast_in_dim3A_406 : i32 to vector<16xi32>
          %gather3A_408 = tpu.vector_load_idx %arg16[%broadcast_in_dim3A_407, %broadcast_in_dim3A_389, %add3A_394, %add3A_402] : memref<2x5x128x16xf32, #tpu.memory_space<vmem>>[vector<16xi32>, vector<16xi32>, vector<16xi32>, vector<16xi32>], vector<16xf32>,
          %broadcast_in_dim3A_409 = arith.constant 0 : i32
          %broadcast_in_dim3A_410 = vector.broadcast %broadcast_in_dim3A_409 : i32 to vector<16xi32>
          %gather3A_411 = tpu.vector_load_idx %arg16[%broadcast_in_dim3A_410, %broadcast_in_dim3A_389, %add3A_394, %add3A_405] : memref<2x5x128x16xf32, #tpu.memory_space<vmem>>[vector<16xi32>, vector<16xi32>, vector<16xi32>, vector<16xi32>], vector<16xf32>,
          %broadcast_in_dim3A_412 = arith.constant 1 : i32
          %broadcast_in_dim3A_413 = vector.broadcast %broadcast_in_dim3A_412 : i32 to vector<16xi32>
          %gather3A_414 = tpu.vector_load_idx %arg16[%broadcast_in_dim3A_413, %broadcast_in_dim3A_389, %add3A_394, %add3A_402] : memref<2x5x128x16xf32, #tpu.memory_space<vmem>>[vector<16xi32>, vector<16xi32>, vector<16xi32>, vector<16xi32>], vector<16xf32>,
          %broadcast_in_dim3A_415 = arith.constant 1 : i32
          %broadcast_in_dim3A_416 = vector.broadcast %broadcast_in_dim3A_415 : i32 to vector<16xi32>
          %gather3A_417 = tpu.vector_load_idx %arg16[%broadcast_in_dim3A_416, %broadcast_in_dim3A_389, %add3A_394, %add3A_405] : memref<2x5x128x16xf32, #tpu.memory_space<vmem>>[vector<16xi32>, vector<16xi32>, vector<16xi32>, vector<16xi32>], vector<16xf32>,
          %mul3A_418 = arith.constant 16 : i32
          %mul3A_419 = arith.muli %scan3A_386, %mul3A_418 : i32
          %get3A_420 = arith.index_cast %mul3A_419 : i32 to index
          %get3A_421 = tpu.vector_load %arg10[%get3A_420] {strides = array<i32>} : memref<1280xf32, #tpu.memory_space<vmem>>, vector<16xf32>,
          %mul3A_422 = arith.constant 16 : i32
          %mul3A_423 = arith.muli %scan3A_386, %mul3A_422 : i32
          %get3A_424 = arith.index_cast %mul3A_423 : i32 to index
          %get3A_425 = tpu.vector_load %arg12[%get3A_424] {strides = array<i32>} : memref<1280xf32, #tpu.memory_space<vmem>>, vector<16xf32>,
          %sub3A_426 = arith.subf %get3A_425, %gather3A_414 : vector<16xf32>
          %sub3A_427 = arith.subf %gather3A_414, %gather3A_417 : vector<16xf32>
          %mul3A_428 = arith.constant 1.500000e+00 : f32
          %mul3A_429 = vector.broadcast %mul3A_428 : f32 to vector<16xf32>
          %mul3A_430 = arith.mulf %mul3A_429, %sub3A_427 : vector<16xf32>
          %sub3A_431 = arith.subf %gather3A_411, %gather3A_408 : vector<16xf32>
          %mul3A_432 = arith.constant 5.000000e-01 : f32
          %mul3A_433 = vector.broadcast %mul3A_432 : f32 to vector<16xf32>
          %mul3A_434 = arith.mulf %mul3A_433, %sub3A_431 : vector<16xf32>
          %add3A_435 = arith.addf %mul3A_430, %mul3A_434 : vector<16xf32>
          %mul3A_436 = arith.constant 2.500000e+00 : f32
          %mul3A_437 = vector.broadcast %mul3A_436 : f32 to vector<16xf32>
          %mul3A_438 = arith.mulf %mul3A_437, %gather3A_414 : vector<16xf32>
          %sub3A_439 = arith.subf %gather3A_408, %mul3A_438 : vector<16xf32>
          %mul3A_440 = arith.constant 2.000000e+00 : f32
          %mul3A_441 = vector.broadcast %mul3A_440 : f32 to vector<16xf32>
          %mul3A_442 = arith.mulf %mul3A_441, %gather3A_417 : vector<16xf32>
          %add3A_443 = arith.addf %sub3A_439, %mul3A_442 : vector<16xf32>
          %mul3A_444 = arith.constant 5.000000e-01 : f32
          %mul3A_445 = vector.broadcast %mul3A_444 : f32 to vector<16xf32>
          %mul3A_446 = arith.mulf %mul3A_445, %gather3A_411 : vector<16xf32>
          %sub3A_447 = arith.subf %add3A_443, %mul3A_446 : vector<16xf32>
          %sub3A_448 = arith.subf %gather3A_417, %gather3A_408 : vector<16xf32>
          %mul3A_449 = arith.constant 5.000000e-01 : f32
          %mul3A_450 = vector.broadcast %mul3A_449 : f32 to vector<16xf32>
          %mul3A_451 = arith.mulf %mul3A_450, %sub3A_448 : vector<16xf32>
          %mul3A_452 = arith.mulf %add3A_435, %sub3A_426 : vector<16xf32>
          %add3A_453 = arith.addf %mul3A_452, %sub3A_447 : vector<16xf32>
          %mul3A_454 = arith.mulf %add3A_453, %sub3A_426 : vector<16xf32>
          %add3A_455 = arith.addf %mul3A_454, %mul3A_451 : vector<16xf32>
          %mul3A_456 = arith.mulf %add3A_455, %sub3A_426 : vector<16xf32>
          %add3A_457 = arith.addf %mul3A_456, %gather3A_414 : vector<16xf32>
          %sub3A_458 = arith.subf %get3A_421, %add3A_457 : vector<16xf32>
          %mul3A_459 = arith.mulf %sub3A_458, %sub3A_458 : vector<16xf32>
          %add3A_460 = arith.addf %scan3A_387, %mul3A_459 : vector<16xf32>
          scf.yield %add3A_460 : vector<16xf32>
        }
        %scan3A_381 = arith.constant 80 : i32
        %get3A = arith.constant 0 : index
        %get3A_382 = tpu.vector_load %arg17[%get3A] {strides = array<i32>} : memref<16xf32, #tpu.memory_space<vmem>>, vector<16xf32>,
        %add3A_383 = arith.addf %get3A_382, %scan3A_380 : vector<16xf32>
        %swap3A_384 = arith.constant 0 : index
        %swap3A_385 = tpu.vector_load %arg17[%swap3A_384] {strides = array<i32>} : memref<16xf32, #tpu.memory_space<vmem>>, vector<16xf32>,
        tpu.vector_store %arg17[%swap3A_384], %add3A_383 {strides = array<i32>} : memref<16xf32, #tpu.memory_space<vmem>>, vector<16xf32>,
      } else {
      }
      %add3A_228 = arith.constant 2 : i32
      %add3A_229 = arith.addi %add3A_217, %add3A_228 : i32
      %lt3A_230 = arith.cmpi slt, %add3A_229, %select_n3A : i32
      %convert_element_type3A_231 = arith.extui %lt3A_230 : i1 to i32
      %cond3A_232 = arith.constant 0 : i32
      %cond3A_233 = arith.cmpi ne, %convert_element_type3A_231, %cond3A_232 : i32
      scf.if %cond3A_233 {
        %add3A_234 = arith.constant 2 : i32
        %add3A_235 = arith.addi %add3A_217, %add3A_234 : i32
        %mul3A_236 = arith.constant 32 : i32
        %mul3A_237 = arith.muli %mul3A_236, %add3A_235 : i32
        %add3A_238 = arith.addi %add3A, %mul3A_237 : i32
        %mul3A_239 = arith.constant 1280 : i32
        %mul3A_240 = arith.muli %add3A_238, %mul3A_239 : i32
        %dma_start3A_241 = tpu.memref_slice %arg2[%mul3A_240] : memref<4000000xi32, #tpu.memory_space<hbm>> -> memref<1280xi32, #tpu.memory_space<hbm>>
        %dma_start3A_242 = tpu.memref_slice %arg2[%mul3A_240] : memref<4000000xi32, #tpu.memory_space<hbm>> -> memref<1280xi32, #tpu.memory_space<hbm>>
        tpu.enqueue_dma source(%dma_start3A_242 : memref<1280xi32, #tpu.memory_space<hbm>>) target(%arg8 : memref<1280xi32, #tpu.memory_space<vmem>>) target_semaphore(%arg19 : memref<!tpu.dma_semaphore, #tpu.memory_space<semaphore_mem>>)
        %dma_start3A_243 = tpu.memref_slice %arg3[%mul3A_240] : memref<4000000xf32, #tpu.memory_space<hbm>> -> memref<1280xf32, #tpu.memory_space<hbm>>
        %dma_start3A_244 = tpu.memref_slice %arg3[%mul3A_240] : memref<4000000xf32, #tpu.memory_space<hbm>> -> memref<1280xf32, #tpu.memory_space<hbm>>
        tpu.enqueue_dma source(%dma_start3A_244 : memref<1280xf32, #tpu.memory_space<hbm>>) target(%arg10 : memref<1280xf32, #tpu.memory_space<vmem>>) target_semaphore(%arg19 : memref<!tpu.dma_semaphore, #tpu.memory_space<semaphore_mem>>)
        %dma_start3A_245 = tpu.memref_slice %arg4[%mul3A_240] : memref<4000000xf32, #tpu.memory_space<hbm>> -> memref<1280xf32, #tpu.memory_space<hbm>>
        %dma_start3A_246 = tpu.memref_slice %arg4[%mul3A_240] : memref<4000000xf32, #tpu.memory_space<hbm>> -> memref<1280xf32, #tpu.memory_space<hbm>>
        tpu.enqueue_dma source(%dma_start3A_246 : memref<1280xf32, #tpu.memory_space<hbm>>) target(%arg12 : memref<1280xf32, #tpu.memory_space<vmem>>) target_semaphore(%arg19 : memref<!tpu.dma_semaphore, #tpu.memory_space<semaphore_mem>>)
      } else {
      }
    }
    %scan3A_193 = arith.constant 50 : i32
    "tpu.region"() ({
      %run_scoped3A = tpu.sem_alloc : memref<!tpu.dma_semaphore, #tpu.memory_space<semaphore_mem>>
      %dma_start3A_194 = arith.constant 0 : i32
      %dma_start3A_195 = tpu.memref_slice %arg6[%add3A, %dma_start3A_194] : memref<32x16xf32, #tpu.memory_space<hbm>> -> memref<1x16xf32, #tpu.memory_space<hbm>>
      %dma_start3A_196 = tpu.memref_squeeze %dma_start3A_195 : memref<1x16xf32, #tpu.memory_space<hbm>> -> memref<16xf32, #tpu.memory_space<hbm>>
      %dma_start3A_197 = arith.constant 0 : i32
      %dma_start3A_198 = tpu.memref_slice %arg6[%add3A, %dma_start3A_197] : memref<32x16xf32, #tpu.memory_space<hbm>> -> memref<1x16xf32, #tpu.memory_space<hbm>>
      %dma_start3A_199 = tpu.memref_squeeze %dma_start3A_198 : memref<1x16xf32, #tpu.memory_space<hbm>> -> memref<16xf32, #tpu.memory_space<hbm>>
      tpu.enqueue_dma source(%arg17 : memref<16xf32, #tpu.memory_space<vmem>>) target(%dma_start3A_199 : memref<16xf32, #tpu.memory_space<hbm>>) target_semaphore(%run_scoped3A : memref<!tpu.dma_semaphore, #tpu.memory_space<semaphore_mem>>)
      %dma_wait3A_200 = arith.constant 0 : i32
      %dma_wait3A_201 = tpu.memref_slice %arg6[%add3A, %dma_wait3A_200] : memref<32x16xf32, #tpu.memory_space<hbm>> -> memref<1x16xf32, #tpu.memory_space<hbm>>
      %dma_wait3A_202 = tpu.memref_squeeze %dma_wait3A_201 : memref<1x16xf32, #tpu.memory_space<hbm>> -> memref<16xf32, #tpu.memory_space<hbm>>
      %dma_wait3A_203 = arith.constant 0 : i32
      %dma_wait3A_204 = tpu.memref_slice %arg6[%add3A, %dma_wait3A_203] : memref<32x16xf32, #tpu.memory_space<hbm>> -> memref<1x16xf32, #tpu.memory_space<hbm>>
      %dma_wait3A_205 = tpu.memref_squeeze %dma_wait3A_204 : memref<1x16xf32, #tpu.memory_space<hbm>> -> memref<16xf32, #tpu.memory_space<hbm>>
      tpu.wait_dma2 semaphore(%run_scoped3A : memref<!tpu.dma_semaphore, #tpu.memory_space<semaphore_mem>>) src(%arg17 : memref<16xf32, #tpu.memory_space<vmem>>) dst(%dma_wait3A_205 : memref<16xf32, #tpu.memory_space<hbm>>)
      tpu.yield
    }) : () -> ()
    return
  }
}

</mosaic_0001>

<sc_bundles>
// kernel: kernel.4.cloned.1.call-start
scs
__scs_entry_jumppad:
0x0: {  	(pc) =	sbr.rel $0x88, $3  }
0x1: {  	(tag) =	ssettag $0x0;
	lr =	simm.s32 $0x1  }
0x2: {  	[smem:$0x3F9D] =	sst lr;
	_ =	strace $0xD0000000  }
0x3: {  	_ = 	snop  }
0x4: {  	_ = 	snop  }
0x5: {  	_ = 	snop  }
0x6: {  	_ = 	snop  }
0x7: {  	_ = 	snop  }
__scs_overlays_trampoline_lowered:
0x8: {  	[smem:$0x3FAC] =	sst s0  }
0x9: {  	[smem:$0x3FAD] =	sst s1  }
0xa: {  	[smem:$0x3FAE] =	sst s2  }
0xb: {  	[smem:$0x3FAF] =	sst s3  }
0xc: {  	[smem:$0x3FB0] =	sst s4  }
0xd: {  	[smem:$0x3FB1] =	sst s5  }
0xe: {  	[smem:$0x3FB2] =	sst s6  }
0xf: {  	[smem:$0x3FB3] =	sst s7  }
0x10: {  	[smem:$0x3FB4] =	sst s8  }
0x11: {  	[smem:$0x3FB5] =	sst s9;
	s0 =	simm.s32 @!p0 $0x0  }
0x12: {  	s1 =	sld [smem:$0x3F9B];
	s0 =	simm.s32 @p0 $0x1  }
0x13: {  	[smem:$0x3FB6] =	sst s0;
	s0 =	simm.s32 @!p1 $0x0  }
0x14: {  	s2 =	sld [smem:$0x3F9A];
	s0 =	simm.s32 @p1 $0x1  }
0x15: {  	[smem:$0x3FB7] =	sst s0;
	s0 =	simm.s32 @!p2 $0x0  }
0x16: {  	s3 =	sld [smem:$0x3FDB];
	s0 =	simm.s32 @p2 $0x1  }
0x17: {  	s4 =	simm.s32 $0x1BF5;
	[smem:$0x3FB9] =	sst s0  }
0x18: {  	s0 =	sld [smem:$0x3F9C];
	_ =	swait.ge [sflag:s4], $0x0  }
0x19: {  	s7 =	sld [smem:$0x3F9D]  }
0x1a: {  	s8 =	sadd.s32 $0xFFFFE003, lr  }
0x1b: {  	s9 =	sadd.s32 $0xFFFFFEF7, lr;
	s5 =	simm.s32 $0xFFFFFFFF;
	p2 =	slt.u32 s8, $0xFFFFF086  }
0x1c: {  	p1 =	slt.u32 s9, $0xF7A;
	s5 =	simm.s32 @!p2 $0x0  }
0x1d: {  	s5 =	simm.s32 @p1 $0x1;
	p0 =	seq.s32 s7, s2  }
0x1e: {  	s7 =	smul.u32 @!p0 $0xF7A, s2;
	p2 =	seq.s32 @!p0 s5, $0x0  }
0x1f: {  	s9 =	smul.u32 $0xF7A, s1;
	s8 =	simm.s32 @!p0 $0x1BF5;
	p2 =	por !p2, p0  }
0x20: {  	[sflag:s8] =	ssyncset.s32 @!p0 $0xFFFFF086;
	s6 =	sadd.s32 @!p0 s3, s7;
	s7 =	simm.s32 @!p0 $0x108  }
0x21: {  	s3 =	sadd.s32 s3, s9;
	s6 =	sadd.s32 @!p0 $0x88, s6;
	s7 =	simm.s32 @p2 $0x1082  }
0x22: {  	[simem:s7], [sflag:s8] =	dma.local @!p0 [hbm:s6], $0xF7A  }
0x23: {  	s9 =	sor.u32 $0xD0000000, s2;
	s6 =	simm.s32 $0x108;
	_ =	swait.ge @!p0 [sflag:s8], $0x0  }
0x24: {  	s3 =	sadd.s32 $0x88, s3;
	s6 =	simm.s32 @!p1 $0x1082;
	[sflag:s4] =	ssyncset.s32 $0xFFFFF086  }
0x25: {  	[simem:s6], [sflag:s4] =	dma.local [hbm:s3], $0xF7A  }
0x26: {  	[smem:$0x3F9D] =	sst s1;
	(tag) =	ssettag s2;
	_ =	strace s9  }
0x27: {  	s1 =	sld [smem:$0x3FAD]  }
0x28: {  	s2 =	sld [smem:$0x3FAE]  }
0x29: {  	s4 =	sld [smem:$0x3FB0]  }
0x2a: {  	p0 =	seq.s32 s5, $0x0;
	s5 =	sld [smem:$0x3FB1]  }
0x2b: {  	s6 =	sld [smem:$0x3FB2]  }
0x2c: {  	s7 =	sld [smem:$0x3FB3]  }
0x2d: {  	s3 =	simm.s32 $0x108;
	s8 =	sld [smem:$0x3FB4]  }
0x2e: {  	s3 =	simm.s32 @!p0 $0x1082;
	s9 =	sld [smem:$0x3FB5]  }
0x2f: {  	lr =	sadd.s32 s0, s3;
	s0 =	sld [smem:$0x3FAC]  }
0x30: {  	s3 =	sld [smem:$0x3FAF]  }
0x31: {  	[smem:$0x3FB8] =	sst s10  }
0x32: {  	s10 =	sld [smem:$0x3FB6];
	_ =	sdelay $0x3  }
0x33: {  	p0 =	seq.s32 s10, $0x1;
	s10 =	sld [smem:$0x3FB8];
	_ =	sdelay $0x3  }
0x34: {  	[smem:$0x3FB8] =	sst s10  }
0x35: {  	s10 =	sld [smem:$0x3FB7];
	_ =	sdelay $0x3  }
0x36: {  	p1 =	seq.s32 s10, $0x1;
	s10 =	sld [smem:$0x3FB8];
	_ =	sdelay $0x3  }
0x37: {  	[smem:$0x3FB8] =	sst s10  }
0x38: {  	s10 =	sld [smem:$0x3FB9]  }
0x39: {  	_ = 	snop;
	(pc) =	sbr.ind lr, $3  }
0x3a: {  	_ = 	snop  }
0x3b: {  	_ = 	snop  }
0x3c: {  	p2 =	seq.s32 s10, $0x1;
	s10 =	sld [smem:$0x3FB8]  }
0x3d: {  	_ =	shalt  }
0x3e: {  	_ =	shalt  }
0x3f: {  	_ =	shalt  }
0x40: {  	_ =	shalt  }
0x41: {  	_ =	shalt  }
0x42: {  	_ =	shalt  }
0x43: {  	_ =	shalt  }
0x44: {  	_ =	shalt  }
0x45: {  	_ =	shalt  }
0x46: {  	_ =	shalt  }
0x47: {  	_ =	shalt  }
0x48: {  	_ =	shalt  }
0x49: {  	_ =	shalt  }
0x4a: {  	_ =	shalt  }
0x4b: {  	_ =	shalt  }
0x4c: {  	_ =	shalt  }
0x4d: {  	_ =	shalt  }
0x4e: {  	_ =	shalt  }
0x4f: {  	_ =	shalt  }
0x50: {  	_ =	shalt  }
0x51: {  	_ =	shalt  }
0x52: {  	_ =	shalt  }
0x53: {  	_ =	shalt  }
0x54: {  	_ =	shalt  }
0x55: {  	_ =	shalt  }
0x56: {  	_ =	shalt  }
0x57: {  	_ =	shalt  }
0x58: {  	_ =	shalt  }
0x59: {  	_ =	shalt  }
0x5a: {  	_ =	shalt  }
0x5b: {  	_ =	shalt  }
0x5c: {  	_ =	shalt  }
0x5d: {  	_ =	shalt  }
0x5e: {  	_ =	shalt  }
0x5f: {  	_ =	shalt  }
0x60: {  	_ =	shalt  }
0x61: {  	_ =	shalt  }
0x62: {  	_ =	shalt  }
0x63: {  	_ =	shalt  }
0x64: {  	_ =	shalt  }
0x65: {  	_ =	shalt  }
0x66: {  	_ =	shalt  }
0x67: {  	_ =	shalt  }
0x68: {  	_ =	shalt  }
0x69: {  	_ =	shalt  }
0x6a: {  	_ =	shalt  }
0x6b: {  	_ =	shalt  }
0x6c: {  	_ =	shalt  }
0x6d: {  	_ =	shalt  }
0x6e: {  	_ =	shalt  }
0x6f: {  	_ =	shalt  }
0x70: {  	_ =	shalt  }
0x71: {  	_ =	shalt  }
0x72: {  	_ =	shalt  }
0x73: {  	_ =	shalt  }
0x74: {  	_ =	shalt  }
0x75: {  	_ =	shalt  }
0x76: {  	_ =	shalt  }
0x77: {  	_ =	shalt  }
0x78: {  	_ =	shalt  }
0x79: {  	_ =	shalt  }
0x7a: {  	_ =	shalt  }
0x7b: {  	_ =	shalt  }
0x7c: {  	_ =	shalt  }
0x7d: {  	_ =	shalt  }
0x7e: {  	_ =	shalt  }
0x7f: {  	_ =	shalt  }
0x80: {  	_ =	shalt  }
0x81: {  	_ =	shalt  }
0x82: {  	_ =	shalt  }
0x83: {  	_ =	shalt  }
0x84: {  	_ =	shalt  }
0x85: {  	_ =	shalt  }
0x86: {  	_ =	shalt  }
0x87: {  	_ =	shalt  }
.Lfunc_end0:
.L_simem_size_0:
called_computation_lowered:
.L_overlay_start_0:
0x88: {  	s2 =	sld [smem:$0x3FD9]  }
0x89: {  	s3 =	sld [smem:$0x3FFE];
	_ =	sdelay $0x1  }
0x8a: {  	s1 =	srdreg.scid  }
0x8b: {  	s0 =	sand.u32 $0x1, s1  }
0x8c: {  	s17 =	sshll.u32 s0, $0xA;
	s2 =	sadd.s32 s3, s2  }
0x8d: {  	s2 =	sadd.s32 s2, s17  }
0x8e: {  	[smem:$0x3FC4] =	sst s2  }
0x8f: {  	_ = 	snop  }
0x90: {  	s2 =	sld [smem:$0x3FC7];
	(tm) =	ssettm $0x1  }
0x91: {  	s18 =	sld [smem:$0x3FFB];
	_ =	sdelay $0x3  }
0x92: {  	_ =	strace s18  }
0x93: {  	s3 =	sld [smem:$0x3FFC];
	_ =	sdelay $0x3  }
0x94: {  	_ =	strace s3  }
0x95: {  	s3 =	sld [smem:$0x3FFD];
	_ =	sdelay $0x3  }
0x96: {  	_ =	strace s3  }
0x97: {  	_ =	strace $0x8FFFFFFF  }
0x98: {  	s19 =	sld [smem:$0x3FDB];
	_ =	sdelay $0x1  }
0x99: {  	s4 =	simm.s32 $_scs_section_size  }
0x9a: {  	s5 =	simm.s32 $_size__tile_overlayer_lowered;
	s6 =	simm.s32 $_tile_overlayer_lowered  }
0x9b: {  	s22 =	simm.s32 $0x1BFF;
	s21 =	sshll.u32 s6, $0x1;
	s3 =	sadd.s32 s4, s19  }
0x9c: {  	s7 =	simm.s32 $0x0;
	s20 =	sshll.u32 s5, $0x1;
	s5 =	sadd.s32 s21, s3  }
0x9d: {  	[timem:s7], [sflag:s22] =	dma.local [hbm:s5], s20  }
0x9e: {  	_ =	swait.ge [sflag:s22], s20  }
0x9f: {  	s4 =	ssub.s32 $0x0, s20;
	[sflag:s22] =	ssyncset.done $0x0  }
0xa0: {  	[sflag:s22] =	ssyncadd.s32 s4;
	_ =	sdelay $0x1  }
0xa1: {  	s23 =	simm.s32 $0x1B8B  }
0xa2: {  	_ =	swait.ge [sflag:s23], $0x1  }
0xa3: {  	[sflag:s23] =	ssyncset.done $0x0  }
0xa4: {  	s25 =	simm.s32 $0x1B8E;
	s24 =	sld [smem:$0x3FFE];
	[sflag:s23] =	ssyncadd.s32 $0xFFFFFFFF  }
0xa5: {  	s26 =	simm.s32 $execute0_lowered;
	[smem:$0x3FD2] =	sst s25  }
0xa6: {  	s5 =	sshll.u32 s26, $0x1;
	_ =	strace $0x80000046;
	[dreg:$0x1] =	wrdreg $0xFFFFFFFF  }
0xa7: {  	s28 =	simm.s32 $_size_execute0_lowered;
	s3 =	sadd.s32 s3, s5;
	[dreg:$0x0] =	wrdreg $0x0  }
0xa8: {  	s5 =	sshll.u32 s28, $0x1;
	[dreg:$0x2] =	wrdreg s3  }
0xa9: {  	[dreg:$0x3] =	wrdreg s5  }
0xaa: {  	[dreg:$0x4] =	wrdreg $0xC0  }
0xab: {  	_ =	task [dreg:s7], $0x5FFFF  }
0xac: {  	[dreg:$0x1] =	wrdreg $0xFFFFFFFF  }
0xad: {  	[dreg:$0x0] =	wrdreg $0x60  }
0xae: {  	[dreg:$0x2] =	wrdreg s2  }
0xaf: {  	[dreg:$0x3] =	wrdreg s24  }
0xb0: {  	[dreg:$0x4] =	wrdreg $0x9  }
0xb1: {  	_ =	task.clear_ibuf [dreg:s7], $0x5FFFF;
	_ =	strace $0x90000046  }
0xb2: {  	s29 =	simm.s32 $0x9;
	_ =	strace $0x80000048  }
0xb3: {  	_ =	swait.ge [sflag:s29], $0x1  }
0xb4: {  	[sflag:s29] =	ssyncadd.s32 $0xFFFFFFFF  }
0xb5: {  	_ =	strace $0x90000048  }
0xb6: {  	_ =	sfence  }
0xb7: {  	s30 =	sld [smem:$0x0];
	_ =	sdelay $0x2  }
0xb8: {  	s31 =	sshll.u32 s1, $0xD;
	s1 =	sshrl.u32 s1, $0x2  }
0xb9: {  	s3 =	sand.u32 $0x4000, s31;
	s1 =	sadd.s32 s1, s30  }
0xba: {  	s0 =	sor.u32 s3, s0;
	s1 =	sshll.u32 s1, $0x11  }
0xbb: {  	s0 =	sor.u32 s1, s0  }
0xbc: {  	s0 =	sadd.s32 $0x8F2B, s0  }
0xbd: {  	[sflag:s0] =	ssyncadd.remote.s32 $0x1  }
0xbe: {  	_ =	sfence.sel $0xFFFF  }
0xbf: {  	[dreg:$0x0] =	wrdreg $0xFFFFFFFF;
	(pc) =	sbr.abs _section_cstart, $3  }
0xc0: {  	[dreg:$0x1] =	wrdreg $0xFFFFFFFF  }
0xc1: {  	_ =	task.clear_ibuf [dreg:s7], $0x2FFFF;
	_ =	strace $0x9FFFFFFF  }
0xc2: {  	(tm) =	ssettm $0x7FFFFFFF  }
0xc3: {  	_ =	shalt  }
tec
execute0_lowered:
.L_overlay_start_1:
0x0: {  	(tag) =	ssettag $0x1  }
0x1: {  	v0 =	vimm.s32 $0x1087;
	vm0 =	vcmask $0x300  }
0x2: {  	vm14 =	vcmask $0x704;
	v0 =	vsel vm0, $0x1000, v0  }
0x3: {  	v1 =	vimm.s32 $0x85058404;
	vm15 =	vcmask $0xB08;
	v0 =	vsel vm14, $0x1080, v0  }
0x4: {  	s0 =	rddreg [dreg:$0x0];
	vm4 =	vcmask $0xF0C;
	v2 =	vimm.s32 $0x87078606;
	v0 =	vsel vm15, $0x1001, v0  }
0x5: {  	s1 =	rddreg [dreg:$0x1];
	s2 =	simm.s32 $0x0;
	vm5 =	vcmask $0x1310;
	vm1 =	vcmask $0x1714;
	v0 =	vsel vm4, $0x1081, v0  }
0x6: {  	s3 =	srdreg.scid;
	s4 =	stileid.u32;
	vm6 =	vcmask $0x1F10;
	vm7 =	vcmask $0x1B18;
	s15 =	simm.s32 $0x1100;
	v0 =	vsel vm5, $0x1002, v0  }
0x7: {  	v3 =	vimm.s32 $0x81018000;
	vm8 =	vcmask $0x1F1C;
	s16 =	simm.s32 $0x2100;
	s17 =	simm.s32 $0x1;
	s18 =	simm.s32 $0x2200;
	v0 =	vsel vm1, $0x1082, v0  }
0x8: {  	vm9 =	vcmask $0x2320;
	v4 =	vimm.s32 $0x83038202;
	s19 =	simm.s32 $0x2208;
	s20 =	simm.s32 $0x2;
	s21 =	simm.s32 $0x3210;
	v0 =	vsel vm7, $0x1003, v0  }
0x9: {  	vm10 =	vcmask $0x2724;
	vm11 =	vcmask $0x2B28;
	s22 =	simm.s32 $0x3218;
	s23 =	simm.s32 $0x3;
	s24 =	simm.s32 $0x4;
	v0 =	vsel vm8, $0x1083, v0  }
0xa: {  	s25 =	simm.s32 $0x0;
	v1 =	vunpack.c.0.s8.s32 v1;
	[smem:$0x7FF] =	sst s2;
	v2 =	vunpack.c.0.s8.s32 v2;
	s3 =	sand.u32 $0x1, s3;
	v0 =	vsel vm9, $0x1004, v0  }
0xb: {  	s5 =	sshll.u32 s4, $0x1;
	s4 =	sadd.s32 $0x600, s1;
	v3 =	vunpack.c.0.s8.s32 v3;
	s10 =	sadd.s32 $0x100600, s1;
	v4 =	vunpack.c.0.s8.s32 v4;
	v0 =	vsel vm10, $0x1084, v0  }
.Ltmp0:
0xc: {  	vm12 =	vcmask $0x2F2C;
	vm13 =	vcmask $0x3330;
	s6 =	ssub.s32 $0x2, s3;
	s3 =	sor.u32 s3, s5;
	v0 =	vsel vm11, $0x1005, v0;
	(pc) =	sbr.rel .LBB2_1-.Ltmp0, $4  }
0xd: {  	_ =	strace $0x80000047;
	s7 =	sshrl.u32 s6, $0x1;
	s8 =	sshll.u32 s3, $0xF;
	v1 =	vsel vm6, v2, v1;
	v2 =	vsel vm6, v4, v3;
	v0 =	vsel vm12, $0x1085, v0  }
0xe: {  	s5 =	sadd.s32 $0x200, s0;
	vm14 =	vcmask $0x3734;
	s13 =	ssub.s32 s6, s7;
	s6 =	sadd.s32 s0, s8;
	v1 =	vcombine.low v2, v1;
	v0 =	vsel vm13, $0x1006, v0  }
0xf: {  	vm15 =	vcmask $0x3B38;
	s7 =	sadd.s32 s8, s5;
	s8 =	sshll.u32 s3, $0x6;
	s9 =	sadd.s32 $0x400, s6;
	v2 =	vsel vm14, $0x1086, v0  }
0x10: {  	s11 =	sor.u32 $0x2, s8;
	s12 =	sor.u32 $0x3, s8;
	s13 =	smax.u32 s13, $0x1;
	v0 =	vand.u32 $0xFF, v1;
	v1 =	vsel vm15, $0x1007, v2  }
.LBB2_8:
0x11: {  	_ =	swait.ge [sflag:s23], $0x1000  }
0x12: {  	[sflag:s23] =	ssyncset.done $0x0  }
0x13: {  	[sflag:s23] =	ssyncadd.s32 $0xFFFFF000  }
0x14: {  	_ =	swait.ge [sflag:s23], $0x1000  }
0x15: {  	[sflag:s23] =	ssyncset.done $0x0  }
0x16: {  	s25 =	sadd.s32 $0x1, s25;
	[sflag:s23] =	ssyncadd.s32 $0xFFFFF000  }
0x17: {  	p0 =	sne.s32 s25, s13;
	_ =	swait.ge [sflag:s24], $0x1000  }
.Ltmp1:
0x18: {  	[sflag:s24] =	ssyncset.done $0x0;
	(pc) =	sbr.rel @!p0 .LBB2_9-.Ltmp1, $4  }
0x19: {  	[sflag:s24] =	ssyncadd.s32 $0xFFFFF000  }
0x1a: {  	_ =	swait.ge [sflag:s24], $0x1000  }
0x1b: {  	[sflag:s24] =	ssyncset.done $0x0  }
0x1c: {  	[sflag:s24] =	ssyncadd.s32 $0xFFFFF000  }
.LBB2_1:
0x1d: {  	[tilespmem:s2], [sflag:$0x1] =	stream.linear.gather [hbm4b:s6+s2], $0x1000, $0x38;
	[tilespmem:$0x4220] =	vst v63  }
0x1e: {  	s1 =	simm.s32 $0x1000  }
0x1f: {  	[tilespmem:s1], [sflag:$0x1] =	stream.linear.gather [hbm4b:s7+s2], $0x100, $0x38;
	[tilespmem:$0x4220] =	vst v63  }
0x20: {  	_ = 	snop  }
0x21: {  	[tilespmem:s15], [sflag:$0x2] =	stream.linear.gather [hbm4b:s7+s2], $0x1000, $0x38;
	[tilespmem:$0x4220] =	vst v63  }
0x22: {  	s26 =	simm.s32 $0x0  }
0x23: {  	[tilespmem:s16], [sflag:$0x2] =	stream.linear.gather [hbm4b:s9+s2], $0x100, $0x38;
	[tilespmem:$0x4220] =	vst v63  }
.LBB2_2:
0x24: {  	_ =	swait.ge [sflag:s17], $0x1000  }
0x25: {  	[sflag:s17] =	ssyncset.done $0x0  }
0x26: {  	[sflag:s17] =	ssyncadd.s32 $0xFFFFF000  }
0x27: {  	p0 =	seq.s32 s26, $0x0;
	_ =	swait.ge [sflag:s17], $0x100  }
0x28: {  	s1 =	simm.s32 $0x0;
	s3 =	simm.s32 @!p0 $0x3;
	[sflag:s17] =	ssyncset.done $0x0  }
0x29: {  	s14 =	sand.u32 $0xF00, s1;
	s1 =	sand.u32 $0x78, s1;
	[sflag:s17] =	ssyncadd.s32 $0xFFFFFF00  }
0x2a: {  	s1 =	sor.u32 s1, s14;
	_ =	swait.ge @!p0 [sflag:s3], $0x1000  }
0x2b: {  	v2 =	vor.u32 s1, v0;
	[sflag:s3] =	ssyncset.done @!p0 $0x0  }
0x2c: {  	[sflag:s3] =	ssyncadd.s32 @!p0 $0xFFFFF000  }
0x2d: {  	_ =	swait.ge @!p0 [sflag:s3], $0x1000  }
0x2e: {  	s14 =	simm.s32 $0x8;
	s1 =	simm.s32 $0x10;
	[sflag:s3] =	ssyncset.done @!p0 $0x0  }
0x2f: {  	s14 =	sand.u32 $0x78, s14;
	s1 =	sand.u32 $0xF00, s1;
	[sflag:s3] =	ssyncadd.s32 @!p0 $0xFFFFF000  }
0x30: {  	s1 =	sor.u32 s14, s1;
	v2 =	vld.idx.msk [tilespmem:v2+s2+$0x0], $0xffff  }
0x31: {  	v3 =	vor.u32 s1, v0;
	_ =	sdelay $0x2  }
0x32: {  	s28 =	sshll.u32 s26, $0x1;
	s30 =	simm.s32 $0x2200;
	s31 =	simm.s32 $0x10  }
0x33: {  	s14 =	simm.s32 $0x20;
	s1 =	simm.s32 $0x30;
	s3 =	sor.u32 s8, s28;
	[tilespmem:s30+$0x0] =	vst v2  }
0x34: {  	s29 =	sshll.u32 s3, $0x9;
	s3 =	sand.u32 $0xF00, s14;
	s14 =	sand.u32 $0x78, s31;
	v2 =	vld.idx.msk [tilespmem:v3+s2+$0x0], $0xffff  }
.LBB2_3:
0x35: {  	p1 =	sne.s32 s1, $0xFF0;
	s3 =	sor.u32 s14, s3  }
0x36: {  	v3 =	vor.u32 s3, v0  }
.Ltmp2:
0x37: {  	(pc) =	sbr.rel @p1 .LBB2_3-.Ltmp2, $4  }
0x38: {  	_ = 	snop  }
0x39: {  	s30 =	sadd.s32 $0x10, s30  }
0x3a: {  	s31 =	sadd.s32 $0x8, s31;
	[tilespmem:s30+$0x0] =	vst v2  }
0x3b: {  	s3 =	sand.u32 $0xF00, s1;
	s14 =	sand.u32 $0x78, s31;
	s1 =	sadd.s32 $0x10, s1;
	v2 =	vld.idx.msk [tilespmem:v3+s2+$0x0], $0xffff  }
0x3c: {  	s1 =	sor.u32 s14, s3  }
0x3d: {  	v3 =	vor.u32 s1, v0;
	_ =	sdelay $0x2  }
0x3e: {  	s3 =	sadd.s32 $0x10, s30  }
0x3f: {  	[tilespmem:s3+$0x0] =	vst v2  }
0x40: {  	v2 =	vld.idx.msk [tilespmem:v3+s2+$0x0], $0xffff;
	_ =	sdelay $0x3  }
0x41: {  	s1 =	sadd.s32 $0x10, s3  }
0x42: {  	[tilespmem:s1+$0x0] =	vst v2  }
0x43: {  	v2 =	vld.idx.msk [tilespmem:v1+s2+$0x0], $0xffff;
	_ =	sdelay $0x3  }
0x44: {  	p1 =	seq.s32 s26, $0x1F  }
0x45: {  	s14 =	sadd.s32 s4, s29;
	s1 =	sadd.s32 @!p1 s28, s11;
	[tilespmem:$0x3200] =	vst v2  }
0x46: {  	[hbm4b:s14+s2] =	stream.linear.scatter [tilespmem:s18], [sflag:$0x3], $0x1000, $0x38;
	[tilespmem:$0x4220] =	vst v63  }
0x47: {  	s3 =	sadd.s32 s29, s10;
	s1 =	sshll.u32 @!p1 s1, $0x9  }
0x48: {  	[hbm4b:s3+s2] =	stream.linear.scatter [tilespmem:s19], [sflag:$0x3], $0x1000, $0x38;
	[tilespmem:$0x4220] =	vst v63  }
0x49: {  	s14 =	simm.s32 @!p1 $0x0;
	s3 =	sadd.s32 @!p1 s0, s1;
	s1 =	sand.u32 @!p1 $0xFFC00, s1  }
0x4a: {  	[tilespmem:s14], [sflag:$0x1] =	stream.linear.gather @!p1 [hbm4b:s3+s14], $0x1000, $0x38;
	[tilespmem:$0x4220] =	vst v63  }
0x4b: {  	s1 =	sadd.s32 @!p1 s1, s5;
	s3 =	simm.s32 @!p1 $0x1000  }
0x4c: {  	[tilespmem:s3], [sflag:$0x1] =	stream.linear.gather @!p1 [hbm4b:s1+s14], $0x100, $0x38;
	[tilespmem:$0x4220] =	vst v63  }
0x4d: {  	_ =	swait.ge [sflag:s20], $0x1000  }
0x4e: {  	[sflag:s20] =	ssyncset.done $0x0  }
0x4f: {  	[sflag:s20] =	ssyncadd.s32 $0xFFFFF000  }
0x50: {  	_ =	swait.ge [sflag:s20], $0x100  }
0x51: {  	s1 =	simm.s32 $0x0;
	s3 =	simm.s32 @!p0 $0x4;
	[sflag:s20] =	ssyncset.done $0x0  }
0x52: {  	s14 =	sand.u32 $0xF00, s1;
	s1 =	sand.u32 $0x78, s1;
	[sflag:s20] =	ssyncadd.s32 $0xFFFFFF00  }
0x53: {  	s1 =	sor.u32 s1, s14;
	_ =	swait.ge @!p0 [sflag:s3], $0x1000  }
0x54: {  	v2 =	vor.u32 s1, v0;
	[sflag:s3] =	ssyncset.done @!p0 $0x0  }
0x55: {  	[sflag:s3] =	ssyncadd.s32 @!p0 $0xFFFFF000  }
0x56: {  	_ =	swait.ge @!p0 [sflag:s3], $0x1000  }
0x57: {  	s14 =	simm.s32 $0x8;
	s1 =	simm.s32 $0x10;
	[sflag:s3] =	ssyncset.done @!p0 $0x0  }
0x58: {  	s14 =	sand.u32 $0x78, s14;
	s1 =	sand.u32 $0xF00, s1;
	[sflag:s3] =	ssyncadd.s32 @!p0 $0xFFFFF000  }
0x59: {  	s1 =	sor.u32 s14, s1;
	v2 =	vld.idx.msk [tilespmem:v2+s15+$0x0], $0xffff  }
0x5a: {  	v3 =	vor.u32 s1, v0;
	_ =	sdelay $0x2  }
0x5b: {  	s30 =	simm.s32 $0x3210  }
0x5c: {  	s31 =	simm.s32 $0x10;
	s29 =	sor.u32 $0x200, s29;
	s14 =	simm.s32 $0x20;
	[tilespmem:s30+$0x0] =	vst v2  }
0x5d: {  	s1 =	simm.s32 $0x30;
	s3 =	sand.u32 $0xF00, s14;
	s14 =	sand.u32 $0x78, s31;
	v2 =	vld.idx.msk [tilespmem:v3+s15+$0x0], $0xffff  }
.LBB2_5:
0x5e: {  	p0 =	sne.s32 s1, $0xFF0;
	s3 =	sor.u32 s14, s3  }
0x5f: {  	v3 =	vor.u32 s3, v0  }
.Ltmp3:
0x60: {  	(pc) =	sbr.rel @p0 .LBB2_5-.Ltmp3, $4  }
0x61: {  	_ = 	snop  }
0x62: {  	s30 =	sadd.s32 $0x10, s30  }
0x63: {  	s31 =	sadd.s32 $0x8, s31;
	[tilespmem:s30+$0x0] =	vst v2  }
0x64: {  	s3 =	sand.u32 $0xF00, s1;
	s14 =	sand.u32 $0x78, s31;
	s1 =	sadd.s32 $0x10, s1;
	v2 =	vld.idx.msk [tilespmem:v3+s15+$0x0], $0xffff  }
0x65: {  	s1 =	sor.u32 s14, s3  }
0x66: {  	v3 =	vor.u32 s1, v0;
	_ =	sdelay $0x2  }
0x67: {  	s14 =	sadd.s32 $0x10, s30  }
0x68: {  	[tilespmem:s14+$0x0] =	vst v2  }
0x69: {  	v2 =	vld.idx.msk [tilespmem:v3+s15+$0x0], $0xffff;
	_ =	sdelay $0x3  }
0x6a: {  	s1 =	sadd.s32 $0x10, s14  }
0x6b: {  	[tilespmem:s1+$0x0] =	vst v2  }
0x6c: {  	v2 =	vld.idx.msk [tilespmem:v1+s15+$0x0], $0xffff;
	_ =	sdelay $0x3  }
.Ltmp4:
0x6d: {  	_ = 	snop;
	(pc) =	sbr.rel @p1 .LBB2_8-.Ltmp4, $4  }
0x6e: {  	s30 =	sadd.s32 s4, s29;
	[tilespmem:$0x4210] =	vst v2  }
0x6f: {  	[hbm4b:s30+s2] =	stream.linear.scatter [tilespmem:s21], [sflag:$0x4], $0x1000, $0x38;
	[tilespmem:$0x4220] =	vst v63  }
0x70: {  	s31 =	sadd.s32 s29, s10  }
0x71: {  	[hbm4b:s31+s2] =	stream.linear.scatter [tilespmem:s22], [sflag:$0x4], $0x1000, $0x38;
	[tilespmem:$0x4220] =	vst v63  }
0x72: {  	s1 =	sadd.s32 s28, s12  }
0x73: {  	s1 =	sshll.u32 s1, $0x9  }
.Ltmp5:
0x74: {  	s3 =	sadd.s32 s0, s1;
	s1 =	sadd.s32 $0x200, s1;
	(pc) =	sbr.rel .LBB2_2-.Ltmp5, $4  }
0x75: {  	[tilespmem:s15], [sflag:$0x2] =	stream.linear.gather [hbm4b:s3+s2], $0x1000, $0x38;
	[tilespmem:$0x4220] =	vst v63  }
0x76: {  	s1 =	sand.u32 $0xFFC00, s1  }
0x77: {  	s26 =	sadd.s32 $0x1, s26;
	s1 =	sadd.s32 s0, s1  }
0x78: {  	[tilespmem:s16], [sflag:$0x2] =	stream.linear.gather [hbm4b:s1+s2], $0x100, $0x38;
	[tilespmem:$0x4220] =	vst v63  }
.LBB2_9:
0x79: {  	_ =	sfence.sel $0x180000  }
0x7a: {  	[bflag:$0x0] =	sbarrier.arrive $0xFFFF  }
0x7b: {  	_ =	strace $0x90000047  }
0x7c: {  	s0 =	stileid.u32;
	[bflag:$0x2] =	sbarrier.arrive $0xFFFF  }
0x7d: {  	p0 =	sne.s32 s0, $0x0;
	s0 =	rddreg [dreg:$0x2]  }
0x7e: {  	s0 =	sadd.s32 @!p0 $0x100000, s0  }
0x7f: {  	[sflag:s0] =	ssyncadd.tile.s32 @!p0 $0x1;
	_ =	shalt  }
.Lfunc_end2:
_tile_overlayer_lowered:
.L_overlay_start_2:
0x80: {  	(tag) =	ssettag $0x2  }
0x81: {  	s0 =	rddreg [dreg:$0x0];
	s2 =	stileid.u32  }
0x82: {  	s1 =	rddreg [dreg:$0x1];
	p0 =	sne.s32 s2, $0x0  }
0x83: {  	s3 =	rddreg [dreg:$0x2];
	[bflag:$0x3] =	sbarrier.arrive $0xFFFF;
	s2 =	simm.s32 @!p0 $0x1C05  }
0x84: {  	[timem:s3], [sflag:s2] =	dma.local @!p0 [hbm:s0], s1  }
0x85: {  	s0 =	simm.s32 @!p0 $0x5  }
0x86: {  	_ =	swait.ge @!p0 [sflag:s0], s1  }
0x87: {  	s1 =	ssub.s32 @!p0 $0x0, s1;
	[sflag:s0] =	ssyncset.done @!p0 $0x0  }
0x88: {  	[sflag:s0] =	ssyncadd.s32 @!p0 s1  }
0x89: {  	[bflag:$0x3] =	sbarrier.arrive $0xFFFF  }
0x8a: {  	_ =	shalt  }

// kernel: kernel.7.cloned.1.call-start
scs
__scs_entry_jumppad:
0x0: {  	(pc) =	sbr.rel $0x88, $3  }
0x1: {  	(tag) =	ssettag $0x0;
	lr =	simm.s32 $0x1  }
0x2: {  	[smem:$0x3F9D] =	sst lr;
	_ =	strace $0xD0000000  }
0x3: {  	_ = 	snop  }
0x4: {  	_ = 	snop  }
0x5: {  	_ = 	snop  }
0x6: {  	_ = 	snop  }
0x7: {  	_ = 	snop  }
__scs_overlays_trampoline_lowered:
0x8: {  	[smem:$0x3FAC] =	sst s0  }
0x9: {  	[smem:$0x3FAD] =	sst s1  }
0xa: {  	[smem:$0x3FAE] =	sst s2  }
0xb: {  	[smem:$0x3FAF] =	sst s3  }
0xc: {  	[smem:$0x3FB0] =	sst s4  }
0xd: {  	[smem:$0x3FB1] =	sst s5  }
0xe: {  	[smem:$0x3FB2] =	sst s6  }
0xf: {  	[smem:$0x3FB3] =	sst s7  }
0x10: {  	[smem:$0x3FB4] =	sst s8  }
0x11: {  	[smem:$0x3FB5] =	sst s9;
	s0 =	simm.s32 @!p0 $0x0  }
0x12: {  	s1 =	sld [smem:$0x3F9B];
	s0 =	simm.s32 @p0 $0x1  }
0x13: {  	[smem:$0x3FB6] =	sst s0;
	s0 =	simm.s32 @!p1 $0x0  }
0x14: {  	s2 =	sld [smem:$0x3F9A];
	s0 =	simm.s32 @p1 $0x1  }
0x15: {  	[smem:$0x3FB7] =	sst s0;
	s0 =	simm.s32 @!p2 $0x0  }
0x16: {  	s3 =	sld [smem:$0x3FDB];
	s0 =	simm.s32 @p2 $0x1  }
0x17: {  	s4 =	simm.s32 $0x1BF5;
	[smem:$0x3FB9] =	sst s0  }
0x18: {  	s0 =	sld [smem:$0x3F9C];
	_ =	swait.ge [sflag:s4], $0x0  }
0x19: {  	s7 =	sld [smem:$0x3F9D]  }
0x1a: {  	s8 =	sadd.s32 $0xFFFFE003, lr  }
0x1b: {  	s9 =	sadd.s32 $0xFFFFFEF7, lr;
	s5 =	simm.s32 $0xFFFFFFFF;
	p2 =	slt.u32 s8, $0xFFFFF086  }
0x1c: {  	p1 =	slt.u32 s9, $0xF7A;
	s5 =	simm.s32 @!p2 $0x0  }
0x1d: {  	s5 =	simm.s32 @p1 $0x1;
	p0 =	seq.s32 s7, s2  }
0x1e: {  	s7 =	smul.u32 @!p0 $0xF7A, s2;
	p2 =	seq.s32 @!p0 s5, $0x0  }
0x1f: {  	s9 =	smul.u32 $0xF7A, s1;
	s8 =	simm.s32 @!p0 $0x1BF5;
	p2 =	por !p2, p0  }
0x20: {  	[sflag:s8] =	ssyncset.s32 @!p0 $0xFFFFF086;
	s6 =	sadd.s32 @!p0 s3, s7;
	s7 =	simm.s32 @!p0 $0x108  }
0x21: {  	s3 =	sadd.s32 s3, s9;
	s6 =	sadd.s32 @!p0 $0x88, s6;
	s7 =	simm.s32 @p2 $0x1082  }
0x22: {  	[simem:s7], [sflag:s8] =	dma.local @!p0 [hbm:s6], $0xF7A  }
0x23: {  	s9 =	sor.u32 $0xD0000000, s2;
	s6 =	simm.s32 $0x108;
	_ =	swait.ge @!p0 [sflag:s8], $0x0  }
0x24: {  	s3 =	sadd.s32 $0x88, s3;
	s6 =	simm.s32 @!p1 $0x1082;
	[sflag:s4] =	ssyncset.s32 $0xFFFFF086  }
0x25: {  	[simem:s6], [sflag:s4] =	dma.local [hbm:s3], $0xF7A  }
0x26: {  	[smem:$0x3F9D] =	sst s1;
	(tag) =	ssettag s2;
	_ =	strace s9  }
0x27: {  	s1 =	sld [smem:$0x3FAD]  }
0x28: {  	s2 =	sld [smem:$0x3FAE]  }
0x29: {  	s4 =	sld [smem:$0x3FB0]  }
0x2a: {  	p0 =	seq.s32 s5, $0x0;
	s5 =	sld [smem:$0x3FB1]  }
0x2b: {  	s6 =	sld [smem:$0x3FB2]  }
0x2c: {  	s7 =	sld [smem:$0x3FB3]  }
0x2d: {  	s3 =	simm.s32 $0x108;
	s8 =	sld [smem:$0x3FB4]  }
0x2e: {  	s3 =	simm.s32 @!p0 $0x1082;
	s9 =	sld [smem:$0x3FB5]  }
0x2f: {  	lr =	sadd.s32 s0, s3;
	s0 =	sld [smem:$0x3FAC]  }
0x30: {  	s3 =	sld [smem:$0x3FAF]  }
0x31: {  	[smem:$0x3FB8] =	sst s10  }
0x32: {  	s10 =	sld [smem:$0x3FB6];
	_ =	sdelay $0x3  }
0x33: {  	p0 =	seq.s32 s10, $0x1;
	s10 =	sld [smem:$0x3FB8];
	_ =	sdelay $0x3  }
0x34: {  	[smem:$0x3FB8] =	sst s10  }
0x35: {  	s10 =	sld [smem:$0x3FB7];
	_ =	sdelay $0x3  }
0x36: {  	p1 =	seq.s32 s10, $0x1;
	s10 =	sld [smem:$0x3FB8];
	_ =	sdelay $0x3  }
0x37: {  	[smem:$0x3FB8] =	sst s10  }
0x38: {  	s10 =	sld [smem:$0x3FB9]  }
0x39: {  	_ = 	snop;
	(pc) =	sbr.ind lr, $3  }
0x3a: {  	_ = 	snop  }
0x3b: {  	_ = 	snop  }
0x3c: {  	p2 =	seq.s32 s10, $0x1;
	s10 =	sld [smem:$0x3FB8]  }
0x3d: {  	_ =	shalt  }
0x3e: {  	_ =	shalt  }
0x3f: {  	_ =	shalt  }
0x40: {  	_ =	shalt  }
0x41: {  	_ =	shalt  }
0x42: {  	_ =	shalt  }
0x43: {  	_ =	shalt  }
0x44: {  	_ =	shalt  }
0x45: {  	_ =	shalt  }
0x46: {  	_ =	shalt  }
0x47: {  	_ =	shalt  }
0x48: {  	_ =	shalt  }
0x49: {  	_ =	shalt  }
0x4a: {  	_ =	shalt  }
0x4b: {  	_ =	shalt  }
0x4c: {  	_ =	shalt  }
0x4d: {  	_ =	shalt  }
0x4e: {  	_ =	shalt  }
0x4f: {  	_ =	shalt  }
0x50: {  	_ =	shalt  }
0x51: {  	_ =	shalt  }
0x52: {  	_ =	shalt  }
0x53: {  	_ =	shalt  }
0x54: {  	_ =	shalt  }
0x55: {  	_ =	shalt  }
0x56: {  	_ =	shalt  }
0x57: {  	_ =	shalt  }
0x58: {  	_ =	shalt  }
0x59: {  	_ =	shalt  }
0x5a: {  	_ =	shalt  }
0x5b: {  	_ =	shalt  }
0x5c: {  	_ =	shalt  }
0x5d: {  	_ =	shalt  }
0x5e: {  	_ =	shalt  }
0x5f: {  	_ =	shalt  }
0x60: {  	_ =	shalt  }
0x61: {  	_ =	shalt  }
0x62: {  	_ =	shalt  }
0x63: {  	_ =	shalt  }
0x64: {  	_ =	shalt  }
0x65: {  	_ =	shalt  }
0x66: {  	_ =	shalt  }
0x67: {  	_ =	shalt  }
0x68: {  	_ =	shalt  }
0x69: {  	_ =	shalt  }
0x6a: {  	_ =	shalt  }
0x6b: {  	_ =	shalt  }
0x6c: {  	_ =	shalt  }
0x6d: {  	_ =	shalt  }
0x6e: {  	_ =	shalt  }
0x6f: {  	_ =	shalt  }
0x70: {  	_ =	shalt  }
0x71: {  	_ =	shalt  }
0x72: {  	_ =	shalt  }
0x73: {  	_ =	shalt  }
0x74: {  	_ =	shalt  }
0x75: {  	_ =	shalt  }
0x76: {  	_ =	shalt  }
0x77: {  	_ =	shalt  }
0x78: {  	_ =	shalt  }
0x79: {  	_ =	shalt  }
0x7a: {  	_ =	shalt  }
0x7b: {  	_ =	shalt  }
0x7c: {  	_ =	shalt  }
0x7d: {  	_ =	shalt  }
0x7e: {  	_ =	shalt  }
0x7f: {  	_ =	shalt  }
0x80: {  	_ =	shalt  }
0x81: {  	_ =	shalt  }
0x82: {  	_ =	shalt  }
0x83: {  	_ =	shalt  }
0x84: {  	_ =	shalt  }
0x85: {  	_ =	shalt  }
0x86: {  	_ =	shalt  }
0x87: {  	_ =	shalt  }
.Lfunc_end0:
.L_simem_size_0:
called_computation.1_lowered:
.L_overlay_start_0:
0x88: {  	s2 =	sld [smem:$0x3FD9]  }
0x89: {  	s3 =	sld [smem:$0x3FFE];
	_ =	sdelay $0x1  }
0x8a: {  	s1 =	srdreg.scid  }
0x8b: {  	s0 =	sand.u32 $0x1, s1  }
0x8c: {  	s16 =	sshll.u32 s0, $0xA;
	s2 =	sadd.s32 s3, s2  }
0x8d: {  	s2 =	sadd.s32 s2, s16  }
0x8e: {  	[smem:$0x3FC4] =	sst s2  }
0x8f: {  	_ = 	snop  }
0x90: {  	(tm) =	ssettm $0x1  }
0x91: {  	s17 =	sld [smem:$0x3FFB];
	_ =	sdelay $0x3  }
0x92: {  	_ =	strace s17  }
0x93: {  	s2 =	sld [smem:$0x3FFC];
	_ =	sdelay $0x3  }
0x94: {  	_ =	strace s2  }
0x95: {  	s2 =	sld [smem:$0x3FFD];
	_ =	sdelay $0x3  }
0x96: {  	_ =	strace s2  }
0x97: {  	_ =	strace $0x8FFFFFFF  }
0x98: {  	s18 =	sld [smem:$0x3FDB];
	_ =	sdelay $0x1  }
0x99: {  	s19 =	simm.s32 $_scs_section_size  }
0x9a: {  	s4 =	simm.s32 $_size__tile_overlayer_lowered;
	s5 =	simm.s32 $_tile_overlayer_lowered  }
0x9b: {  	s22 =	simm.s32 $0x1BFF;
	s21 =	sshll.u32 s5, $0x1;
	s2 =	sadd.s32 s19, s18  }
0x9c: {  	s6 =	simm.s32 $0x0;
	s20 =	sshll.u32 s4, $0x1;
	s4 =	sadd.s32 s21, s2  }
0x9d: {  	[timem:s6], [sflag:s22] =	dma.local [hbm:s4], s20  }
0x9e: {  	_ =	swait.ge [sflag:s22], s20  }
0x9f: {  	s3 =	ssub.s32 $0x0, s20;
	[sflag:s22] =	ssyncset.done $0x0  }
0xa0: {  	[sflag:s22] =	ssyncadd.s32 s3;
	_ =	sdelay $0x1  }
0xa1: {  	s23 =	simm.s32 $0x1B8B  }
0xa2: {  	_ =	swait.ge [sflag:s23], $0x1  }
0xa3: {  	[sflag:s23] =	ssyncset.done $0x0  }
0xa4: {  	s25 =	simm.s32 $0x1B8E;
	s24 =	sld [smem:$0x3FFE];
	[sflag:s23] =	ssyncadd.s32 $0xFFFFFFFF  }
0xa5: {  	s26 =	simm.s32 $execute0_lowered;
	[smem:$0x3FD2] =	sst s25  }
0xa6: {  	s4 =	sshll.u32 s26, $0x1;
	_ =	strace $0x80000049;
	[dreg:$0x1] =	wrdreg $0xFFFFFFFF  }
0xa7: {  	s28 =	simm.s32 $_size_execute0_lowered;
	s2 =	sadd.s32 s2, s4;
	[dreg:$0x0] =	wrdreg $0x0  }
0xa8: {  	s4 =	sshll.u32 s28, $0x1;
	[dreg:$0x2] =	wrdreg s2  }
0xa9: {  	[dreg:$0x3] =	wrdreg s4  }
0xaa: {  	[dreg:$0x4] =	wrdreg $0xC0  }
0xab: {  	_ =	task [dreg:s6], $0x5FFFF  }
0xac: {  	[dreg:$0x1] =	wrdreg $0xFFFFFFFF  }
0xad: {  	[dreg:$0x0] =	wrdreg $0x60  }
0xae: {  	[dreg:$0x2] =	wrdreg s24  }
0xaf: {  	[dreg:$0x3] =	wrdreg $0x9  }
0xb0: {  	_ =	task.clear_ibuf [dreg:s6], $0x4FFFF;
	_ =	strace $0x90000049  }
0xb1: {  	s29 =	simm.s32 $0x9;
	_ =	strace $0x8000004B  }
0xb2: {  	_ =	swait.ge [sflag:s29], $0x1  }
0xb3: {  	[sflag:s29] =	ssyncadd.s32 $0xFFFFFFFF  }
0xb4: {  	_ =	strace $0x9000004B  }
0xb5: {  	_ =	sfence  }
0xb6: {  	s30 =	sld [smem:$0x0];
	_ =	sdelay $0x2  }
0xb7: {  	s31 =	sshll.u32 s1, $0xD;
	s1 =	sshrl.u32 s1, $0x2  }
0xb8: {  	s3 =	sand.u32 $0x4000, s31;
	s1 =	sadd.s32 s1, s30  }
0xb9: {  	s0 =	sor.u32 s3, s0;
	s1 =	sshll.u32 s1, $0x11  }
0xba: {  	s0 =	sor.u32 s1, s0  }
0xbb: {  	s0 =	sadd.s32 $0x8F2B, s0  }
0xbc: {  	[sflag:s0] =	ssyncadd.remote.s32 $0x1  }
0xbd: {  	_ =	sfence.sel $0xFFFF  }
0xbe: {  	[dreg:$0x0] =	wrdreg $0xFFFFFFFF;
	(pc) =	sbr.abs _section_cstart, $3  }
0xbf: {  	[dreg:$0x1] =	wrdreg $0xFFFFFFFF  }
0xc0: {  	_ =	task.clear_ibuf [dreg:s6], $0x2FFFF;
	_ =	strace $0x9FFFFFFF  }
0xc1: {  	(tm) =	ssettm $0x7FFFFFFF  }
tec
execute0_lowered:
.L_overlay_start_1:
0x0: {  	(tag) =	ssettag $0x1  }
0x1: {  	s0 =	rddreg [dreg:$0x0]  }
0x2: {  	s11 =	simm.s32 $0x0;
	s1 =	srdreg.scid;
	s2 =	stileid.u32  }
0x3: {  	s16 =	simm.s32 $0x6D00;
	s17 =	simm.s32 $0x2280;
	s18 =	simm.s32 $0x2  }
0x4: {  	s19 =	simm.s32 $0x2580;
	s28 =	simm.s32 $0x7D00;
	s29 =	simm.s32 $0x3  }
0x5: {  	s30 =	simm.s32 $0x4;
	[smem:$0x7FF] =	sst s11;
	s1 =	sand.u32 $0x1, s1  }
0x6: {  	s2 =	sshll.u32 s2, $0x1;
	s3 =	sadd.s32 $0x2F4A00, s0;
	s4 =	sadd.s32 $0x200600, s0  }
0x7: {  	s6 =	sadd.s32 $0x27A800, s0;
	s7 =	sadd.s32 $0x600, s0;
	s5 =	sor.u32 s1, s2  }
0x8: {  	_ =	strace $0x8000004A;
	s1 =	ssub.s32 $0x2, s1;
	s10 =	smul.u32 $0xA0, s5  }
0x9: {  	s2 =	sshll.u32 s5, $0x1;
	s21 =	smul.u32 $0x500, s5;
	s8 =	sshrl.u32 s1, $0x1  }
0xa: {  	s9 =	ssub.s32 $0xC54, s5;
	s0 =	sadd.s32 s2, s0;
	s22 =	sadd.s32 s3, s10  }
0xb: {  	s1 =	ssub.s32 s1, s8;
	s23 =	sadd.s32 s4, s10;
	[dreg:$0x2] =	wrdreg s22  }
0xc: {  	s8 =	sshrl.u32 s9, $0x5;
	s24 =	sadd.s32 s6, s10;
	[dreg:$0x3] =	wrdreg s23  }
0xd: {  	s2 =	sshrl.u32 s21, $0x3;
	s0 =	sadd.s32 $0x36EC00, s0;
	[dreg:$0x4] =	wrdreg s24  }
0xe: {  	s31 =	smax.u32 s1, $0x1;
	s2 =	sadd.s32 $0x1400, s2;
	[dreg:$0x8] =	wrdreg s0  }
.Ltmp0:
0xf: {  	v0 =	vlaneseq.u32;
	[dreg:$0x9] =	wrdreg s31;
	s25 =	sadd.s32 s3, s2;
	(pc) =	sbr.rel .LBB2_1-.Ltmp0, $4  }
0x10: {  	v1 =	vshrl.u32 v0, $0x3;
	s9 =	simm.s32 $0x0;
	s26 =	sadd.s32 s4, s2;
	[dreg:$0x5] =	wrdreg s25  }
0x11: {  	v1 =	vmul.u32 $0x8, v1;
	s15 =	sadd.s32 $0xFFFFFFFF, s8;
	s2 =	sadd.s32 s6, s2;
	[dreg:$0x6] =	wrdreg s26  }
0x12: {  	v2 =	vimm.f32 $0.0e+00;
	v3 =	vand.u32 $0x7, v0;
	s23 =	simm.s32 $0x1;
	s24 =	simm.s32 $0x1E00;
	[dreg:$0x7] =	wrdreg s2  }
0x13: {  	v4 =	vimm.s32 $0x0;
	v6 =	vor.u32 $0x500, v3;
	v5 =	vor.u32 $0x280, v1;
	s25 =	simm.s32 $0x80;
	s26 =	simm.s32 $0x2D00;
	s2 =	simm.s32 $0x7500  }
.LBB2_21:
0x14: {  	s11 =	simm.s32 $0x0  }
0x15: {  	s0 =	rddreg [dreg:$0x8];
	s1 =	simm.s32 $0xCD00;
	s22 =	simm.s32 $0x5  }
0x16: {  	[hbm4b:s0+s11] =	stream.linear.scatter [tilespmem:s1], [sflag:$0x5], $0x10, $0x38;
	[tilespmem:$0xCD10] =	vst v63  }
0x17: {  	_ =	swait.ge [sflag:s22], $0x10  }
0x18: {  	s9 =	rddreg [dreg:$0xa]  }
0x19: {  	s31 =	rddreg [dreg:$0x9];
	s9 =	sadd.s32 $0x1, s9  }
0x1a: {  	p0 =	sne.s32 s9, s31  }
.Ltmp1:
0x1b: {  	_ = 	snop;
	(pc) =	sbr.rel @!p0 .LBB2_22-.Ltmp1, $3  }
0x1c: {  	_ =	sdelay $0x1  }
0x1d: {  	[sflag:s22] =	ssyncset.done $0x0  }
0x1e: {  	[sflag:s22] =	ssyncadd.s32 $0xFFFFFFF0  }
.LBB2_1:
0x1f: {  	[dreg:$0xa] =	wrdreg s9  }
0x20: {  	[tilespmem:$0xCD00] =	vst v2;
	s0 =	rddreg [dreg:$0x2]  }
0x21: {  	[tilespmem:s11], [sflag:$0x1] =	stream.linear.gather [hbm4b:s0+s11], $0x500, $0x38;
	[tilespmem:$0xCD10] =	vst v63  }
0x22: {  	s31 =	rddreg [dreg:$0x3];
	s1 =	simm.s32 $0xA00  }
0x23: {  	[tilespmem:s1], [sflag:$0x1] =	stream.linear.gather [hbm4b:s31+s11], $0x500, $0x38;
	[tilespmem:$0xCD10] =	vst v63  }
0x24: {  	s9 =	rddreg [dreg:$0x4];
	s10 =	simm.s32 $0x1400  }
0x25: {  	[tilespmem:s10], [sflag:$0x1] =	stream.linear.gather [hbm4b:s9+s11], $0x500, $0x38;
	[tilespmem:$0xCD10] =	vst v63  }
0x26: {  	s12 =	rddreg [dreg:$0x5];
	s13 =	simm.s32 $0x500  }
0x27: {  	[tilespmem:s13], [sflag:$0x2] =	stream.linear.gather [hbm4b:s12+s11], $0x500, $0x38;
	[tilespmem:$0xCD10] =	vst v63  }
0x28: {  	s14 =	rddreg [dreg:$0x6];
	s20 =	simm.s32 $0xF00  }
0x29: {  	[tilespmem:s20], [sflag:$0x2] =	stream.linear.gather [hbm4b:s14+s11], $0x500, $0x38;
	[tilespmem:$0xCD10] =	vst v63  }
0x2a: {  	s21 =	rddreg [dreg:$0x7];
	s22 =	simm.s32 $0x1900  }
0x2b: {  	[tilespmem:s22], [sflag:$0x2] =	stream.linear.gather [hbm4b:s21+s11], $0x500, $0x38;
	[tilespmem:$0xCD10] =	vst v63  }
0x2c: {  	_ =	swait.ge [sflag:s23], $0x500  }
0x2d: {  	[sflag:s23] =	ssyncset.done $0x0  }
0x2e: {  	[sflag:s23] =	ssyncadd.s32 $0xFFFFFB00  }
0x2f: {  	_ =	swait.ge [sflag:s23], $0x500  }
0x30: {  	[sflag:s23] =	ssyncset.done $0x0  }
0x31: {  	s31 =	simm.s32 $0x0;
	[sflag:s23] =	ssyncadd.s32 $0xFFFFFB00  }
0x32: {  	s1 =	simm.s32 $0x1;
	s0 =	sand.u32 $0x3FFFFF00, s31;
	_ =	swait.ge [sflag:s23], $0x500  }
0x33: {  	s10 =	sand.u32 $0x70, s11;
	s9 =	simm.s32 $0x0;
	[sflag:s23] =	ssyncset.done $0x0  }
0x34: {  	s11 =	sor.u32 s10, s0;
	s0 =	simm.s32 $0x0;
	[sflag:s23] =	ssyncadd.s32 $0xFFFFFB00  }
.LBB2_2:
0x35: {  	p0 =	sne.s32 s1, $0x27;
	v7 =	vld [tilespmem:s11+$0x0]  }
0x36: {  	v8 =	vld [tilespmem:s11+$0x80];
	s11 =	sshll.u32 s0, $0x4;
	s0 =	smov.u32 s1  }
0x37: {  	v9 =	vmov s10;
	s10 =	sand.u32 $0xFFFFFF80, s11  }
0x38: {  	v9 =	vor.u32 s10, v9  }
0x39: {  	v10 =	vor.u32 v0, v9  }
0x3a: {  	v11 =	vadd.s32 v5, v9;
	v9 =	vor.u32 v1, v9;
	v7 =	vshll.u32 v7, $0xB  }
0x3b: {  	v11 =	vor.u32 v3, v11;
	v7 =	vadd.s32 v8, v7;
	v8 =	vand.u32 $0x7, v8  }
0x3c: {  	v9 =	vadd.s32 v6, v9;
	vm0 =	veq.s32 v8, $0x7;
	v12 =	vadd.s32 $0xFFFFF800, v7  }
.Ltmp2:
0x3d: {  	v13 =	vsel vm0, $0x80000, v4;
	v12 =	vshrl.u32 v12, $0x3;
	(pc) =	sbr.rel @p0 .LBB2_2-.Ltmp2, $4  }
0x3e: {  	v7 =	vshrl.u32 v7, $0x3;
	v12 =	vadd.s32 v13, v12  }
0x3f: {  	s9 =	sadd.s32 $0x10, s9;
	s11 =	sshll.u32 s1, $0x5;
	v8 =	vshll.u32 v8, $0x1;
	v7 =	vadd.s32 v7, v13;
	[tilespmem:v10+s24+$0x0] =	vst.idx.msk $0xffff, v12  }
0x40: {  	s10 =	sand.u32 $0x70, s9;
	s11 =	sand.u32 $0x3FFFFF00, s11;
	v8 =	vsel vm0, $0x6, v8;
	[tilespmem:v11+s24+$0x0] =	vst.idx.msk $0xffff, v7  }
0x41: {  	s1 =	sadd.s32 $0x1, s1;
	s11 =	sor.u32 s10, s11;
	[tilespmem:v9+s24+$0x0] =	vst.idx.msk $0xffff, v8  }
0x42: {  	v7 =	vld [tilespmem:s11+$0x0]  }
0x43: {  	v8 =	vld [tilespmem:s11+$0x80];
	s0 =	sshll.u32 s0, $0x4  }
0x44: {  	v9 =	vmov s10;
	s0 =	sand.u32 $0xFFFFFF80, s0  }
0x45: {  	v9 =	vor.u32 s0, v9  }
0x46: {  	v10 =	vor.u32 v0, v9  }
0x47: {  	v11 =	vadd.s32 v5, v9;
	v9 =	vor.u32 v1, v9;
	v7 =	vshll.u32 v7, $0xB  }
0x48: {  	v11 =	vor.u32 v3, v11;
	v7 =	vadd.s32 v8, v7;
	v8 =	vand.u32 $0x7, v8  }
0x49: {  	v9 =	vadd.s32 v6, v9;
	vm0 =	veq.s32 v8, $0x7;
	v12 =	vadd.s32 $0xFFFFF800, v7  }
0x4a: {  	v13 =	vsel vm0, $0x80000, v4;
	v12 =	vshrl.u32 v12, $0x3  }
0x4b: {  	v7 =	vshrl.u32 v7, $0x3;
	v12 =	vadd.s32 v13, v12  }
0x4c: {  	v8 =	vshll.u32 v8, $0x1;
	v7 =	vadd.s32 v7, v13;
	[tilespmem:v10+s24+$0x0] =	vst.idx.msk $0xffff, v12  }
0x4d: {  	v8 =	vsel vm0, $0x6, v8;
	[tilespmem:v11+s24+$0x0] =	vst.idx.msk $0xffff, v7  }
0x4e: {  	[tilespmem:v9+s24+$0x0] =	vst.idx.msk $0xffff, v8  }
0x4f: {  	[tilespmem:s26], [sflag:$0x3] =	stream.indirect.gather [hbm4b:s7+s25], $0x10, s24, s25, $0xb8;
	[tilespmem:$0xCD10] =	vst v63  }
0x50: {  	s13 =	simm.s32 $0x1E80;
	s1 =	simm.s32 $0x3500  }
0x51: {  	[tilespmem:s1], [sflag:$0x3] =	stream.indirect.gather [hbm4b:s7+s25], $0x10, s13, s25, $0xb8;
	[tilespmem:$0xCD10] =	vst v63  }
0x52: {  	s14 =	simm.s32 $0x1F00;
	s20 =	simm.s32 $0x3D00  }
0x53: {  	[tilespmem:s20], [sflag:$0x3] =	stream.indirect.gather [hbm4b:s7+s25], $0x10, s14, s25, $0xb8;
	[tilespmem:$0xCD10] =	vst v63  }
0x54: {  	s21 =	simm.s32 $0x1F80;
	s22 =	simm.s32 $0x4500  }
0x55: {  	[tilespmem:s22], [sflag:$0x3] =	stream.indirect.gather [hbm4b:s7+s25], $0x10, s21, s25, $0xb8;
	[tilespmem:$0xCD10] =	vst v63  }
0x56: {  	s9 =	simm.s32 $0x2000;
	s10 =	simm.s32 $0x4D00  }
0x57: {  	[tilespmem:s10], [sflag:$0x3] =	stream.indirect.gather [hbm4b:s7+s25], $0x10, s9, s25, $0xb8;
	[tilespmem:$0xCD10] =	vst v63  }
0x58: {  	s11 =	simm.s32 $0x2080;
	s12 =	simm.s32 $0x5500  }
0x59: {  	[tilespmem:s12], [sflag:$0x3] =	stream.indirect.gather [hbm4b:s7+s25], $0x10, s11, s25, $0xb8;
	[tilespmem:$0xCD10] =	vst v63  }
0x5a: {  	s13 =	simm.s32 $0x2100;
	s14 =	simm.s32 $0x5D00  }
0x5b: {  	[tilespmem:s14], [sflag:$0x3] =	stream.indirect.gather [hbm4b:s7+s25], $0x10, s13, s25, $0xb8;
	[tilespmem:$0xCD10] =	vst v63  }
0x5c: {  	s20 =	simm.s32 $0x2180;
	s21 =	simm.s32 $0x6500  }
0x5d: {  	[tilespmem:s21], [sflag:$0x3] =	stream.indirect.gather [hbm4b:s7+s25], $0x10, s20, s25, $0xb8;
	[tilespmem:$0xCD10] =	vst v63  }
.Ltmp3:
0x5e: {  	_ = 	snop;
	(pc) =	sbr.rel .LBB2_4-.Ltmp3, $4  }
0x5f: {  	s22 =	simm.s32 $0x2200  }
0x60: {  	[tilespmem:s16], [sflag:$0x3] =	stream.indirect.gather [hbm4b:s7+s25], $0x10, s22, s25, $0xb8;
	[tilespmem:$0xCD10] =	vst v63  }
0x61: {  	s31 =	simm.s32 $0x0  }
0x62: {  	[tilespmem:s2], [sflag:$0x3] =	stream.indirect.gather [hbm4b:s7+s25], $0x10, s17, s25, $0xb8;
	[tilespmem:$0xCD10] =	vst v63  }
.LBB2_20:
0x63: {  	s0 =	sadd.s32 $0x3, s0  }
0x64: {  	p0 =	sge.u32 s0, s8  }
0x65: {  	s0 =	sshll.u32 @!p0 s0, $0x5  }
0x66: {  	s0 =	sor.u32 @!p0 s5, s0  }
0x67: {  	s0 =	smul.u32 @!p0 $0xA0, s0;
	_ =	sdelay $0x1  }
0x68: {  	s9 =	simm.s32 @!p0 $0x0;
	s10 =	simm.s32 @!p0 $0x500;
	s1 =	sadd.s32 @!p0 s3, s0  }
0x69: {  	[tilespmem:s10], [sflag:$0x2] =	stream.linear.gather @!p0 [hbm4b:s1+s9], $0x500, $0x38;
	[tilespmem:$0xCD10] =	vst v63  }
0x6a: {  	s1 =	sadd.s32 @!p0 s4, s0;
	s10 =	simm.s32 @!p0 $0xF00  }
0x6b: {  	[tilespmem:s10], [sflag:$0x2] =	stream.linear.gather @!p0 [hbm4b:s1+s9], $0x500, $0x38;
	[tilespmem:$0xCD10] =	vst v63  }
0x6c: {  	s31 =	sadd.s32 $0x1, s31;
	s0 =	sadd.s32 @!p0 s6, s0;
	s1 =	simm.s32 @!p0 $0x1900  }
0x6d: {  	[tilespmem:s1], [sflag:$0x2] =	stream.linear.gather @!p0 [hbm4b:s0+s9], $0x500, $0x38;
	[tilespmem:$0xCD10] =	vst v63  }
0x6e: {  	p0 =	sne.s32 s31, $0x32  }
.Ltmp4:
0x6f: {  	_ = 	snop;
	(pc) =	sbr.rel @!p0 .LBB2_21-.Ltmp4, $1  }
0x70: {  	_ =	sdelay $0x3  }
.LBB2_4:
0x71: {  	s0 =	sshll.u32 s31, $0x1  }
0x72: {  	p0 =	sge.u32 s0, s15  }
.Ltmp5:
0x73: {  	_ = 	snop;
	(pc) =	sbr.rel @p0 .LBB2_8-.Ltmp5, $1  }
0x74: {  	_ =	sdelay $0x3  }
0x75: {  	_ =	swait.ge [sflag:s18], $0x500  }
0x76: {  	[sflag:s18] =	ssyncset.done $0x0  }
0x77: {  	[sflag:s18] =	ssyncadd.s32 $0xFFFFFB00  }
0x78: {  	_ =	swait.ge [sflag:s18], $0x500  }
0x79: {  	[sflag:s18] =	ssyncset.done $0x0  }
0x7a: {  	s1 =	simm.s32 $0x0;
	[sflag:s18] =	ssyncadd.s32 $0xFFFFFB00  }
0x7b: {  	s9 =	simm.s32 $0x0;
	s10 =	simm.s32 $0x0;
	_ =	swait.ge [sflag:s18], $0x500  }
0x7c: {  	s11 =	sand.u32 $0x70, s1;
	s9 =	sand.u32 $0x3FFFFF00, s9;
	[sflag:s18] =	ssyncset.done $0x0  }
0x7d: {  	s20 =	sor.u32 s11, s9;
	s9 =	simm.s32 $0x1;
	[sflag:s18] =	ssyncadd.s32 $0xFFFFFB00  }
.LBB2_6:
0x7e: {  	p1 =	sne.s32 s9, $0x27;
	v7 =	vld [tilespmem:s20+$0x500]  }
0x7f: {  	v8 =	vld [tilespmem:s20+$0x580];
	s20 =	sshll.u32 s1, $0x4;
	s1 =	smov.u32 s9  }
0x80: {  	v9 =	vmov s11;
	s11 =	sand.u32 $0xFFFFFF80, s20  }
0x81: {  	v9 =	vor.u32 s11, v9  }
0x82: {  	v10 =	vor.u32 v0, v9  }
0x83: {  	v11 =	vadd.s32 v5, v9;
	v9 =	vor.u32 v1, v9;
	v7 =	vshll.u32 v7, $0xB  }
0x84: {  	v11 =	vor.u32 v3, v11;
	v7 =	vadd.s32 v8, v7;
	v8 =	vand.u32 $0x7, v8  }
0x85: {  	v9 =	vadd.s32 v6, v9;
	vm0 =	veq.s32 v8, $0x7;
	v12 =	vadd.s32 $0xFFFFF800, v7  }
.Ltmp6:
0x86: {  	v13 =	vsel vm0, $0x80000, v4;
	v12 =	vshrl.u32 v12, $0x3;
	(pc) =	sbr.rel @p1 .LBB2_6-.Ltmp6, $4  }
0x87: {  	v7 =	vshrl.u32 v7, $0x3;
	v12 =	vadd.s32 v13, v12  }
0x88: {  	s10 =	sadd.s32 $0x10, s10;
	s20 =	sshll.u32 s9, $0x5;
	v8 =	vshll.u32 v8, $0x1;
	v7 =	vadd.s32 v7, v13;
	[tilespmem:v10+s19+$0x0] =	vst.idx.msk $0xffff, v12  }
0x89: {  	s11 =	sand.u32 $0x70, s10;
	s20 =	sand.u32 $0x3FFFFF00, s20;
	v8 =	vsel vm0, $0x6, v8;
	[tilespmem:v11+s19+$0x0] =	vst.idx.msk $0xffff, v7  }
0x8a: {  	s9 =	sadd.s32 $0x1, s9;
	s20 =	sor.u32 s11, s20;
	[tilespmem:v9+s19+$0x0] =	vst.idx.msk $0xffff, v8  }
0x8b: {  	v7 =	vld [tilespmem:s20+$0x500]  }
0x8c: {  	v8 =	vld [tilespmem:s20+$0x580];
	s1 =	sshll.u32 s1, $0x4  }
0x8d: {  	v9 =	vmov s11;
	s1 =	sand.u32 $0xFFFFFF80, s1  }
0x8e: {  	v9 =	vor.u32 s1, v9  }
0x8f: {  	v10 =	vor.u32 v0, v9  }
0x90: {  	v11 =	vadd.s32 v5, v9;
	v9 =	vor.u32 v1, v9;
	v7 =	vshll.u32 v7, $0xB  }
0x91: {  	v11 =	vor.u32 v3, v11;
	v7 =	vadd.s32 v8, v7;
	v8 =	vand.u32 $0x7, v8  }
0x92: {  	v9 =	vadd.s32 v6, v9;
	vm0 =	veq.s32 v8, $0x7;
	v12 =	vadd.s32 $0xFFFFF800, v7  }
0x93: {  	v13 =	vsel vm0, $0x80000, v4;
	v12 =	vshrl.u32 v12, $0x3  }
0x94: {  	v7 =	vshrl.u32 v7, $0x3;
	v12 =	vadd.s32 v13, v12  }
0x95: {  	v8 =	vshll.u32 v8, $0x1;
	v7 =	vadd.s32 v7, v13;
	[tilespmem:v10+s19+$0x0] =	vst.idx.msk $0xffff, v12  }
0x96: {  	v8 =	vsel vm0, $0x6, v8;
	[tilespmem:v11+s19+$0x0] =	vst.idx.msk $0xffff, v7  }
0x97: {  	[tilespmem:v9+s19+$0x0] =	vst.idx.msk $0xffff, v8  }
0x98: {  	[tilespmem:s28], [sflag:$0x4] =	stream.indirect.gather [hbm4b:s7+s25], $0x10, s19, s25, $0xb8;
	[tilespmem:$0xCD10] =	vst v63  }
0x99: {  	s22 =	simm.s32 $0x2600;
	s9 =	simm.s32 $0x8500  }
0x9a: {  	[tilespmem:s9], [sflag:$0x4] =	stream.indirect.gather [hbm4b:s7+s25], $0x10, s22, s25, $0xb8;
	[tilespmem:$0xCD10] =	vst v63  }
0x9b: {  	s10 =	simm.s32 $0x2680;
	s11 =	simm.s32 $0x8D00  }
0x9c: {  	[tilespmem:s11], [sflag:$0x4] =	stream.indirect.gather [hbm4b:s7+s25], $0x10, s10, s25, $0xb8;
	[tilespmem:$0xCD10] =	vst v63  }
0x9d: {  	s12 =	simm.s32 $0x2700;
	s13 =	simm.s32 $0x9500  }
0x9e: {  	[tilespmem:s13], [sflag:$0x4] =	stream.indirect.gather [hbm4b:s7+s25], $0x10, s12, s25, $0xb8;
	[tilespmem:$0xCD10] =	vst v63  }
0x9f: {  	s14 =	simm.s32 $0x2780;
	s20 =	simm.s32 $0x9D00  }
0xa0: {  	[tilespmem:s20], [sflag:$0x4] =	stream.indirect.gather [hbm4b:s7+s25], $0x10, s14, s25, $0xb8;
	[tilespmem:$0xCD10] =	vst v63  }
0xa1: {  	s21 =	simm.s32 $0x2800;
	s22 =	simm.s32 $0xA500  }
0xa2: {  	[tilespmem:s22], [sflag:$0x4] =	stream.indirect.gather [hbm4b:s7+s25], $0x10, s21, s25, $0xb8;
	[tilespmem:$0xCD10] =	vst v63  }
0xa3: {  	s10 =	simm.s32 $0x2880;
	s11 =	simm.s32 $0xAD00  }
0xa4: {  	[tilespmem:s11], [sflag:$0x4] =	stream.indirect.gather [hbm4b:s7+s25], $0x10, s10, s25, $0xb8;
	[tilespmem:$0xCD10] =	vst v63  }
0xa5: {  	s12 =	simm.s32 $0x2900;
	s13 =	simm.s32 $0xB500  }
0xa6: {  	[tilespmem:s13], [sflag:$0x4] =	stream.indirect.gather [hbm4b:s7+s25], $0x10, s12, s25, $0xb8;
	[tilespmem:$0xCD10] =	vst v63  }
0xa7: {  	s14 =	simm.s32 $0x2980;
	s20 =	simm.s32 $0xBD00  }
0xa8: {  	[tilespmem:s20], [sflag:$0x4] =	stream.indirect.gather [hbm4b:s7+s25], $0x10, s14, s25, $0xb8;
	[tilespmem:$0xCD10] =	vst v63  }
0xa9: {  	s21 =	simm.s32 $0x2A00;
	s22 =	simm.s32 $0xC500  }
0xaa: {  	[tilespmem:s22], [sflag:$0x4] =	stream.indirect.gather [hbm4b:s7+s25], $0x10, s21, s25, $0xb8;
	[tilespmem:$0xCD10] =	vst v63  }
.LBB2_8:
0xab: {  	p1 =	sge.u32 s0, s8  }
.Ltmp7:
0xac: {  	_ = 	snop;
	(pc) =	sbr.rel @p1 .LBB2_12-.Ltmp7, $1  }
0xad: {  	_ =	sdelay $0x3  }
0xae: {  	_ =	swait.ge [sflag:s29], $0x800  }
0xaf: {  	[sflag:s29] =	ssyncset.done $0x0  }
0xb0: {  	[sflag:s29] =	ssyncadd.s32 $0xFFFFF800  }
0xb1: {  	_ =	swait.ge [sflag:s29], $0x800  }
0xb2: {  	[sflag:s29] =	ssyncset.done $0x0  }
0xb3: {  	[sflag:s29] =	ssyncadd.s32 $0xFFFFF800  }
0xb4: {  	_ =	swait.ge [sflag:s29], $0x800  }
0xb5: {  	[sflag:s29] =	ssyncset.done $0x0  }
0xb6: {  	[sflag:s29] =	ssyncadd.s32 $0xFFFFF800  }
0xb7: {  	_ =	swait.ge [sflag:s29], $0x800  }
0xb8: {  	[sflag:s29] =	ssyncset.done $0x0  }
0xb9: {  	[sflag:s29] =	ssyncadd.s32 $0xFFFFF800  }
0xba: {  	_ =	swait.ge [sflag:s29], $0x800  }
0xbb: {  	[sflag:s29] =	ssyncset.done $0x0  }
0xbc: {  	[sflag:s29] =	ssyncadd.s32 $0xFFFFF800  }
0xbd: {  	_ =	swait.ge [sflag:s29], $0x800  }
0xbe: {  	[sflag:s29] =	ssyncset.done $0x0  }
0xbf: {  	[sflag:s29] =	ssyncadd.s32 $0xFFFFF800  }
0xc0: {  	_ =	swait.ge [sflag:s29], $0x800  }
0xc1: {  	s1 =	simm.s32 $0x0;
	[sflag:s29] =	ssyncset.done $0x0  }
0xc2: {  	s9 =	simm.s32 $0x0;
	s1 =	sand.u32 $0x70, s1;
	[sflag:s29] =	ssyncadd.s32 $0xFFFFF800  }
0xc3: {  	v7 =	vmov s9;
	v8 =	vor.u32 s1, v0;
	_ =	swait.ge [sflag:s29], $0x800  }
0xc4: {  	v10 =	vshll.u32 v7, $0x7;
	v9 =	vand.u32 $0x78, v8;
	[sflag:s29] =	ssyncset.done $0x0  }
0xc5: {  	v9 =	vor.u32 v9, v10;
	[sflag:s29] =	ssyncadd.s32 $0xFFFFF800  }
0xc6: {  	v9 =	vor.u32 v3, v9;
	_ =	swait.ge [sflag:s29], $0x800  }
0xc7: {  	v9 =	vadd.s32 $0x500, v9;
	[sflag:s29] =	ssyncset.done $0x0  }
0xc8: {  	[sflag:s29] =	ssyncadd.s32 $0xFFFFF800  }
0xc9: {  	_ =	swait.ge [sflag:s29], $0x800  }
0xca: {  	s21 =	simm.s32 $0x10;
	[sflag:s29] =	ssyncset.done $0x0  }
0xcb: {  	s22 =	simm.s32 $0x0;
	s1 =	sand.u32 $0x70, s21;
	[sflag:s29] =	ssyncadd.s32 $0xFFFFF800  }
0xcc: {  	v11 =	vor.u32 s1, v0;
	v10 =	vmov s22;
	v9 =	vld.idx.msk [tilespmem:v9+s24+$0x0], $0xffff  }
0xcd: {  	v12 =	vand.u32 $0x78, v11;
	v13 =	vshll.u32 v10, $0x7  }
0xce: {  	v12 =	vor.u32 v12, v13  }
0xcf: {  	s10 =	simm.s32 $0x0;
	v12 =	vor.u32 v3, v12  }
0xd0: {  	v7 =	vshll.u32 v7, $0xB;
	v8 =	vshll.u32 v8, $0x4;
	s1 =	sand.u32 $0x1, s10;
	v12 =	vadd.s32 $0x500, v12  }
0xd1: {  	s12 =	simm.s32 $0x0;
	v7 =	vor.u32 v7, v8;
	v8 =	vadd.s32 s1, v9  }
0xd2: {  	v17 =	vmov s12;
	v9 =	vadd.s32 $0x2800, v7;
	v13 =	vadd.s32 $0x2, v8  }
0xd3: {  	v14 =	vand.u32 $0xFFFFFFF8, v8;
	v8 =	vand.u32 $0x7, v8;
	v15 =	vand.u32 $0xFFFFFFF8, v13  }
0xd4: {  	s11 =	simm.s32 $0x20;
	v16 =	vadd.s32 v7, v15;
	v7 =	vadd.s32 v7, v14;
	v14 =	vadd.s32 v9, v14  }
0xd5: {  	v20 =	vshll.u32 v17, $0x7;
	v11 =	vshll.u32 v11, $0x4;
	v12 =	vld.idx.msk [tilespmem:v12+s24+$0x0], $0xffff;
	s1 =	sand.u32 $0x70, s11;
	v14 =	vor.u32 v8, v14  }
0xd6: {  	v18 =	vor.u32 s1, v0;
	v13 =	vand.u32 $0x7, v13;
	v21 =	vor.u32 v8, v7  }
0xd7: {  	v19 =	vand.u32 $0x78, v18;
	v8 =	vadd.s32 v9, v15;
	v9 =	vor.u32 v13, v16  }
0xd8: {  	s13 =	simm.s32 $0x0;
	v10 =	vshll.u32 v10, $0xB;
	v15 =	vor.u32 v19, v20;
	v13 =	vor.u32 v13, v8  }
0xd9: {  	v17 =	vshll.u32 v17, $0xB;
	v10 =	vor.u32 v10, v11;
	s1 =	sand.u32 $0x1, s13;
	v8 =	vor.u32 v3, v15  }
0xda: {  	v11 =	vadd.s32 s1, v12;
	v12 =	vshll.u32 v18, $0x4;
	v15 =	vadd.s32 $0x500, v8;
	v8 =	vld.idx.msk [tilespmem:v14+s26+$0x0], $0xffff  }
0xdb: {  	v7 =	vimm.f32 $0.0e+00;
	v16 =	vadd.s32 $0x2, v11;
	v19 =	vand.u32 $0xFFFFFFF8, v11;
	v18 =	vld.idx.msk [tilespmem:v21+s26+$0x0], $0xffff  }
0xdc: {  	v11 =	vand.u32 $0x7, v11;
	v20 =	vand.u32 $0xFFFFFFF8, v16;
	v14 =	vadd.s32 $0x2800, v10;
	v9 =	vld.idx.msk [tilespmem:v9+s26+$0x0], $0xffff  }
0xdd: {  	s14 =	simm.s32 $0x30;
	v21 =	vld.idx.msk [tilespmem:v13+s26+$0x0], $0xffff;
	v13 =	vand.u32 $0x7, v16;
	v16 =	vadd.s32 v10, v20;
	v20 =	vadd.s32 v14, v20  }
0xde: {  	s20 =	simm.s32 $0x0;
	s1 =	sand.u32 $0x70, s14;
	v10 =	vadd.s32 v10, v19;
	v24 =	vor.u32 v13, v16;
	v22 =	vor.u32 v13, v20  }
0xdf: {  	v13 =	vadd.s32 v14, v19;
	v14 =	vmov s20;
	v16 =	vor.u32 s1, v0  }
0xe0: {  	s21 =	simm.s32 $0x1400;
	v27 =	vor.u32 v11, v10;
	v20 =	vand.u32 $0x78, v16;
	v23 =	vshll.u32 v14, $0x7  }
0xe1: {  	v26 =	vld [tilespmem:s21+$0x0];
	v16 =	vshll.u32 v16, $0x4;
	v20 =	vor.u32 v20, v23;
	v23 =	vor.u32 v11, v13  }
0xe2: {  	v28 =	vld.idx.msk [tilespmem:v15+s24+$0x0], $0xffff;
	v11 =	vshll.u32 v14, $0xB;
	v19 =	vmul.f32 $-2.500000000e+00, v8;
	v25 =	vsub.f32 v9, v18  }
0xe3: {  	v13 =	vor.u32 v3, v20;
	v20 =	vor.u32 v17, v12;
	v10 =	vsub.f32 v8, v21  }
0xe4: {  	v9 =	vmul.f32 $5.000000000e-01, v9;
	v14 =	vadd.f32 v19, v18;
	v19 =	vadd.f32 v21, v21  }
0xe5: {  	s22 =	simm.s32 $0x0;
	v13 =	vadd.s32 $0x500, v13;
	v25 =	vmul.f32 $5.000000000e-01, v25;
	v12 =	vmul.f32 $1.500000000e+00, v10  }
0xe6: {  	s1 =	sand.u32 $0x1, s22;
	v18 =	vsub.f32 v21, v18;
	v15 =	vld.idx.msk [tilespmem:v22+s26+$0x0], $0xffff;
	v22 =	vadd.s32 $0x2800, v20;
	v14 =	vadd.f32 v19, v14  }
0xe7: {  	v10 =	vsub.f32 v26, v8;
	v19 =	vadd.f32 v12, v25;
	v12 =	vadd.s32 s1, v28  }
0xe8: {  	v17 =	vmul.f32 $5.000000000e-01, v18;
	v21 =	vsub.f32 v14, v9;
	v14 =	vadd.s32 $0x2, v12;
	v9 =	vld.idx.msk [tilespmem:v23+s26+$0x0], $0xffff  }
0xe9: {  	v26 =	vand.u32 $0xFFFFFFF8, v12;
	v23 =	vand.u32 $0x7, v12;
	v12 =	vld.idx.msk [tilespmem:v27+s26+$0x0], $0xffff;
	v18 =	vand.u32 $0xFFFFFFF8, v14  }
0xea: {  	s9 =	simm.s32 $0x40;
	s10 =	simm.s32 $0x4;
	s21 =	simm.s32 $0x1410;
	v25 =	vand.u32 $0x7, v14;
	v14 =	vld.idx.msk [tilespmem:v24+s26+$0x0], $0xffff;
	v27 =	vadd.s32 v20, v18;
	v63 =	vadd.s32 v22, v18  }
0xeb: {  	s20 =	simm.s32 $0xA00;
	s22 =	simm.s32 $0x3;
	s1 =	simm.s32 $0xA10;
	v24 =	vmul.f32 v10, v19;
	v18 =	vor.u32 v25, v27;
	v25 =	vor.u32 v25, v63;
	v19 =	vmovc v15  }
.LBB2_10:
0xec: {  	v27 =	vmov v15;
	s12 =	sshrl.u32 s10, $0x4  }
0xed: {  	s13 =	sand.u32 $0x70, s9;
	v15 =	vadd.s32 v20, v26;
	v20 =	vadd.s32 v22, v26;
	v22 =	vmul.f32 $-2.500000000e+00, v9;
	s14 =	smov.u32 s10;
	s11 =	sadd.s32 $0x1, s10  }
0xee: {  	p1 =	sne.s32 s10, $0x4F;
	v21 =	vadd.f32 v24, v21;
	v26 =	vmov s12;
	v28 =	vor.u32 s13, v0  }
0xef: {  	v30 =	vsub.f32 v14, v12;
	v24 =	vand.u32 $0x78, v28;
	v29 =	vshll.u32 v26, $0x7;
	v31 =	vld [tilespmem:s20+$0x0];
	s20 =	smov.u32 s1  }
0xf0: {  	v24 =	vor.u32 v24, v29;
	v29 =	vor.u32 v23, v20;
	v20 =	vmul.f32 v21, v10;
	v32 =	vld [tilespmem:s21+$0x0]  }
0xf1: {  	v23 =	vor.u32 v23, v15;
	v21 =	vor.u32 v3, v24;
	v24 =	vsub.f32 v9, v19;
	v15 =	vld.idx.msk [tilespmem:v25+s26+$0x0], $0xffff  }
0xf2: {  	v17 =	vadd.f32 v20, v17;
	v25 =	vld.idx.msk [tilespmem:v13+s24+$0x0], $0xffff;
	v13 =	vadd.s32 $0x500, v21;
	v21 =	vmul.f32 $5.000000000e-01, v30  }
0xf3: {  	v27 =	vadd.f32 v27, v19;
	v26 =	vshll.u32 v26, $0xB;
	v22 =	vadd.f32 v22, v12;
	s21 =	sadd.s32 $0x10, s21  }
0xf4: {  	v28 =	vshll.u32 v28, $0x4;
	v30 =	vsub.f32 v19, v12;
	v10 =	vmul.f32 v17, v10  }
0xf5: {  	v20 =	vor.u32 v11, v16;
	v11 =	vmovc v26;
	v17 =	vmul.f32 $1.500000000e+00, v24;
	v24 =	vadd.f32 v27, v22;
	v29 =	vld.idx.msk [tilespmem:v29+s26+$0x0], $0xffff  }
0xf6: {  	s10 =	sshrl.u32 s22, $0x3;
	v14 =	vmul.f32 $5.000000000e-01, v14;
	s22 =	smov.u32 s14;
	v16 =	vmovc v28;
	v22 =	vadd.s32 $0x2800, v20;
	v12 =	vld.idx.msk [tilespmem:v23+s26+$0x0], $0xffff;
	v23 =	vadd.f32 v10, v8;
	v8 =	vmovc v9  }
0xf7: {  	s10 =	sand.u32 $0x1, s10;
	v9 =	vadd.f32 v17, v21;
	v17 =	vmul.f32 $5.000000000e-01, v30;
	v19 =	vmovc v15;
	v10 =	vsub.f32 v32, v8  }
.Ltmp8:
0xf8: {  	v21 =	vsub.f32 v24, v14;
	v25 =	vadd.s32 s10, v25;
	v24 =	vsub.f32 v31, v23;
	(pc) =	sbr.rel @p1 .LBB2_10-.Ltmp8, $4  }
0xf9: {  	v27 =	vadd.s32 $0x2, v25;
	v26 =	vand.u32 $0xFFFFFFF8, v25;
	v23 =	vand.u32 $0x7, v25;
	v14 =	vld.idx.msk [tilespmem:v18+s26+$0x0], $0xffff  }
0xfa: {  	v18 =	vand.u32 $0xFFFFFFF8, v27;
	v25 =	vand.u32 $0x7, v27;
	v27 =	vmul.f32 v24, v24  }
0xfb: {  	v28 =	vadd.s32 v20, v18;
	v30 =	vadd.s32 v22, v18;
	v24 =	vmul.f32 v10, v9;
	v9 =	vmovc v29  }
0xfc: {  	s9 =	sadd.s32 $0x10, s9;
	s1 =	sadd.s32 $0x10, s1;
	s10 =	smov.u32 s11;
	v18 =	vor.u32 v25, v28;
	v25 =	vor.u32 v25, v30;
	v7 =	vadd.f32 v27, v7  }
0xfd: {  	_ =	sdelay $0x3  }
0xfe: {  	v13 =	vld.idx.msk [tilespmem:v13+s24+$0x0], $0xffff;
	_ =	sdelay $0x2  }
0xff: {  	s9 =	sshrl.u32 s22, $0x3  }
0x100: {  	v22 =	vadd.s32 v22, v26;
	v20 =	vadd.s32 v20, v26;
	s9 =	sand.u32 $0x1, s9  }
0x101: {  	v11 =	vor.u32 v11, v16;
	v22 =	vor.u32 v23, v22;
	v13 =	vadd.s32 s9, v13  }
0x102: {  	v20 =	vor.u32 v23, v20;
	v56 =	vadd.s32 $0x2800, v11;
	v28 =	vand.u32 $0xFFFFFFF8, v13  }
0x103: {  	v27 =	vld [tilespmem:s21+$0x0];
	v55 =	vadd.s32 $0x2, v13;
	v13 =	vand.u32 $0x7, v13;
	v23 =	vadd.s32 v56, v28  }
0x104: {  	v25 =	vld.idx.msk [tilespmem:v25+s26+$0x0], $0xffff;
	v57 =	vand.u32 $0xFFFFFFF8, v55;
	v28 =	vadd.s32 v11, v28;
	v23 =	vor.u32 v13, v23  }
0x105: {  	v18 =	vld.idx.msk [tilespmem:v18+s26+$0x0], $0xffff;
	v16 =	vand.u32 $0x7, v55;
	v29 =	vadd.s32 v56, v57;
	v13 =	vor.u32 v13, v28  }
0x106: {  	v22 =	vld.idx.msk [tilespmem:v22+s26+$0x0], $0xffff;
	v11 =	vadd.s32 v11, v57;
	v29 =	vor.u32 v16, v29  }
0x107: {  	v21 =	vadd.f32 v24, v21;
	v58 =	vmul.f32 $-2.500000000e+00, v9;
	s21 =	sadd.s32 $0x10, s21;
	v20 =	vld.idx.msk [tilespmem:v20+s26+$0x0], $0xffff;
	v11 =	vor.u32 v16, v11  }
0x108: {  	v60 =	vsub.f32 v9, v19;
	v15 =	vadd.f32 v15, v19;
	v61 =	vld [tilespmem:s21+$0x0]  }
0x109: {  	v59 =	vsub.f32 v14, v12;
	v24 =	vadd.f32 v58, v12;
	v63 =	vld.idx.msk [tilespmem:v23+s26+$0x0], $0xffff  }
0x10a: {  	v62 =	vsub.f32 v19, v12;
	v38 =	vmul.f32 $5.000000000e-01, v14;
	v35 =	vmul.f32 $1.500000000e+00, v60;
	v13 =	vld.idx.msk [tilespmem:v13+s26+$0x0], $0xffff  }
0x10b: {  	v15 =	vadd.f32 v15, v24;
	v33 =	vsub.f32 v27, v9;
	v16 =	vmul.f32 $5.000000000e-01, v59;
	v29 =	vld.idx.msk [tilespmem:v29+s26+$0x0], $0xffff  }
0x10c: {  	v34 =	vmul.f32 $-2.500000000e+00, v22;
	v36 =	vsub.f32 v18, v20;
	v37 =	vsub.f32 v22, v25;
	v11 =	vld.idx.msk [tilespmem:v11+s26+$0x0], $0xffff  }
0x10d: {  	v21 =	vmul.f32 v21, v10;
	v30 =	vadd.f32 v25, v25;
	v16 =	vadd.f32 v35, v16  }
0x10e: {  	s9 =	sadd.s32 $0x10, s21;
	v23 =	vadd.f32 v34, v20;
	v39 =	vmul.f32 $5.000000000e-01, v36;
	v40 =	vmul.f32 $1.500000000e+00, v37  }
0x10f: {  	v12 =	vmul.f32 $5.000000000e-01, v62;
	v14 =	vsub.f32 v15, v38;
	v44 =	vld [tilespmem:s9+$0x0];
	v42 =	vsub.f32 v61, v22  }
0x110: {  	v16 =	vmul.f32 v33, v16;
	v41 =	vadd.f32 v30, v23;
	v24 =	vadd.f32 v40, v39  }
0x111: {  	v43 =	vmul.f32 $-2.500000000e+00, v63;
	v45 =	vsub.f32 v11, v13;
	v46 =	vsub.f32 v63, v29  }
0x112: {  	v18 =	vmul.f32 $5.000000000e-01, v18;
	v14 =	vadd.f32 v16, v14;
	v31 =	vadd.f32 v29, v29  }
0x113: {  	v26 =	vadd.f32 v43, v13;
	v47 =	vmul.f32 $5.000000000e-01, v45;
	v48 =	vmul.f32 $1.500000000e+00, v46  }
0x114: {  	v15 =	vsub.f32 v41, v18;
	v24 =	vmul.f32 v42, v24;
	v50 =	vsub.f32 v44, v63  }
0x115: {  	v11 =	vmul.f32 $5.000000000e-01, v11;
	v49 =	vadd.f32 v31, v26;
	v16 =	vadd.f32 v48, v47  }
0x116: {  	v17 =	vadd.f32 v21, v17;
	v20 =	vsub.f32 v25, v20;
	v14 =	vmul.f32 v14, v33  }
0x117: {  	v51 =	vld [tilespmem:s20+$0x0];
	v15 =	vadd.f32 v24, v15;
	v11 =	vsub.f32 v49, v11;
	v16 =	vmul.f32 v50, v16  }
0x118: {  	v52 =	vmul.f32 v17, v10;
	v53 =	vmul.f32 $5.000000000e-01, v20;
	v12 =	vadd.f32 v14, v12  }
0x119: {  	v13 =	vsub.f32 v29, v13;
	v15 =	vmul.f32 v15, v42;
	v11 =	vadd.f32 v16, v11  }
0x11a: {  	v54 =	vld [tilespmem:s1+$0x0];
	v8 =	vadd.f32 v52, v8;
	v12 =	vmul.f32 v12, v33  }
0x11b: {  	s22 =	sadd.s32 $0x10, s1;
	v13 =	vmul.f32 $5.000000000e-01, v13;
	v14 =	vadd.f32 v15, v53;
	v11 =	vmul.f32 v11, v50  }
0x11c: {  	v55 =	vld [tilespmem:s22+$0x0];
	v8 =	vsub.f32 v51, v8  }
0x11d: {  	s1 =	sadd.s32 $0x10, s22;
	v56 =	vadd.f32 v12, v9;
	v57 =	vmul.f32 v14, v42;
	v11 =	vadd.f32 v11, v13  }
0x11e: {  	v58 =	vld [tilespmem:s1+$0x0];
	v8 =	vmul.f32 v8, v8  }
0x11f: {  	v9 =	vsub.f32 v54, v56;
	v59 =	vadd.f32 v57, v22;
	v11 =	vmul.f32 v11, v50  }
0x120: {  	v7 =	vadd.f32 v8, v7  }
0x121: {  	v8 =	vmul.f32 v9, v9;
	v60 =	vsub.f32 v55, v59;
	v61 =	vadd.f32 v11, v63;
	_ =	sdelay $0x1  }
0x122: {  	v7 =	vadd.f32 v8, v7;
	v8 =	vmul.f32 v60, v60;
	v62 =	vsub.f32 v58, v61  }
0x123: {  	v63 =	vld [tilespmem:$0xCD00]  }
0x124: {  	v7 =	vadd.f32 v8, v7;
	v8 =	vmul.f32 v62, v62;
	_ =	sdelay $0x1  }
0x125: {  	v7 =	vadd.f32 v8, v7;
	_ =	sdelay $0x1  }
0x126: {  	v7 =	vadd.f32 v63, v7;
	_ =	sdelay $0x1  }
0x127: {  	[tilespmem:$0xCD00] =	vst v7  }
.LBB2_12:
0x128: {  	s1 =	sadd.s32 $0x2, s0  }
0x129: {  	p1 =	sge.u32 s1, s8  }
.Ltmp9:
0x12a: {  	_ = 	snop;
	(pc) =	sbr.rel @p1 .LBB2_16-.Ltmp9, $1  }
0x12b: {  	_ =	sdelay $0x3  }
0x12c: {  	s1 =	sshll.u32 s1, $0x5  }
0x12d: {  	s1 =	sor.u32 s5, s1  }
0x12e: {  	s9 =	smul.u32 $0xA0, s1;
	_ =	sdelay $0x1  }
0x12f: {  	s1 =	simm.s32 $0x0;
	s10 =	sadd.s32 s3, s9  }
0x130: {  	[tilespmem:s1], [sflag:$0x1] =	stream.linear.gather [hbm4b:s10+s1], $0x500, $0x38;
	[tilespmem:$0xCD10] =	vst v63  }
0x131: {  	s11 =	simm.s32 $0xA00;
	s20 =	sadd.s32 s4, s9  }
0x132: {  	[tilespmem:s11], [sflag:$0x1] =	stream.linear.gather [hbm4b:s20+s1], $0x500, $0x38;
	[tilespmem:$0xCD10] =	vst v63  }
0x133: {  	s21 =	simm.s32 $0x1400;
	s9 =	sadd.s32 s6, s9  }
0x134: {  	[tilespmem:s21], [sflag:$0x1] =	stream.linear.gather [hbm4b:s9+s1], $0x500, $0x38;
	[tilespmem:$0xCD10] =	vst v63  }
0x135: {  	_ =	swait.ge [sflag:s23], $0x500  }
0x136: {  	[sflag:s23] =	ssyncset.done $0x0  }
0x137: {  	[sflag:s23] =	ssyncadd.s32 $0xFFFFFB00  }
0x138: {  	_ =	swait.ge [sflag:s23], $0x500  }
0x139: {  	[sflag:s23] =	ssyncset.done $0x0  }
0x13a: {  	[sflag:s23] =	ssyncadd.s32 $0xFFFFFB00  }
0x13b: {  	s22 =	simm.s32 $0x0;
	s10 =	simm.s32 $0x0;
	_ =	swait.ge [sflag:s23], $0x500  }
0x13c: {  	s11 =	sand.u32 $0x70, s1;
	s9 =	sand.u32 $0x3FFFFF00, s22;
	[sflag:s23] =	ssyncset.done $0x0  }
0x13d: {  	s20 =	sor.u32 s11, s9;
	s9 =	simm.s32 $0x1;
	[sflag:s23] =	ssyncadd.s32 $0xFFFFFB00  }
.LBB2_14:
0x13e: {  	p1 =	sne.s32 s9, $0x27;
	v7 =	vld [tilespmem:s20+$0x0]  }
0x13f: {  	s12 =	sshll.u32 s1, $0x4;
	s1 =	smov.u32 s9;
	v8 =	vld [tilespmem:s20+$0x80]  }
0x140: {  	v9 =	vmov s11;
	s11 =	sand.u32 $0xFFFFFF80, s12  }
0x141: {  	v9 =	vor.u32 s11, v9  }
0x142: {  	v10 =	vor.u32 v0, v9  }
0x143: {  	v11 =	vadd.s32 v5, v9;
	v9 =	vor.u32 v1, v9;
	v7 =	vshll.u32 v7, $0xB  }
0x144: {  	v11 =	vor.u32 v3, v11;
	v7 =	vadd.s32 v8, v7;
	v8 =	vand.u32 $0x7, v8  }
0x145: {  	v9 =	vadd.s32 v6, v9;
	vm0 =	veq.s32 v8, $0x7;
	v12 =	vadd.s32 $0xFFFFF800, v7  }
.Ltmp10:
0x146: {  	v13 =	vsel vm0, $0x80000, v4;
	v12 =	vshrl.u32 v12, $0x3;
	(pc) =	sbr.rel @p1 .LBB2_14-.Ltmp10, $4  }
0x147: {  	v7 =	vshrl.u32 v7, $0x3;
	v12 =	vadd.s32 v13, v12  }
0x148: {  	s10 =	sadd.s32 $0x10, s10;
	s12 =	sshll.u32 s9, $0x5;
	v8 =	vshll.u32 v8, $0x1;
	v7 =	vadd.s32 v7, v13;
	[tilespmem:v10+s24+$0x0] =	vst.idx.msk $0xffff, v12  }
0x149: {  	s11 =	sand.u32 $0x70, s10;
	s12 =	sand.u32 $0x3FFFFF00, s12;
	v8 =	vsel vm0, $0x6, v8;
	[tilespmem:v11+s24+$0x0] =	vst.idx.msk $0xffff, v7  }
0x14a: {  	s9 =	sadd.s32 $0x1, s9;
	s20 =	sor.u32 s11, s12;
	[tilespmem:v9+s24+$0x0] =	vst.idx.msk $0xffff, v8  }
0x14b: {  	v7 =	vld [tilespmem:s20+$0x0]  }
0x14c: {  	v8 =	vld [tilespmem:s20+$0x80];
	s1 =	sshll.u32 s1, $0x4  }
0x14d: {  	v9 =	vmov s11;
	s1 =	sand.u32 $0xFFFFFF80, s1  }
0x14e: {  	v9 =	vor.u32 s1, v9  }
0x14f: {  	v10 =	vor.u32 v0, v9  }
0x150: {  	v11 =	vadd.s32 v5, v9;
	v9 =	vor.u32 v1, v9;
	v7 =	vshll.u32 v7, $0xB  }
0x151: {  	v11 =	vor.u32 v3, v11;
	v7 =	vadd.s32 v8, v7;
	v8 =	vand.u32 $0x7, v8  }
0x152: {  	v9 =	vadd.s32 v6, v9;
	vm0 =	veq.s32 v8, $0x7;
	v12 =	vadd.s32 $0xFFFFF800, v7  }
0x153: {  	v13 =	vsel vm0, $0x80000, v4;
	v12 =	vshrl.u32 v12, $0x3  }
0x154: {  	v7 =	vshrl.u32 v7, $0x3;
	v12 =	vadd.s32 v13, v12  }
0x155: {  	v8 =	vshll.u32 v8, $0x1;
	v7 =	vadd.s32 v7, v13;
	[tilespmem:v10+s24+$0x0] =	vst.idx.msk $0xffff, v12  }
0x156: {  	v8 =	vsel vm0, $0x6, v8;
	[tilespmem:v11+s24+$0x0] =	vst.idx.msk $0xffff, v7  }
0x157: {  	[tilespmem:v9+s24+$0x0] =	vst.idx.msk $0xffff, v8  }
0x158: {  	[tilespmem:s26], [sflag:$0x3] =	stream.indirect.gather [hbm4b:s7+s25], $0x10, s24, s25, $0xb8;
	[tilespmem:$0xCD10] =	vst v63  }
0x159: {  	s13 =	simm.s32 $0x1E80;
	s9 =	simm.s32 $0x3500  }
0x15a: {  	[tilespmem:s9], [sflag:$0x3] =	stream.indirect.gather [hbm4b:s7+s25], $0x10, s13, s25, $0xb8;
	[tilespmem:$0xCD10] =	vst v63  }
0x15b: {  	s14 =	simm.s32 $0x1F00;
	s20 =	simm.s32 $0x3D00  }
0x15c: {  	[tilespmem:s20], [sflag:$0x3] =	stream.indirect.gather [hbm4b:s7+s25], $0x10, s14, s25, $0xb8;
	[tilespmem:$0xCD10] =	vst v63  }
0x15d: {  	s21 =	simm.s32 $0x1F80;
	s22 =	simm.s32 $0x4500  }
0x15e: {  	[tilespmem:s22], [sflag:$0x3] =	stream.indirect.gather [hbm4b:s7+s25], $0x10, s21, s25, $0xb8;
	[tilespmem:$0xCD10] =	vst v63  }
0x15f: {  	s10 =	simm.s32 $0x4D00;
	s9 =	simm.s32 $0x2000  }
0x160: {  	[tilespmem:s10], [sflag:$0x3] =	stream.indirect.gather [hbm4b:s7+s25], $0x10, s9, s25, $0xb8;
	[tilespmem:$0xCD10] =	vst v63  }
0x161: {  	s11 =	simm.s32 $0x2080;
	s12 =	simm.s32 $0x5500  }
0x162: {  	[tilespmem:s12], [sflag:$0x3] =	stream.indirect.gather [hbm4b:s7+s25], $0x10, s11, s25, $0xb8;
	[tilespmem:$0xCD10] =	vst v63  }
0x163: {  	s13 =	simm.s32 $0x2100;
	s14 =	simm.s32 $0x5D00  }
0x164: {  	[tilespmem:s14], [sflag:$0x3] =	stream.indirect.gather [hbm4b:s7+s25], $0x10, s13, s25, $0xb8;
	[tilespmem:$0xCD10] =	vst v63  }
0x165: {  	s20 =	simm.s32 $0x2180;
	s21 =	simm.s32 $0x6500  }
0x166: {  	[tilespmem:s21], [sflag:$0x3] =	stream.indirect.gather [hbm4b:s7+s25], $0x10, s20, s25, $0xb8;
	[tilespmem:$0xCD10] =	vst v63  }
0x167: {  	s22 =	simm.s32 $0x2200  }
0x168: {  	[tilespmem:s16], [sflag:$0x3] =	stream.indirect.gather [hbm4b:s7+s25], $0x10, s22, s25, $0xb8;
	[tilespmem:$0xCD10] =	vst v63  }
0x169: {  	_ = 	snop  }
0x16a: {  	[tilespmem:s2], [sflag:$0x3] =	stream.indirect.gather [hbm4b:s7+s25], $0x10, s17, s25, $0xb8;
	[tilespmem:$0xCD10] =	vst v63  }
.LBB2_16:
.Ltmp11:
0x16b: {  	(pc) =	sbr.rel @p0 .LBB2_20-.Ltmp11, $1  }
0x16c: {  	_ =	sdelay $0x3  }
0x16d: {  	_ =	swait.ge [sflag:s30], $0x800  }
0x16e: {  	[sflag:s30] =	ssyncset.done $0x0  }
0x16f: {  	[sflag:s30] =	ssyncadd.s32 $0xFFFFF800  }
0x170: {  	_ =	swait.ge [sflag:s30], $0x800  }
0x171: {  	[sflag:s30] =	ssyncset.done $0x0  }
0x172: {  	[sflag:s30] =	ssyncadd.s32 $0xFFFFF800  }
0x173: {  	_ =	swait.ge [sflag:s30], $0x800  }
0x174: {  	[sflag:s30] =	ssyncset.done $0x0  }
0x175: {  	[sflag:s30] =	ssyncadd.s32 $0xFFFFF800  }
0x176: {  	_ =	swait.ge [sflag:s30], $0x800  }
0x177: {  	[sflag:s30] =	ssyncset.done $0x0  }
0x178: {  	[sflag:s30] =	ssyncadd.s32 $0xFFFFF800  }
0x179: {  	_ =	swait.ge [sflag:s30], $0x800  }
0x17a: {  	[sflag:s30] =	ssyncset.done $0x0  }
0x17b: {  	[sflag:s30] =	ssyncadd.s32 $0xFFFFF800  }
0x17c: {  	_ =	swait.ge [sflag:s30], $0x800  }
0x17d: {  	[sflag:s30] =	ssyncset.done $0x0  }
0x17e: {  	[sflag:s30] =	ssyncadd.s32 $0xFFFFF800  }
0x17f: {  	_ =	swait.ge [sflag:s30], $0x800  }
0x180: {  	s1 =	simm.s32 $0x0;
	[sflag:s30] =	ssyncset.done $0x0  }
0x181: {  	s9 =	simm.s32 $0x0;
	s1 =	sand.u32 $0x70, s1;
	[sflag:s30] =	ssyncadd.s32 $0xFFFFF800  }
0x182: {  	v7 =	vmov s9;
	v8 =	vor.u32 s1, v0;
	_ =	swait.ge [sflag:s30], $0x800  }
0x183: {  	v10 =	vshll.u32 v7, $0x7;
	v9 =	vand.u32 $0x78, v8;
	[sflag:s30] =	ssyncset.done $0x0  }
0x184: {  	v9 =	vor.u32 v9, v10;
	[sflag:s30] =	ssyncadd.s32 $0xFFFFF800  }
0x185: {  	v9 =	vor.u32 v3, v9;
	_ =	swait.ge [sflag:s30], $0x800  }
0x186: {  	v9 =	vadd.s32 $0x500, v9;
	[sflag:s30] =	ssyncset.done $0x0  }
0x187: {  	[sflag:s30] =	ssyncadd.s32 $0xFFFFF800  }
0x188: {  	_ =	swait.ge [sflag:s30], $0x800  }
0x189: {  	s21 =	simm.s32 $0x10;
	[sflag:s30] =	ssyncset.done $0x0  }
0x18a: {  	s22 =	simm.s32 $0x0;
	s1 =	sand.u32 $0x70, s21;
	[sflag:s30] =	ssyncadd.s32 $0xFFFFF800  }
0x18b: {  	v11 =	vor.u32 s1, v0;
	v10 =	vmov s22;
	v9 =	vld.idx.msk [tilespmem:v9+s19+$0x0], $0xffff  }
0x18c: {  	v12 =	vand.u32 $0x78, v11;
	v13 =	vshll.u32 v10, $0x7  }
0x18d: {  	v12 =	vor.u32 v12, v13  }
0x18e: {  	s10 =	simm.s32 $0x0;
	v12 =	vor.u32 v3, v12  }
0x18f: {  	v7 =	vshll.u32 v7, $0xB;
	v8 =	vshll.u32 v8, $0x4;
	s1 =	sand.u32 $0x1, s10;
	v12 =	vadd.s32 $0x500, v12  }
0x190: {  	s12 =	simm.s32 $0x0;
	v7 =	vor.u32 v7, v8;
	v8 =	vadd.s32 s1, v9  }
0x191: {  	v17 =	vmov s12;
	v9 =	vadd.s32 $0x2800, v7;
	v13 =	vadd.s32 $0x2, v8  }
0x192: {  	v14 =	vand.u32 $0xFFFFFFF8, v8;
	v8 =	vand.u32 $0x7, v8;
	v15 =	vand.u32 $0xFFFFFFF8, v13  }
0x193: {  	s11 =	simm.s32 $0x20;
	v16 =	vadd.s32 v7, v15;
	v7 =	vadd.s32 v7, v14;
	v14 =	vadd.s32 v9, v14  }
0x194: {  	v20 =	vshll.u32 v17, $0x7;
	v11 =	vshll.u32 v11, $0x4;
	v12 =	vld.idx.msk [tilespmem:v12+s19+$0x0], $0xffff;
	s1 =	sand.u32 $0x70, s11;
	v14 =	vor.u32 v8, v14  }
0x195: {  	v18 =	vor.u32 s1, v0;
	v13 =	vand.u32 $0x7, v13;
	v21 =	vor.u32 v8, v7  }
0x196: {  	v19 =	vand.u32 $0x78, v18;
	v8 =	vadd.s32 v9, v15;
	v9 =	vor.u32 v13, v16  }
0x197: {  	s13 =	simm.s32 $0x0;
	v10 =	vshll.u32 v10, $0xB;
	v15 =	vor.u32 v19, v20;
	v13 =	vor.u32 v13, v8  }
0x198: {  	v17 =	vshll.u32 v17, $0xB;
	v10 =	vor.u32 v10, v11;
	s1 =	sand.u32 $0x1, s13;
	v8 =	vor.u32 v3, v15  }
0x199: {  	v11 =	vadd.s32 s1, v12;
	v12 =	vshll.u32 v18, $0x4;
	v15 =	vadd.s32 $0x500, v8;
	v8 =	vld.idx.msk [tilespmem:v14+s28+$0x0], $0xffff  }
0x19a: {  	v7 =	vimm.f32 $0.0e+00;
	v16 =	vadd.s32 $0x2, v11;
	v19 =	vand.u32 $0xFFFFFFF8, v11;
	v18 =	vld.idx.msk [tilespmem:v21+s28+$0x0], $0xffff  }
0x19b: {  	v11 =	vand.u32 $0x7, v11;
	v20 =	vand.u32 $0xFFFFFFF8, v16;
	v14 =	vadd.s32 $0x2800, v10;
	v9 =	vld.idx.msk [tilespmem:v9+s28+$0x0], $0xffff  }
0x19c: {  	s14 =	simm.s32 $0x30;
	v21 =	vld.idx.msk [tilespmem:v13+s28+$0x0], $0xffff;
	v13 =	vand.u32 $0x7, v16;
	v16 =	vadd.s32 v10, v20;
	v20 =	vadd.s32 v14, v20  }
0x19d: {  	s20 =	simm.s32 $0x0;
	s1 =	sand.u32 $0x70, s14;
	v10 =	vadd.s32 v10, v19;
	v24 =	vor.u32 v13, v16;
	v22 =	vor.u32 v13, v20  }
0x19e: {  	v13 =	vadd.s32 v14, v19;
	v14 =	vmov s20;
	v16 =	vor.u32 s1, v0  }
0x19f: {  	s21 =	simm.s32 $0x1900;
	v27 =	vor.u32 v11, v10;
	v20 =	vand.u32 $0x78, v16;
	v23 =	vshll.u32 v14, $0x7  }
0x1a0: {  	v26 =	vld [tilespmem:s21+$0x0];
	v16 =	vshll.u32 v16, $0x4;
	v20 =	vor.u32 v20, v23;
	v23 =	vor.u32 v11, v13  }
0x1a1: {  	v28 =	vld.idx.msk [tilespmem:v15+s19+$0x0], $0xffff;
	v11 =	vshll.u32 v14, $0xB;
	v19 =	vmul.f32 $-2.500000000e+00, v8;
	v25 =	vsub.f32 v9, v18  }
0x1a2: {  	v13 =	vor.u32 v3, v20;
	v20 =	vor.u32 v17, v12;
	v10 =	vsub.f32 v8, v21  }
0x1a3: {  	v9 =	vmul.f32 $5.000000000e-01, v9;
	v14 =	vadd.f32 v19, v18;
	v19 =	vadd.f32 v21, v21  }
0x1a4: {  	s22 =	simm.s32 $0x0;
	v13 =	vadd.s32 $0x500, v13;
	v25 =	vmul.f32 $5.000000000e-01, v25;
	v12 =	vmul.f32 $1.500000000e+00, v10  }
0x1a5: {  	s1 =	sand.u32 $0x1, s22;
	v18 =	vsub.f32 v21, v18;
	v15 =	vld.idx.msk [tilespmem:v22+s28+$0x0], $0xffff;
	v22 =	vadd.s32 $0x2800, v20;
	v14 =	vadd.f32 v19, v14  }
0x1a6: {  	v10 =	vsub.f32 v26, v8;
	v19 =	vadd.f32 v12, v25;
	v12 =	vadd.s32 s1, v28  }
0x1a7: {  	v17 =	vmul.f32 $5.000000000e-01, v18;
	v21 =	vsub.f32 v14, v9;
	v14 =	vadd.s32 $0x2, v12;
	v9 =	vld.idx.msk [tilespmem:v23+s28+$0x0], $0xffff  }
0x1a8: {  	v26 =	vand.u32 $0xFFFFFFF8, v12;
	v23 =	vand.u32 $0x7, v12;
	v12 =	vld.idx.msk [tilespmem:v27+s28+$0x0], $0xffff;
	v18 =	vand.u32 $0xFFFFFFF8, v14  }
0x1a9: {  	s9 =	simm.s32 $0x40;
	s21 =	simm.s32 $0x1910;
	s11 =	simm.s32 $0x4;
	v25 =	vand.u32 $0x7, v14;
	v14 =	vld.idx.msk [tilespmem:v24+s28+$0x0], $0xffff;
	v27 =	vadd.s32 v20, v18;
	v63 =	vadd.s32 v22, v18  }
0x1aa: {  	s20 =	simm.s32 $0xF00;
	s22 =	simm.s32 $0x3;
	s1 =	simm.s32 $0xF10;
	v24 =	vmul.f32 v10, v19;
	v18 =	vor.u32 v25, v27;
	v25 =	vor.u32 v25, v63;
	v19 =	vmovc v15  }
.LBB2_18:
0x1ab: {  	v27 =	vmov v15;
	s12 =	sshrl.u32 s11, $0x4  }
0x1ac: {  	s13 =	sand.u32 $0x70, s9;
	v15 =	vadd.s32 v20, v26;
	v20 =	vadd.s32 v22, v26;
	v22 =	vmul.f32 $-2.500000000e+00, v9;
	s14 =	smov.u32 s11;
	s10 =	sadd.s32 $0x1, s11  }
0x1ad: {  	p0 =	sne.s32 s11, $0x4F;
	v21 =	vadd.f32 v24, v21;
	v26 =	vmov s12;
	v28 =	vor.u32 s13, v0  }
0x1ae: {  	v30 =	vsub.f32 v14, v12;
	v24 =	vand.u32 $0x78, v28;
	v29 =	vshll.u32 v26, $0x7;
	v31 =	vld [tilespmem:s20+$0x0];
	s20 =	smov.u32 s1  }
0x1af: {  	v24 =	vor.u32 v24, v29;
	v29 =	vor.u32 v23, v20;
	v20 =	vmul.f32 v21, v10;
	v32 =	vld [tilespmem:s21+$0x0]  }
0x1b0: {  	v23 =	vor.u32 v23, v15;
	v21 =	vor.u32 v3, v24;
	v24 =	vsub.f32 v9, v19;
	v15 =	vld.idx.msk [tilespmem:v25+s28+$0x0], $0xffff  }
0x1b1: {  	v17 =	vadd.f32 v20, v17;
	v25 =	vld.idx.msk [tilespmem:v13+s19+$0x0], $0xffff;
	v13 =	vadd.s32 $0x500, v21;
	v21 =	vmul.f32 $5.000000000e-01, v30  }
0x1b2: {  	v27 =	vadd.f32 v27, v19;
	v26 =	vshll.u32 v26, $0xB;
	v22 =	vadd.f32 v22, v12;
	s21 =	sadd.s32 $0x10, s21  }
0x1b3: {  	v28 =	vshll.u32 v28, $0x4;
	v30 =	vsub.f32 v19, v12;
	v10 =	vmul.f32 v17, v10  }
0x1b4: {  	v20 =	vor.u32 v11, v16;
	v11 =	vmovc v26;
	v17 =	vmul.f32 $1.500000000e+00, v24;
	v24 =	vadd.f32 v27, v22;
	v29 =	vld.idx.msk [tilespmem:v29+s28+$0x0], $0xffff  }
0x1b5: {  	s11 =	sshrl.u32 s22, $0x3;
	v14 =	vmul.f32 $5.000000000e-01, v14;
	s22 =	smov.u32 s14;
	v16 =	vmovc v28;
	v22 =	vadd.s32 $0x2800, v20;
	v12 =	vld.idx.msk [tilespmem:v23+s28+$0x0], $0xffff;
	v23 =	vadd.f32 v10, v8;
	v8 =	vmovc v9  }
0x1b6: {  	s11 =	sand.u32 $0x1, s11;
	v9 =	vadd.f32 v17, v21;
	v17 =	vmul.f32 $5.000000000e-01, v30;
	v19 =	vmovc v15;
	v10 =	vsub.f32 v32, v8  }
.Ltmp12:
0x1b7: {  	v21 =	vsub.f32 v24, v14;
	v25 =	vadd.s32 s11, v25;
	v24 =	vsub.f32 v31, v23;
	(pc) =	sbr.rel @p0 .LBB2_18-.Ltmp12, $4  }
0x1b8: {  	v27 =	vadd.s32 $0x2, v25;
	v26 =	vand.u32 $0xFFFFFFF8, v25;
	v23 =	vand.u32 $0x7, v25;
	v14 =	vld.idx.msk [tilespmem:v18+s28+$0x0], $0xffff  }
0x1b9: {  	v18 =	vand.u32 $0xFFFFFFF8, v27;
	v25 =	vand.u32 $0x7, v27;
	v27 =	vmul.f32 v24, v24  }
0x1ba: {  	v28 =	vadd.s32 v20, v18;
	v30 =	vadd.s32 v22, v18;
	v24 =	vmul.f32 v10, v9;
	v9 =	vmovc v29  }
0x1bb: {  	s9 =	sadd.s32 $0x10, s9;
	s1 =	sadd.s32 $0x10, s1;
	s11 =	smov.u32 s10;
	v18 =	vor.u32 v25, v28;
	v25 =	vor.u32 v25, v30;
	v7 =	vadd.f32 v27, v7  }
0x1bc: {  	_ =	sdelay $0x3  }
0x1bd: {  	v13 =	vld.idx.msk [tilespmem:v13+s19+$0x0], $0xffff;
	_ =	sdelay $0x2  }
0x1be: {  	s9 =	sshrl.u32 s22, $0x3  }
0x1bf: {  	v22 =	vadd.s32 v22, v26;
	v20 =	vadd.s32 v20, v26;
	s9 =	sand.u32 $0x1, s9  }
0x1c0: {  	v11 =	vor.u32 v11, v16;
	v22 =	vor.u32 v23, v22;
	v13 =	vadd.s32 s9, v13  }
0x1c1: {  	v20 =	vor.u32 v23, v20;
	v56 =	vadd.s32 $0x2800, v11;
	v28 =	vand.u32 $0xFFFFFFF8, v13  }
0x1c2: {  	v27 =	vld [tilespmem:s21+$0x0];
	v55 =	vadd.s32 $0x2, v13;
	v13 =	vand.u32 $0x7, v13;
	v23 =	vadd.s32 v56, v28  }
0x1c3: {  	v25 =	vld.idx.msk [tilespmem:v25+s28+$0x0], $0xffff;
	v57 =	vand.u32 $0xFFFFFFF8, v55;
	v28 =	vadd.s32 v11, v28;
	v23 =	vor.u32 v13, v23  }
0x1c4: {  	v18 =	vld.idx.msk [tilespmem:v18+s28+$0x0], $0xffff;
	v16 =	vand.u32 $0x7, v55;
	v29 =	vadd.s32 v56, v57;
	v13 =	vor.u32 v13, v28  }
0x1c5: {  	v22 =	vld.idx.msk [tilespmem:v22+s28+$0x0], $0xffff;
	v11 =	vadd.s32 v11, v57;
	v29 =	vor.u32 v16, v29  }
0x1c6: {  	v21 =	vadd.f32 v24, v21;
	v58 =	vmul.f32 $-2.500000000e+00, v9;
	s21 =	sadd.s32 $0x10, s21;
	v20 =	vld.idx.msk [tilespmem:v20+s28+$0x0], $0xffff;
	v11 =	vor.u32 v16, v11  }
0x1c7: {  	v60 =	vsub.f32 v9, v19;
	v15 =	vadd.f32 v15, v19;
	v61 =	vld [tilespmem:s21+$0x0]  }
0x1c8: {  	v59 =	vsub.f32 v14, v12;
	v24 =	vadd.f32 v58, v12;
	v63 =	vld.idx.msk [tilespmem:v23+s28+$0x0], $0xffff  }
0x1c9: {  	v62 =	vsub.f32 v19, v12;
	v38 =	vmul.f32 $5.000000000e-01, v14;
	v35 =	vmul.f32 $1.500000000e+00, v60;
	v13 =	vld.idx.msk [tilespmem:v13+s28+$0x0], $0xffff  }
0x1ca: {  	v15 =	vadd.f32 v15, v24;
	v33 =	vsub.f32 v27, v9;
	v16 =	vmul.f32 $5.000000000e-01, v59;
	v29 =	vld.idx.msk [tilespmem:v29+s28+$0x0], $0xffff  }
0x1cb: {  	v34 =	vmul.f32 $-2.500000000e+00, v22;
	v36 =	vsub.f32 v18, v20;
	v37 =	vsub.f32 v22, v25;
	v11 =	vld.idx.msk [tilespmem:v11+s28+$0x0], $0xffff  }
0x1cc: {  	v21 =	vmul.f32 v21, v10;
	v30 =	vadd.f32 v25, v25;
	v16 =	vadd.f32 v35, v16  }
0x1cd: {  	s9 =	sadd.s32 $0x10, s21;
	v23 =	vadd.f32 v34, v20;
	v39 =	vmul.f32 $5.000000000e-01, v36;
	v40 =	vmul.f32 $1.500000000e+00, v37  }
0x1ce: {  	v12 =	vmul.f32 $5.000000000e-01, v62;
	v14 =	vsub.f32 v15, v38;
	v44 =	vld [tilespmem:s9+$0x0];
	v42 =	vsub.f32 v61, v22  }
0x1cf: {  	v16 =	vmul.f32 v33, v16;
	v41 =	vadd.f32 v30, v23;
	v24 =	vadd.f32 v40, v39  }
0x1d0: {  	v43 =	vmul.f32 $-2.500000000e+00, v63;
	v45 =	vsub.f32 v11, v13;
	v46 =	vsub.f32 v63, v29  }
0x1d1: {  	v18 =	vmul.f32 $5.000000000e-01, v18;
	v14 =	vadd.f32 v16, v14;
	v31 =	vadd.f32 v29, v29  }
0x1d2: {  	v26 =	vadd.f32 v43, v13;
	v47 =	vmul.f32 $5.000000000e-01, v45;
	v48 =	vmul.f32 $1.500000000e+00, v46  }
0x1d3: {  	v15 =	vsub.f32 v41, v18;
	v24 =	vmul.f32 v42, v24;
	v50 =	vsub.f32 v44, v63  }
0x1d4: {  	v11 =	vmul.f32 $5.000000000e-01, v11;
	v49 =	vadd.f32 v31, v26;
	v16 =	vadd.f32 v48, v47  }
0x1d5: {  	v17 =	vadd.f32 v21, v17;
	v20 =	vsub.f32 v25, v20;
	v14 =	vmul.f32 v14, v33  }
0x1d6: {  	v51 =	vld [tilespmem:s20+$0x0];
	v15 =	vadd.f32 v24, v15;
	v11 =	vsub.f32 v49, v11;
	v16 =	vmul.f32 v50, v16  }
0x1d7: {  	v52 =	vmul.f32 v17, v10;
	v53 =	vmul.f32 $5.000000000e-01, v20;
	v12 =	vadd.f32 v14, v12  }
0x1d8: {  	v13 =	vsub.f32 v29, v13;
	v15 =	vmul.f32 v15, v42;
	v11 =	vadd.f32 v16, v11  }
0x1d9: {  	v54 =	vld [tilespmem:s1+$0x0];
	v8 =	vadd.f32 v52, v8;
	v12 =	vmul.f32 v12, v33  }
0x1da: {  	s22 =	sadd.s32 $0x10, s1;
	v13 =	vmul.f32 $5.000000000e-01, v13;
	v14 =	vadd.f32 v15, v53;
	v11 =	vmul.f32 v11, v50  }
0x1db: {  	v55 =	vld [tilespmem:s22+$0x0];
	v8 =	vsub.f32 v51, v8  }
0x1dc: {  	s1 =	sadd.s32 $0x10, s22;
	v56 =	vadd.f32 v12, v9;
	v57 =	vmul.f32 v14, v42;
	v11 =	vadd.f32 v11, v13  }
0x1dd: {  	v58 =	vld [tilespmem:s1+$0x0];
	v8 =	vmul.f32 v8, v8  }
0x1de: {  	v9 =	vsub.f32 v54, v56;
	v59 =	vadd.f32 v57, v22;
	v11 =	vmul.f32 v11, v50  }
0x1df: {  	v7 =	vadd.f32 v8, v7  }
0x1e0: {  	v8 =	vmul.f32 v9, v9;
	v60 =	vsub.f32 v55, v59;
	v61 =	vadd.f32 v11, v63;
	_ =	sdelay $0x1  }
0x1e1: {  	v7 =	vadd.f32 v8, v7;
	v8 =	vmul.f32 v60, v60;
	v62 =	vsub.f32 v58, v61  }
0x1e2: {  	v63 =	vld [tilespmem:$0xCD00]  }
0x1e3: {  	v7 =	vadd.f32 v8, v7;
	v8 =	vmul.f32 v62, v62;
	_ =	sdelay $0x1  }
.Ltmp13:
0x1e4: {  	v7 =	vadd.f32 v8, v7;
	(pc) =	sbr.rel .LBB2_20-.Ltmp13, $3  }
0x1e5: {  	_ = 	snop  }
0x1e6: {  	v7 =	vadd.f32 v63, v7;
	_ =	sdelay $0x1  }
0x1e7: {  	[tilespmem:$0xCD00] =	vst v7  }
.LBB2_22:
0x1e8: {  	_ =	sfence.sel $0x180000  }
0x1e9: {  	[bflag:$0x0] =	sbarrier.arrive $0xFFFF  }
0x1ea: {  	_ =	strace $0x9000004A  }
0x1eb: {  	s0 =	stileid.u32;
	[bflag:$0x2] =	sbarrier.arrive $0xFFFF  }
0x1ec: {  	p0 =	sne.s32 s0, $0x0;
	s0 =	rddreg [dreg:$0x1]  }
0x1ed: {  	s0 =	sadd.s32 @!p0 $0x100000, s0  }
0x1ee: {  	[sflag:s0] =	ssyncadd.tile.s32 @!p0 $0x1;
	_ =	shalt  }
.Lfunc_end2:
_tile_overlayer_lowered:
.L_overlay_start_2:
0x1ef: {  	(tag) =	ssettag $0x2  }
0x1f0: {  	s0 =	rddreg [dreg:$0x0];
	s2 =	stileid.u32  }
0x1f1: {  	s1 =	rddreg [dreg:$0x1];
	p0 =	sne.s32 s2, $0x0  }
0x1f2: {  	s3 =	rddreg [dreg:$0x2];
	[bflag:$0x3] =	sbarrier.arrive $0xFFFF;
	s2 =	simm.s32 @!p0 $0x1C05  }
0x1f3: {  	[timem:s3], [sflag:s2] =	dma.local @!p0 [hbm:s0], s1  }
0x1f4: {  	s0 =	simm.s32 @!p0 $0x5  }
0x1f5: {  	_ =	swait.ge @!p0 [sflag:s0], s1  }
0x1f6: {  	s1 =	ssub.s32 @!p0 $0x0, s1;
	[sflag:s0] =	ssyncset.done @!p0 $0x0  }
0x1f7: {  	[sflag:s0] =	ssyncadd.s32 @!p0 s1  }
0x1f8: {  	[bflag:$0x3] =	sbarrier.arrive $0xFFFF  }
0x1f9: {  	_ =	shalt  }

</sc_bundles>
